<compile_context>
chip_gen: v7x
topology: tpu7x:2x2x1
jax: 0.10.2.dev20260603
libtpu: 0.0.44.dev20260713+nightly
codegen_flags: <defaults>
</compile_context>

<pallas_src>
import functools

import jax
import jax.numpy as jnp
from jax import lax
from jax.experimental import pallas as pl
from jax.experimental.pallas import tpu as pltpu
from jax.experimental.pallas import tpu_sc as plsc

N = 10000
NP = 10240
E = 320000
D = 128
NC = 2
NS = 16
NW = NC * NS
EPW = E // NW
CH = 80
NCHUNK = EPW // CH
RPT = NP // NS

@functools.cache
def _make_agg(xr):
  mesh = plsc.VectorSubcoreMesh(core_axis_name="c", subcore_axis_name="s")

  @functools.partial(
      pl.kernel,
      out_type=jax.ShapeDtypeStruct((NC, NP, D), jnp.float32),
      mesh=mesh,
      scratch_types=[
          pltpu.VMEM((EPW,), jnp.int32),
          pltpu.VMEM((EPW,), jnp.int32),
          pltpu.VMEM((CH, D), jnp.float32),
          pltpu.VMEM((CH, D), jnp.float32),
          pltpu.VMEM_SHARED((NP, D), jnp.float32),
          pltpu.SemaphoreType.DMA,
          pltpu.SemaphoreType.DMA,
          pltpu.SemaphoreType.DMA,
          pltpu.SemaphoreType.DMA,
      ],
  )
  def _agg(x_hbm, ei_hbm, zero_hbm, out_hbm, src_v, dst_v, rows_a,
           rows_b, acc_sh, sem_ga, sem_gb, sem_sa, sem_sb):
    c = lax.axis_index("c")
    s = lax.axis_index("s")
    w = c * NS + s
    pltpu.sync_copy(ei_hbm.at[0, w], src_v)
    pltpu.sync_copy(ei_hbm.at[1, w], dst_v)
    @pl.when(s < NS - 1)
    def _():
      pltpu.sync_copy(zero_hbm.at[pl.ds(s * 632, 632)],
                      acc_sh.at[pl.ds(s * 632, 632)])

    @pl.when(s == NS - 1)
    def _():
      pltpu.sync_copy(zero_hbm.at[pl.ds(15 * 632, 520)],
                      acc_sh.at[pl.ds(15 * 632, 520)])

    plsc.subcore_barrier()

    HC = CH // 2

    def fire_gather(j, buf, sem):
      pltpu.async_copy(x_hbm.at[src_v.at[pl.ds(j * CH, HC)]],
                       buf.at[pl.ds(0, HC)], sem)
      pltpu.async_copy(x_hbm.at[src_v.at[pl.ds(j * CH + HC, HC)]],
                       buf.at[pl.ds(HC, HC)], sem)

    def wait_gather(j, buf, sem):
      pltpu.make_async_copy(x_hbm.at[src_v.at[pl.ds(j * CH, HC)]],
                            buf.at[pl.ds(0, HC)], sem).wait()
      pltpu.make_async_copy(x_hbm.at[src_v.at[pl.ds(j * CH + HC, HC)]],
                            buf.at[pl.ds(HC, HC)], sem).wait()

    fire_gather(0, rows_a, sem_ga)
    fire_gather(1, rows_b, sem_gb)

    def body(i, carry):
      j0 = 2 * i
      wait_gather(j0, rows_a, sem_ga)
      pltpu.async_copy(rows_a, acc_sh.at[dst_v.at[pl.ds(j0 * CH, CH)]], sem_sa, add=True)
      wait_gather(j0 + 1, rows_b, sem_gb)
      pltpu.async_copy(rows_b, acc_sh.at[dst_v.at[pl.ds((j0 + 1) * CH, CH)]], sem_sb, add=True)

      @pl.when(j0 + 2 < NCHUNK)
      def _():
        pltpu.make_async_copy(rows_a, acc_sh.at[dst_v.at[pl.ds(j0 * CH, CH)]], sem_sa).wait()
        fire_gather(j0 + 2, rows_a, sem_ga)

      @pl.when(j0 + 3 < NCHUNK)
      def _():
        pltpu.make_async_copy(rows_b, acc_sh.at[dst_v.at[pl.ds((j0 + 1) * CH, CH)]],
                              sem_sb).wait()
        fire_gather(j0 + 3, rows_b, sem_gb)

      return carry

    lax.fori_loop(0, NCHUNK // 2, body, 0)
    wait_gather(NCHUNK - 1, rows_a, sem_ga)
    pltpu.async_copy(rows_a, acc_sh.at[dst_v.at[pl.ds((NCHUNK - 1) * CH, CH)]], sem_sa, add=True)
    pltpu.make_async_copy(rows_a, acc_sh.at[dst_v.at[pl.ds((NCHUNK - 1) * CH, CH)]],
                          sem_sa).wait()
    pltpu.make_async_copy(rows_b, acc_sh.at[dst_v.at[pl.ds((NCHUNK - 2) * CH, CH)]],
                          sem_sb).wait()
    plsc.subcore_barrier()

    @pl.when(s < NS - 1)
    def _():
      pltpu.sync_copy(acc_sh.at[pl.ds(s * 632, 632)],
                      out_hbm.at[c].at[pl.ds(s * 632, 632)])

    @pl.when(s == NS - 1)
    def _():
      pltpu.sync_copy(acc_sh.at[pl.ds(15 * 632, 520)],
                      out_hbm.at[c].at[pl.ds(15 * 632, 520)])

  return _agg


@functools.cache
def _make_hist():
  mesh = plsc.VectorSubcoreMesh(core_axis_name="c", subcore_axis_name="s")
  NBR = NP // D

  @functools.partial(
      pl.kernel,
      out_type=jax.ShapeDtypeStruct((NC, NBR, D), jnp.float32),
      mesh=mesh,
      compiler_params=pltpu.CompilerParams(needs_layout_passes=False),
      scratch_types=[
          pltpu.VMEM((EPW,), jnp.int32),
          pltpu.VMEM((NBR, D), jnp.float32),
          pltpu.VMEM((NBR,), jnp.int32),
          pltpu.VMEM_SHARED((NBR, D), jnp.float32),
      ],
  )
  def _hist(ei_hbm, zero_hbm, out_hbm, dst_v, h_v, rows_v, acc_sh):
    c = lax.axis_index("c")
    s = lax.axis_index("s")
    w = c * NS + s
    pltpu.sync_copy(ei_hbm.at[1, w], dst_v)
    pltpu.sync_copy(zero_hbm.at[pl.ds(0, NBR)], h_v)

    @pl.when(s == 0)
    def _():
      pltpu.sync_copy(zero_hbm.at[pl.ds(0, NBR)], acc_sh)

    def iotas(k, carry):
      rows_v[pl.ds(k * 16, 16)] = lax.iota(jnp.int32, 16) + k * 16
      return carry

    lax.fori_loop(0, NBR // 16, iotas, 0)
    ones = jnp.ones((16,), jnp.float32)

    def body(i, carry):
      ix = dst_v[pl.ds(i * 16, 16)]
      plsc.addupdate_scatter(h_v, [ix >> 7, ix & 127], ones)
      return carry

    lax.fori_loop(0, EPW // 16, body, 0)
    plsc.subcore_barrier()
    pltpu.sync_copy(h_v, acc_sh.at[rows_v], add=True)
    plsc.subcore_barrier()

    @pl.when(s == 0)
    def _():
      pltpu.sync_copy(acc_sh, out_hbm.at[c])

  return _hist


BT = 1024


def _layer_body(p_ref, cb_ref, x_ref, wl_ref, bl_ref, wr_ref, o_ref, *, relu):
    nbr = BT // D
    cnt = cb_ref[0] + cb_ref[1]
    tiled = jnp.tile(cnt.T, (nbr, 1))
    rsel = jax.lax.broadcasted_iota(jnp.int32, (BT, nbr), 0) // D
    csel = jax.lax.broadcasted_iota(jnp.int32, (BT, nbr), 1)
    cnt_col = jnp.sum(jnp.where(rsel == csel, tiled, 0.0), axis=1,
                      keepdims=True)
    inv = 1.0 / jnp.maximum(cnt_col, 1.0)
    mean = (p_ref[0] + p_ref[1]) * inv
    h = jnp.dot(mean, wl_ref[...], preferred_element_type=jnp.float32)
    h = h + bl_ref[...]
    h = h + jnp.dot(x_ref[...], wr_ref[...], preferred_element_type=jnp.float32)
    if relu:
        h = jnp.maximum(h, 0.0)
    o_ref[...] = h


def _layer(p, cb, x, Wl, bl, Wr, relu, out_rows=NP):
    return pl.pallas_call(
        functools.partial(_layer_body, relu=relu),
        out_shape=jax.ShapeDtypeStruct((out_rows, D), jnp.float32),
        grid=(NP // BT,),
        in_specs=[
            pl.BlockSpec((NC, BT, D), lambda i: (0, i, 0)),
            pl.BlockSpec((NC, BT // D, D), lambda i: (0, i, 0)),
            pl.BlockSpec((BT, D), lambda i: (i, 0)),
            pl.BlockSpec((D, D), lambda i: (0, 0)),
            pl.BlockSpec((1, D), lambda i: (0, 0)),
            pl.BlockSpec((D, D), lambda i: (0, 0)),
        ],
        out_specs=pl.BlockSpec((BT, D), lambda i: (i, 0)),
    )(p, cb, x, Wl, bl.reshape(1, D), Wr)


def kernel(x, edge_index, Wl0, bl0, Wr0, Wl1, bl1, Wr1, Wl2, bl2, Wr2):
    ei = edge_index.reshape(2, NW, EPW)
    zeros = jnp.zeros((NP, D), jnp.float32)

    cb = _make_hist()(ei, zeros)

    h = x
    for li, (Wl, bl, Wr, relu) in enumerate(((Wl0, bl0, Wr0, True),
                                             (Wl1, bl1, Wr1, True),
                                             (Wl2, bl2, Wr2, False))):
        p = _make_agg(h.shape[0])(h, ei, zeros)
        h = _layer(p, cb, h, Wl, bl, Wr, relu,
                   out_rows=N if li == 2 else NP)
    return h

# --- scband reference (transcript-rebuilt; emitter-appended) ---
"""Pipeline reference for scband-hetero-gnn-28183575396530 (READ-ONLY COPY).

The authoritative reference and input builder live on the scoring server;
editing this copy changes nothing except your own understanding.
"""

import jax, jax.numpy as jnp
import numpy as np

N = 10000
E = 320000
D_IN = 128
D_HID = 128
D_OUT = 128


def _sage(x, src, dst, Wl, bl, Wr):
    # PyG SAGEConv (aggr='mean'): out = lin_l(mean_{j in N(i)} x_j) + lin_r(x_i)
    msgs = jnp.take(x, src, axis=0)
    summed = jax.ops.segment_sum(msgs, dst, num_segments=x.shape[0])
    cnt = jax.ops.segment_sum(jnp.ones((src.shape[0],), x.dtype), dst, num_segments=x.shape[0])
    mean = summed / jnp.maximum(cnt, 1.0)[:, None]
    return mean @ Wl + bl + x @ Wr


def setup_inputs(seed: int = 0) -> dict:
    key = jax.random.key(seed)
    ks = jax.random.split(key, 12)
    x = jax.random.normal(ks[0], (N, D_IN), jnp.float32)
    edge_index = jax.random.randint(ks[1], (2, E), 0, N, dtype=jnp.int32)
    dims = [(D_IN, D_HID), (D_HID, D_HID), (D_HID, D_OUT)]
    inp = {"x": x, "edge_index": edge_index}
    for i, (di, do) in enumerate(dims):
        s = 1.0 / np.sqrt(di)
        inp[f"Wl{i}"] = jax.random.uniform(ks[2 + 3 * i], (di, do), jnp.float32, -s, s)
        inp[f"bl{i}"] = jax.random.uniform(ks[3 + 3 * i], (do,), jnp.float32, -s, s)
        inp[f"Wr{i}"] = jax.random.uniform(ks[4 + 3 * i], (di, do), jnp.float32, -s, s)
    return inp


def reference(x, edge_index, Wl0, bl0, Wr0, Wl1, bl1, Wr1, Wl2, bl2, Wr2):
    # HeteroGNN with a single node type and single edge type ('node','to','node').
    # HeteroConv aggr='sum' over one edge type is the identity wrapper around SAGEConv.
    src = edge_index[0]
    dst = edge_index[1]
    h = jax.nn.relu(_sage(x, src, dst, Wl0, bl0, Wr0))
    h = jax.nn.relu(_sage(h, src, dst, Wl1, bl1, Wr1))
    out = _sage(h, src, dst, Wl2, bl2, Wr2)
    return out

if __name__ == "__main__":
    import jax
    _d = setup_inputs()
    print(jax.jit(kernel)(*tuple(_d.values())))

</pallas_src>

<mosaic_0001>
#map = affine_map<(d0, d1) -> (0, 0)>
#map1 = affine_map<(d0, d1) -> (0, 0, 0)>
module attributes {stable_mosaic.version = 14 : i64} {
  func.func @_agg(%arg0: i32, %arg1: i32, %arg2: memref<10000x128xf32, #tpu.memory_space<hbm>>, %arg3: memref<2x32x10000xi32, #tpu.memory_space<hbm>>, %arg4: memref<10240x128xf32, #tpu.memory_space<hbm>>, %arg5: memref<2x10240x128xf32, #tpu.memory_space<hbm>>, %arg6: memref<10000xi32, #tpu.memory_space<vmem>>, %arg7: memref<10000xi32, #tpu.memory_space<vmem>>, %arg8: memref<80x128xf32, #tpu.memory_space<vmem>>, %arg9: memref<80x128xf32, #tpu.memory_space<vmem>>, %arg10: memref<10240x128xf32, #tpu.memory_space<vmem_shared>>, %arg11: memref<!tpu.dma_semaphore, #tpu.memory_space<semaphore_mem>>, %arg12: memref<!tpu.dma_semaphore, #tpu.memory_space<semaphore_mem>>, %arg13: memref<!tpu.dma_semaphore, #tpu.memory_space<semaphore_mem>>, %arg14: memref<!tpu.dma_semaphore, #tpu.memory_space<semaphore_mem>>) attributes {dimension_semantics = [#tpu.dimension_semantics<core_parallel>, #tpu.dimension_semantics<subcore_parallel>], iteration_bounds = array<i64: 2, 16>, scalar_prefetch = 0 : i64, scratch_operands = 9 : i64, tpu.core_type = #tpu.core_type<sc_vector_subcore>, window_params = [{transform_indices = #map}, {transform_indices = #map1}, {transform_indices = #map}, {transform_indices = #map1}]} {
    %mul3A = arith.constant 16 : i32
    %mul3A_0 = arith.muli %arg0, %mul3A : i32
    %add3A = arith.addi %mul3A_0, %arg1 : i32
    %run_scoped3A = arith.constant 0 : i32
    "tpu.region"() ({
      %run_scoped3A_85 = tpu.sem_alloc : memref<!tpu.dma_semaphore, #tpu.memory_space<semaphore_mem>>
      %dma_start3A_86 = arith.constant 0 : i32
      %dma_start3A_87 = tpu.memref_slice %arg3[%run_scoped3A, %add3A, %dma_start3A_86] : memref<2x32x10000xi32, #tpu.memory_space<hbm>> -> memref<1x1x10000xi32, #tpu.memory_space<hbm>>
      %dma_start3A_88 = tpu.memref_squeeze %dma_start3A_87 : memref<1x1x10000xi32, #tpu.memory_space<hbm>> -> memref<10000xi32, #tpu.memory_space<hbm>>
      %dma_start3A_89 = arith.constant 0 : i32
      %dma_start3A_90 = tpu.memref_slice %arg3[%run_scoped3A, %add3A, %dma_start3A_89] : memref<2x32x10000xi32, #tpu.memory_space<hbm>> -> memref<1x1x10000xi32, #tpu.memory_space<hbm>>
      %dma_start3A_91 = tpu.memref_squeeze %dma_start3A_90 : memref<1x1x10000xi32, #tpu.memory_space<hbm>> -> memref<10000xi32, #tpu.memory_space<hbm>>
      tpu.enqueue_dma source(%dma_start3A_91 : memref<10000xi32, #tpu.memory_space<hbm>>) target(%arg6 : memref<10000xi32, #tpu.memory_space<vmem>>) target_semaphore(%run_scoped3A_85 : memref<!tpu.dma_semaphore, #tpu.memory_space<semaphore_mem>>)
      %dma_wait3A_92 = arith.constant 0 : i32
      %dma_wait3A_93 = tpu.memref_slice %arg3[%run_scoped3A, %add3A, %dma_wait3A_92] : memref<2x32x10000xi32, #tpu.memory_space<hbm>> -> memref<1x1x10000xi32, #tpu.memory_space<hbm>>
      %dma_wait3A_94 = tpu.memref_squeeze %dma_wait3A_93 : memref<1x1x10000xi32, #tpu.memory_space<hbm>> -> memref<10000xi32, #tpu.memory_space<hbm>>
      %dma_wait3A_95 = arith.constant 0 : i32
      %dma_wait3A_96 = tpu.memref_slice %arg3[%run_scoped3A, %add3A, %dma_wait3A_95] : memref<2x32x10000xi32, #tpu.memory_space<hbm>> -> memref<1x1x10000xi32, #tpu.memory_space<hbm>>
      %dma_wait3A_97 = tpu.memref_squeeze %dma_wait3A_96 : memref<1x1x10000xi32, #tpu.memory_space<hbm>> -> memref<10000xi32, #tpu.memory_space<hbm>>
      tpu.wait_dma2 semaphore(%run_scoped3A_85 : memref<!tpu.dma_semaphore, #tpu.memory_space<semaphore_mem>>) src(%dma_wait3A_97 : memref<10000xi32, #tpu.memory_space<hbm>>) dst(%arg6 : memref<10000xi32, #tpu.memory_space<vmem>>)
      tpu.yield
    }) : () -> ()
    %run_scoped3A_1 = arith.constant 1 : i32
    "tpu.region"() ({
      %run_scoped3A_85 = tpu.sem_alloc : memref<!tpu.dma_semaphore, #tpu.memory_space<semaphore_mem>>
      %dma_start3A_86 = arith.constant 0 : i32
      %dma_start3A_87 = tpu.memref_slice %arg3[%run_scoped3A_1, %add3A, %dma_start3A_86] : memref<2x32x10000xi32, #tpu.memory_space<hbm>> -> memref<1x1x10000xi32, #tpu.memory_space<hbm>>
      %dma_start3A_88 = tpu.memref_squeeze %dma_start3A_87 : memref<1x1x10000xi32, #tpu.memory_space<hbm>> -> memref<10000xi32, #tpu.memory_space<hbm>>
      %dma_start3A_89 = arith.constant 0 : i32
      %dma_start3A_90 = tpu.memref_slice %arg3[%run_scoped3A_1, %add3A, %dma_start3A_89] : memref<2x32x10000xi32, #tpu.memory_space<hbm>> -> memref<1x1x10000xi32, #tpu.memory_space<hbm>>
      %dma_start3A_91 = tpu.memref_squeeze %dma_start3A_90 : memref<1x1x10000xi32, #tpu.memory_space<hbm>> -> memref<10000xi32, #tpu.memory_space<hbm>>
      tpu.enqueue_dma source(%dma_start3A_91 : memref<10000xi32, #tpu.memory_space<hbm>>) target(%arg7 : memref<10000xi32, #tpu.memory_space<vmem>>) target_semaphore(%run_scoped3A_85 : memref<!tpu.dma_semaphore, #tpu.memory_space<semaphore_mem>>)
      %dma_wait3A_92 = arith.constant 0 : i32
      %dma_wait3A_93 = tpu.memref_slice %arg3[%run_scoped3A_1, %add3A, %dma_wait3A_92] : memref<2x32x10000xi32, #tpu.memory_space<hbm>> -> memref<1x1x10000xi32, #tpu.memory_space<hbm>>
      %dma_wait3A_94 = tpu.memref_squeeze %dma_wait3A_93 : memref<1x1x10000xi32, #tpu.memory_space<hbm>> -> memref<10000xi32, #tpu.memory_space<hbm>>
      %dma_wait3A_95 = arith.constant 0 : i32
      %dma_wait3A_96 = tpu.memref_slice %arg3[%run_scoped3A_1, %add3A, %dma_wait3A_95] : memref<2x32x10000xi32, #tpu.memory_space<hbm>> -> memref<1x1x10000xi32, #tpu.memory_space<hbm>>
      %dma_wait3A_97 = tpu.memref_squeeze %dma_wait3A_96 : memref<1x1x10000xi32, #tpu.memory_space<hbm>> -> memref<10000xi32, #tpu.memory_space<hbm>>
      tpu.wait_dma2 semaphore(%run_scoped3A_85 : memref<!tpu.dma_semaphore, #tpu.memory_space<semaphore_mem>>) src(%dma_wait3A_97 : memref<10000xi32, #tpu.memory_space<hbm>>) dst(%arg7 : memref<10000xi32, #tpu.memory_space<vmem>>)
      tpu.yield
    }) : () -> ()
    %lt3A = arith.constant 15 : i32
    %lt3A_2 = arith.cmpi slt, %arg1, %lt3A : i32
    %convert_element_type3A = arith.extui %lt3A_2 : i1 to i32
    %cond3A = arith.constant 0 : i32
    %cond3A_3 = arith.cmpi ne, %convert_element_type3A, %cond3A : i32
    scf.if %cond3A_3 {
      %mul3A_85 = arith.constant 632 : i32
      %mul3A_86 = arith.muli %arg1, %mul3A_85 : i32
      %mul3A_87 = arith.constant 632 : i32
      %mul3A_88 = arith.muli %arg1, %mul3A_87 : i32
      "tpu.region"() ({
        %run_scoped3A_89 = tpu.sem_alloc : memref<!tpu.dma_semaphore, #tpu.memory_space<semaphore_mem>>
        %dma_start3A_90 = arith.constant 0 : i32
        %dma_start3A_91 = tpu.memref_slice %arg10[%mul3A_88, %dma_start3A_90] : memref<10240x128xf32, #tpu.memory_space<vmem_shared>> -> memref<632x128xf32, #tpu.memory_space<vmem_shared>>
        %dma_start3A_92 = arith.constant 0 : i32
        %dma_start3A_93 = tpu.memref_slice %arg4[%mul3A_86, %dma_start3A_92] : memref<10240x128xf32, #tpu.memory_space<hbm>> -> memref<632x128xf32, #tpu.memory_space<hbm>>
        tpu.enqueue_dma source(%dma_start3A_93 : memref<632x128xf32, #tpu.memory_space<hbm>>) target(%dma_start3A_91 : memref<632x128xf32, #tpu.memory_space<vmem_shared>>) target_semaphore(%run_scoped3A_89 : memref<!tpu.dma_semaphore, #tpu.memory_space<semaphore_mem>>)
        %dma_wait3A_94 = arith.constant 0 : i32
        %dma_wait3A_95 = tpu.memref_slice %arg10[%mul3A_88, %dma_wait3A_94] : memref<10240x128xf32, #tpu.memory_space<vmem_shared>> -> memref<632x128xf32, #tpu.memory_space<vmem_shared>>
        %dma_wait3A_96 = arith.constant 0 : i32
        %dma_wait3A_97 = tpu.memref_slice %arg4[%mul3A_86, %dma_wait3A_96] : memref<10240x128xf32, #tpu.memory_space<hbm>> -> memref<632x128xf32, #tpu.memory_space<hbm>>
        tpu.wait_dma2 semaphore(%run_scoped3A_89 : memref<!tpu.dma_semaphore, #tpu.memory_space<semaphore_mem>>) src(%dma_wait3A_97 : memref<632x128xf32, #tpu.memory_space<hbm>>) dst(%dma_wait3A_95 : memref<632x128xf32, #tpu.memory_space<vmem_shared>>)
        tpu.yield
      }) : () -> ()
    } else {
    }
    %eq3A = arith.constant 15 : i32
    %eq3A_4 = arith.cmpi eq, %arg1, %eq3A : i32
    %convert_element_type3A_5 = arith.extui %eq3A_4 : i1 to i32
    %cond3A_6 = arith.constant 0 : i32
    %cond3A_7 = arith.cmpi ne, %convert_element_type3A_5, %cond3A_6 : i32
    scf.if %cond3A_7 {
      "tpu.region"() ({
        %run_scoped3A_85 = tpu.sem_alloc : memref<!tpu.dma_semaphore, #tpu.memory_space<semaphore_mem>>
        %dma_start3A_86 = arith.constant 9480 : i32
        %dma_start3A_87 = arith.constant 0 : i32
        %dma_start3A_88 = tpu.memref_slice %arg10[%dma_start3A_86, %dma_start3A_87] : memref<10240x128xf32, #tpu.memory_space<vmem_shared>> -> memref<520x128xf32, #tpu.memory_space<vmem_shared>>
        %dma_start3A_89 = arith.constant 9480 : i32
        %dma_start3A_90 = arith.constant 0 : i32
        %dma_start3A_91 = tpu.memref_slice %arg4[%dma_start3A_89, %dma_start3A_90] : memref<10240x128xf32, #tpu.memory_space<hbm>> -> memref<520x128xf32, #tpu.memory_space<hbm>>
        tpu.enqueue_dma source(%dma_start3A_91 : memref<520x128xf32, #tpu.memory_space<hbm>>) target(%dma_start3A_88 : memref<520x128xf32, #tpu.memory_space<vmem_shared>>) target_semaphore(%run_scoped3A_85 : memref<!tpu.dma_semaphore, #tpu.memory_space<semaphore_mem>>)
        %dma_wait3A_92 = arith.constant 9480 : i32
        %dma_wait3A_93 = arith.constant 0 : i32
        %dma_wait3A_94 = tpu.memref_slice %arg10[%dma_wait3A_92, %dma_wait3A_93] : memref<10240x128xf32, #tpu.memory_space<vmem_shared>> -> memref<520x128xf32, #tpu.memory_space<vmem_shared>>
        %dma_wait3A_95 = arith.constant 9480 : i32
        %dma_wait3A_96 = arith.constant 0 : i32
        %dma_wait3A_97 = tpu.memref_slice %arg4[%dma_wait3A_95, %dma_wait3A_96] : memref<10240x128xf32, #tpu.memory_space<hbm>> -> memref<520x128xf32, #tpu.memory_space<hbm>>
        tpu.wait_dma2 semaphore(%run_scoped3A_85 : memref<!tpu.dma_semaphore, #tpu.memory_space<semaphore_mem>>) src(%dma_wait3A_97 : memref<520x128xf32, #tpu.memory_space<hbm>>) dst(%dma_wait3A_94 : memref<520x128xf32, #tpu.memory_space<vmem_shared>>)
        tpu.yield
      }) : () -> ()
    } else {
    }
    %barrier3A = arith.constant 0 : index
    tpu.barrier barrier_id(%barrier3A)
    %dma_start3A = arith.constant 0 : i32
    %dma_start3A_8 = arith.constant 0 : i32
    %dma_start3A_9 = tpu.memref_slice %arg8[%dma_start3A, %dma_start3A_8] : memref<80x128xf32, #tpu.memory_space<vmem>> -> memref<40x128xf32, #tpu.memory_space<vmem>>
    %dma_start3A_10 = arith.constant 0 : i32
    %dma_start3A_11 = tpu.memref_slice %arg6[%dma_start3A_10] : memref<10000xi32, #tpu.memory_space<vmem>> -> memref<40xi32, #tpu.memory_space<vmem>>
    %dma_start3A_12 = arith.constant 0 : i32
    %dma_start3A_13 = arith.constant 0 : i32
    %dma_start3A_14 = tpu.memref_slice %arg2[%dma_start3A_12, %dma_start3A_13] : memref<10000x128xf32, #tpu.memory_space<hbm>> -> memref<10000x128xf32, #tpu.memory_space<hbm>>
    tpu.enqueue_indirect_dma source(%dma_start3A_14 : memref<10000x128xf32, #tpu.memory_space<hbm>>) target(%dma_start3A_9 : memref<40x128xf32, #tpu.memory_space<vmem>>) offsets(%dma_start3A_11 : memref<40xi32, #tpu.memory_space<vmem>>) semaphore(%arg11 : memref<!tpu.dma_semaphore, #tpu.memory_space<semaphore_mem>>)
    %dma_start3A_15 = arith.constant 40 : i32
    %dma_start3A_16 = arith.constant 0 : i32
    %dma_start3A_17 = tpu.memref_slice %arg8[%dma_start3A_15, %dma_start3A_16] : memref<80x128xf32, #tpu.memory_space<vmem>> -> memref<40x128xf32, #tpu.memory_space<vmem>>
    %dma_start3A_18 = arith.constant 40 : i32
    %dma_start3A_19 = tpu.memref_slice %arg6[%dma_start3A_18] : memref<10000xi32, #tpu.memory_space<vmem>> -> memref<40xi32, #tpu.memory_space<vmem>>
    %dma_start3A_20 = arith.constant 0 : i32
    %dma_start3A_21 = arith.constant 0 : i32
    %dma_start3A_22 = tpu.memref_slice %arg2[%dma_start3A_20, %dma_start3A_21] : memref<10000x128xf32, #tpu.memory_space<hbm>> -> memref<10000x128xf32, #tpu.memory_space<hbm>>
    tpu.enqueue_indirect_dma source(%dma_start3A_22 : memref<10000x128xf32, #tpu.memory_space<hbm>>) target(%dma_start3A_17 : memref<40x128xf32, #tpu.memory_space<vmem>>) offsets(%dma_start3A_19 : memref<40xi32, #tpu.memory_space<vmem>>) semaphore(%arg11 : memref<!tpu.dma_semaphore, #tpu.memory_space<semaphore_mem>>)
    %dma_start3A_23 = arith.constant 0 : i32
    %dma_start3A_24 = arith.constant 0 : i32
    %dma_start3A_25 = tpu.memref_slice %arg9[%dma_start3A_23, %dma_start3A_24] : memref<80x128xf32, #tpu.memory_space<vmem>> -> memref<40x128xf32, #tpu.memory_space<vmem>>
    %dma_start3A_26 = arith.constant 80 : i32
    %dma_start3A_27 = tpu.memref_slice %arg6[%dma_start3A_26] : memref<10000xi32, #tpu.memory_space<vmem>> -> memref<40xi32, #tpu.memory_space<vmem>>
    %dma_start3A_28 = arith.constant 0 : i32
    %dma_start3A_29 = arith.constant 0 : i32
    %dma_start3A_30 = tpu.memref_slice %arg2[%dma_start3A_28, %dma_start3A_29] : memref<10000x128xf32, #tpu.memory_space<hbm>> -> memref<10000x128xf32, #tpu.memory_space<hbm>>
    tpu.enqueue_indirect_dma source(%dma_start3A_30 : memref<10000x128xf32, #tpu.memory_space<hbm>>) target(%dma_start3A_25 : memref<40x128xf32, #tpu.memory_space<vmem>>) offsets(%dma_start3A_27 : memref<40xi32, #tpu.memory_space<vmem>>) semaphore(%arg12 : memref<!tpu.dma_semaphore, #tpu.memory_space<semaphore_mem>>)
    %dma_start3A_31 = arith.constant 40 : i32
    %dma_start3A_32 = arith.constant 0 : i32
    %dma_start3A_33 = tpu.memref_slice %arg9[%dma_start3A_31, %dma_start3A_32] : memref<80x128xf32, #tpu.memory_space<vmem>> -> memref<40x128xf32, #tpu.memory_space<vmem>>
    %dma_start3A_34 = arith.constant 120 : i32
    %dma_start3A_35 = tpu.memref_slice %arg6[%dma_start3A_34] : memref<10000xi32, #tpu.memory_space<vmem>> -> memref<40xi32, #tpu.memory_space<vmem>>
    %dma_start3A_36 = arith.constant 0 : i32
    %dma_start3A_37 = arith.constant 0 : i32
    %dma_start3A_38 = tpu.memref_slice %arg2[%dma_start3A_36, %dma_start3A_37] : memref<10000x128xf32, #tpu.memory_space<hbm>> -> memref<10000x128xf32, #tpu.memory_space<hbm>>
    tpu.enqueue_indirect_dma source(%dma_start3A_38 : memref<10000x128xf32, #tpu.memory_space<hbm>>) target(%dma_start3A_33 : memref<40x128xf32, #tpu.memory_space<vmem>>) offsets(%dma_start3A_35 : memref<40xi32, #tpu.memory_space<vmem>>) semaphore(%arg12 : memref<!tpu.dma_semaphore, #tpu.memory_space<semaphore_mem>>)
    %scan3A = arith.constant 0 : i32
    %scan3A_39 = arith.constant 0 : i32
    %scan3A_40 = arith.constant 62 : i32
    %scan3A_41 = arith.addi %scan3A_39, %scan3A_40 : i32
    %scan3A_42 = arith.constant 1 : i32
    scf.for %scan3A_85 = %scan3A_39 to %scan3A_41 step %scan3A_42  : i32 {
      %mul3A_86 = arith.constant 2 : i32
      %mul3A_87 = arith.muli %mul3A_86, %scan3A_85 : i32
      %mul3A_88 = arith.constant 80 : i32
      %mul3A_89 = arith.muli %mul3A_87, %mul3A_88 : i32
      %dma_wait3A_90 = arith.constant 0 : i32
      %dma_wait3A_91 = arith.constant 0 : i32
      %dma_wait3A_92 = tpu.memref_slice %arg8[%dma_wait3A_90, %dma_wait3A_91] : memref<80x128xf32, #tpu.memory_space<vmem>> -> memref<40x128xf32, #tpu.memory_space<vmem>>
      %dma_wait3A_93 = tpu.memref_slice %arg6[%mul3A_89] : memref<10000xi32, #tpu.memory_space<vmem>> -> memref<40xi32, #tpu.memory_space<vmem>>
      %dma_wait3A_94 = arith.constant 0 : i32
      %dma_wait3A_95 = arith.constant 0 : i32
      %dma_wait3A_96 = tpu.memref_slice %arg2[%dma_wait3A_94, %dma_wait3A_95] : memref<10000x128xf32, #tpu.memory_space<hbm>> -> memref<10000x128xf32, #tpu.memory_space<hbm>>
      tpu.wait_indirect_dma semaphore(%arg11 : memref<!tpu.dma_semaphore, #tpu.memory_space<semaphore_mem>>) src(%dma_wait3A_96 : memref<10000x128xf32, #tpu.memory_space<hbm>>) dst(%dma_wait3A_92 : memref<40x128xf32, #tpu.memory_space<vmem>>)
      %mul3A_97 = arith.constant 80 : i32
      %mul3A_98 = arith.muli %mul3A_87, %mul3A_97 : i32
      %add3A_99 = arith.constant 40 : i32
      %add3A_100 = arith.addi %mul3A_98, %add3A_99 : i32
      %dma_wait3A_101 = arith.constant 40 : i32
      %dma_wait3A_102 = arith.constant 0 : i32
      %dma_wait3A_103 = tpu.memref_slice %arg8[%dma_wait3A_101, %dma_wait3A_102] : memref<80x128xf32, #tpu.memory_space<vmem>> -> memref<40x128xf32, #tpu.memory_space<vmem>>
      %dma_wait3A_104 = tpu.memref_slice %arg6[%add3A_100] : memref<10000xi32, #tpu.memory_space<vmem>> -> memref<40xi32, #tpu.memory_space<vmem>>
      %dma_wait3A_105 = arith.constant 0 : i32
      %dma_wait3A_106 = arith.constant 0 : i32
      %dma_wait3A_107 = tpu.memref_slice %arg2[%dma_wait3A_105, %dma_wait3A_106] : memref<10000x128xf32, #tpu.memory_space<hbm>> -> memref<10000x128xf32, #tpu.memory_space<hbm>>
      tpu.wait_indirect_dma semaphore(%arg11 : memref<!tpu.dma_semaphore, #tpu.memory_space<semaphore_mem>>) src(%dma_wait3A_107 : memref<10000x128xf32, #tpu.memory_space<hbm>>) dst(%dma_wait3A_103 : memref<40x128xf32, #tpu.memory_space<vmem>>)
      %mul3A_108 = arith.constant 80 : i32
      %mul3A_109 = arith.muli %mul3A_87, %mul3A_108 : i32
      %dma_start3A_110 = tpu.memref_slice %arg7[%mul3A_109] : memref<10000xi32, #tpu.memory_space<vmem>> -> memref<80xi32, #tpu.memory_space<vmem>>
      %dma_start3A_111 = arith.constant 0 : i32
      %dma_start3A_112 = arith.constant 0 : i32
      %dma_start3A_113 = tpu.memref_slice %arg10[%dma_start3A_111, %dma_start3A_112] : memref<10240x128xf32, #tpu.memory_space<vmem_shared>> -> memref<10240x128xf32, #tpu.memory_space<vmem_shared>>
      tpu.enqueue_indirect_dma source(%arg8 : memref<80x128xf32, #tpu.memory_space<vmem>>) target(%dma_start3A_113 : memref<10240x128xf32, #tpu.memory_space<vmem_shared>>) offsets(%dma_start3A_110 : memref<80xi32, #tpu.memory_space<vmem>>) semaphore(%arg13 : memref<!tpu.dma_semaphore, #tpu.memory_space<semaphore_mem>>) {add = true}
      %add3A_114 = arith.constant 1 : i32
      %add3A_115 = arith.addi %mul3A_87, %add3A_114 : i32
      %mul3A_116 = arith.constant 80 : i32
      %mul3A_117 = arith.muli %add3A_115, %mul3A_116 : i32
      %dma_wait3A_118 = arith.constant 0 : i32
      %dma_wait3A_119 = arith.constant 0 : i32
      %dma_wait3A_120 = tpu.memref_slice %arg9[%dma_wait3A_118, %dma_wait3A_119] : memref<80x128xf32, #tpu.memory_space<vmem>> -> memref<40x128xf32, #tpu.memory_space<vmem>>
      %dma_wait3A_121 = tpu.memref_slice %arg6[%mul3A_117] : memref<10000xi32, #tpu.memory_space<vmem>> -> memref<40xi32, #tpu.memory_space<vmem>>
      %dma_wait3A_122 = arith.constant 0 : i32
      %dma_wait3A_123 = arith.constant 0 : i32
      %dma_wait3A_124 = tpu.memref_slice %arg2[%dma_wait3A_122, %dma_wait3A_123] : memref<10000x128xf32, #tpu.memory_space<hbm>> -> memref<10000x128xf32, #tpu.memory_space<hbm>>
      tpu.wait_indirect_dma semaphore(%arg12 : memref<!tpu.dma_semaphore, #tpu.memory_space<semaphore_mem>>) src(%dma_wait3A_124 : memref<10000x128xf32, #tpu.memory_space<hbm>>) dst(%dma_wait3A_120 : memref<40x128xf32, #tpu.memory_space<vmem>>)
      %mul3A_125 = arith.constant 80 : i32
      %mul3A_126 = arith.muli %add3A_115, %mul3A_125 : i32
      %add3A_127 = arith.constant 40 : i32
      %add3A_128 = arith.addi %mul3A_126, %add3A_127 : i32
      %dma_wait3A_129 = arith.constant 40 : i32
      %dma_wait3A_130 = arith.constant 0 : i32
      %dma_wait3A_131 = tpu.memref_slice %arg9[%dma_wait3A_129, %dma_wait3A_130] : memref<80x128xf32, #tpu.memory_space<vmem>> -> memref<40x128xf32, #tpu.memory_space<vmem>>
      %dma_wait3A_132 = tpu.memref_slice %arg6[%add3A_128] : memref<10000xi32, #tpu.memory_space<vmem>> -> memref<40xi32, #tpu.memory_space<vmem>>
      %dma_wait3A_133 = arith.constant 0 : i32
      %dma_wait3A_134 = arith.constant 0 : i32
      %dma_wait3A_135 = tpu.memref_slice %arg2[%dma_wait3A_133, %dma_wait3A_134] : memref<10000x128xf32, #tpu.memory_space<hbm>> -> memref<10000x128xf32, #tpu.memory_space<hbm>>
      tpu.wait_indirect_dma semaphore(%arg12 : memref<!tpu.dma_semaphore, #tpu.memory_space<semaphore_mem>>) src(%dma_wait3A_135 : memref<10000x128xf32, #tpu.memory_space<hbm>>) dst(%dma_wait3A_131 : memref<40x128xf32, #tpu.memory_space<vmem>>)
      %add3A_136 = arith.constant 1 : i32
      %add3A_137 = arith.addi %mul3A_87, %add3A_136 : i32
      %mul3A_138 = arith.constant 80 : i32
      %mul3A_139 = arith.muli %add3A_137, %mul3A_138 : i32
      %dma_start3A_140 = tpu.memref_slice %arg7[%mul3A_139] : memref<10000xi32, #tpu.memory_space<vmem>> -> memref<80xi32, #tpu.memory_space<vmem>>
      %dma_start3A_141 = arith.constant 0 : i32
      %dma_start3A_142 = arith.constant 0 : i32
      %dma_start3A_143 = tpu.memref_slice %arg10[%dma_start3A_141, %dma_start3A_142] : memref<10240x128xf32, #tpu.memory_space<vmem_shared>> -> memref<10240x128xf32, #tpu.memory_space<vmem_shared>>
      tpu.enqueue_indirect_dma source(%arg9 : memref<80x128xf32, #tpu.memory_space<vmem>>) target(%dma_start3A_143 : memref<10240x128xf32, #tpu.memory_space<vmem_shared>>) offsets(%dma_start3A_140 : memref<80xi32, #tpu.memory_space<vmem>>) semaphore(%arg14 : memref<!tpu.dma_semaphore, #tpu.memory_space<semaphore_mem>>) {add = true}
      %add3A_144 = arith.constant 2 : i32
      %add3A_145 = arith.addi %mul3A_87, %add3A_144 : i32
      %lt3A_146 = arith.constant 125 : i32
      %lt3A_147 = arith.cmpi slt, %add3A_145, %lt3A_146 : i32
      %convert_element_type3A_148 = arith.extui %lt3A_147 : i1 to i32
      %cond3A_149 = arith.constant 0 : i32
      %cond3A_150 = arith.cmpi ne, %convert_element_type3A_148, %cond3A_149 : i32
      scf.if %cond3A_150 {
        %mul3A_158 = arith.constant 80 : i32
        %mul3A_159 = arith.muli %mul3A_87, %mul3A_158 : i32
        %dma_wait3A_160 = tpu.memref_slice %arg7[%mul3A_159] : memref<10000xi32, #tpu.memory_space<vmem>> -> memref<80xi32, #tpu.memory_space<vmem>>
        %dma_wait3A_161 = arith.constant 0 : i32
        %dma_wait3A_162 = arith.constant 0 : i32
        %dma_wait3A_163 = tpu.memref_slice %arg10[%dma_wait3A_161, %dma_wait3A_162] : memref<10240x128xf32, #tpu.memory_space<vmem_shared>> -> memref<10240x128xf32, #tpu.memory_space<vmem_shared>>
        tpu.wait_indirect_dma semaphore(%arg13 : memref<!tpu.dma_semaphore, #tpu.memory_space<semaphore_mem>>) src(%arg8 : memref<80x128xf32, #tpu.memory_space<vmem>>) dst(%dma_wait3A_163 : memref<10240x128xf32, #tpu.memory_space<vmem_shared>>)
        %add3A_164 = arith.constant 2 : i32
        %add3A_165 = arith.addi %mul3A_87, %add3A_164 : i32
        %mul3A_166 = arith.constant 80 : i32
        %mul3A_167 = arith.muli %add3A_165, %mul3A_166 : i32
        %dma_start3A_168 = arith.constant 0 : i32
        %dma_start3A_169 = arith.constant 0 : i32
        %dma_start3A_170 = tpu.memref_slice %arg8[%dma_start3A_168, %dma_start3A_169] : memref<80x128xf32, #tpu.memory_space<vmem>> -> memref<40x128xf32, #tpu.memory_space<vmem>>
        %dma_start3A_171 = tpu.memref_slice %arg6[%mul3A_167] : memref<10000xi32, #tpu.memory_space<vmem>> -> memref<40xi32, #tpu.memory_space<vmem>>
        %dma_start3A_172 = arith.constant 0 : i32
        %dma_start3A_173 = arith.constant 0 : i32
        %dma_start3A_174 = tpu.memref_slice %arg2[%dma_start3A_172, %dma_start3A_173] : memref<10000x128xf32, #tpu.memory_space<hbm>> -> memref<10000x128xf32, #tpu.memory_space<hbm>>
        tpu.enqueue_indirect_dma source(%dma_start3A_174 : memref<10000x128xf32, #tpu.memory_space<hbm>>) target(%dma_start3A_170 : memref<40x128xf32, #tpu.memory_space<vmem>>) offsets(%dma_start3A_171 : memref<40xi32, #tpu.memory_space<vmem>>) semaphore(%arg11 : memref<!tpu.dma_semaphore, #tpu.memory_space<semaphore_mem>>)
        %mul3A_175 = arith.constant 80 : i32
        %mul3A_176 = arith.muli %add3A_165, %mul3A_175 : i32
        %add3A_177 = arith.constant 40 : i32
        %add3A_178 = arith.addi %mul3A_176, %add3A_177 : i32
        %dma_start3A_179 = arith.constant 40 : i32
        %dma_start3A_180 = arith.constant 0 : i32
        %dma_start3A_181 = tpu.memref_slice %arg8[%dma_start3A_179, %dma_start3A_180] : memref<80x128xf32, #tpu.memory_space<vmem>> -> memref<40x128xf32, #tpu.memory_space<vmem>>
        %dma_start3A_182 = tpu.memref_slice %arg6[%add3A_178] : memref<10000xi32, #tpu.memory_space<vmem>> -> memref<40xi32, #tpu.memory_space<vmem>>
        %dma_start3A_183 = arith.constant 0 : i32
        %dma_start3A_184 = arith.constant 0 : i32
        %dma_start3A_185 = tpu.memref_slice %arg2[%dma_start3A_183, %dma_start3A_184] : memref<10000x128xf32, #tpu.memory_space<hbm>> -> memref<10000x128xf32, #tpu.memory_space<hbm>>
        tpu.enqueue_indirect_dma source(%dma_start3A_185 : memref<10000x128xf32, #tpu.memory_space<hbm>>) target(%dma_start3A_181 : memref<40x128xf32, #tpu.memory_space<vmem>>) offsets(%dma_start3A_182 : memref<40xi32, #tpu.memory_space<vmem>>) semaphore(%arg11 : memref<!tpu.dma_semaphore, #tpu.memory_space<semaphore_mem>>)
      } else {
      }
      %add3A_151 = arith.constant 3 : i32
      %add3A_152 = arith.addi %mul3A_87, %add3A_151 : i32
      %lt3A_153 = arith.constant 125 : i32
      %lt3A_154 = arith.cmpi slt, %add3A_152, %lt3A_153 : i32
      %convert_element_type3A_155 = arith.extui %lt3A_154 : i1 to i32
      %cond3A_156 = arith.constant 0 : i32
      %cond3A_157 = arith.cmpi ne, %convert_element_type3A_155, %cond3A_156 : i32
      scf.if %cond3A_157 {
        %add3A_158 = arith.constant 1 : i32
        %add3A_159 = arith.addi %mul3A_87, %add3A_158 : i32
        %mul3A_160 = arith.constant 80 : i32
        %mul3A_161 = arith.muli %add3A_159, %mul3A_160 : i32
        %dma_wait3A_162 = tpu.memref_slice %arg7[%mul3A_161] : memref<10000xi32, #tpu.memory_space<vmem>> -> memref<80xi32, #tpu.memory_space<vmem>>
        %dma_wait3A_163 = arith.constant 0 : i32
        %dma_wait3A_164 = arith.constant 0 : i32
        %dma_wait3A_165 = tpu.memref_slice %arg10[%dma_wait3A_163, %dma_wait3A_164] : memref<10240x128xf32, #tpu.memory_space<vmem_shared>> -> memref<10240x128xf32, #tpu.memory_space<vmem_shared>>
        tpu.wait_indirect_dma semaphore(%arg14 : memref<!tpu.dma_semaphore, #tpu.memory_space<semaphore_mem>>) src(%arg9 : memref<80x128xf32, #tpu.memory_space<vmem>>) dst(%dma_wait3A_165 : memref<10240x128xf32, #tpu.memory_space<vmem_shared>>)
        %add3A_166 = arith.constant 3 : i32
        %add3A_167 = arith.addi %mul3A_87, %add3A_166 : i32
        %mul3A_168 = arith.constant 80 : i32
        %mul3A_169 = arith.muli %add3A_167, %mul3A_168 : i32
        %dma_start3A_170 = arith.constant 0 : i32
        %dma_start3A_171 = arith.constant 0 : i32
        %dma_start3A_172 = tpu.memref_slice %arg9[%dma_start3A_170, %dma_start3A_171] : memref<80x128xf32, #tpu.memory_space<vmem>> -> memref<40x128xf32, #tpu.memory_space<vmem>>
        %dma_start3A_173 = tpu.memref_slice %arg6[%mul3A_169] : memref<10000xi32, #tpu.memory_space<vmem>> -> memref<40xi32, #tpu.memory_space<vmem>>
        %dma_start3A_174 = arith.constant 0 : i32
        %dma_start3A_175 = arith.constant 0 : i32
        %dma_start3A_176 = tpu.memref_slice %arg2[%dma_start3A_174, %dma_start3A_175] : memref<10000x128xf32, #tpu.memory_space<hbm>> -> memref<10000x128xf32, #tpu.memory_space<hbm>>
        tpu.enqueue_indirect_dma source(%dma_start3A_176 : memref<10000x128xf32, #tpu.memory_space<hbm>>) target(%dma_start3A_172 : memref<40x128xf32, #tpu.memory_space<vmem>>) offsets(%dma_start3A_173 : memref<40xi32, #tpu.memory_space<vmem>>) semaphore(%arg12 : memref<!tpu.dma_semaphore, #tpu.memory_space<semaphore_mem>>)
        %mul3A_177 = arith.constant 80 : i32
        %mul3A_178 = arith.muli %add3A_167, %mul3A_177 : i32
        %add3A_179 = arith.constant 40 : i32
        %add3A_180 = arith.addi %mul3A_178, %add3A_179 : i32
        %dma_start3A_181 = arith.constant 40 : i32
        %dma_start3A_182 = arith.constant 0 : i32
        %dma_start3A_183 = tpu.memref_slice %arg9[%dma_start3A_181, %dma_start3A_182] : memref<80x128xf32, #tpu.memory_space<vmem>> -> memref<40x128xf32, #tpu.memory_space<vmem>>
        %dma_start3A_184 = tpu.memref_slice %arg6[%add3A_180] : memref<10000xi32, #tpu.memory_space<vmem>> -> memref<40xi32, #tpu.memory_space<vmem>>
        %dma_start3A_185 = arith.constant 0 : i32
        %dma_start3A_186 = arith.constant 0 : i32
        %dma_start3A_187 = tpu.memref_slice %arg2[%dma_start3A_185, %dma_start3A_186] : memref<10000x128xf32, #tpu.memory_space<hbm>> -> memref<10000x128xf32, #tpu.memory_space<hbm>>
        tpu.enqueue_indirect_dma source(%dma_start3A_187 : memref<10000x128xf32, #tpu.memory_space<hbm>>) target(%dma_start3A_183 : memref<40x128xf32, #tpu.memory_space<vmem>>) offsets(%dma_start3A_184 : memref<40xi32, #tpu.memory_space<vmem>>) semaphore(%arg12 : memref<!tpu.dma_semaphore, #tpu.memory_space<semaphore_mem>>)
      } else {
      }
    }
    %scan3A_43 = arith.constant 62 : i32
    %dma_wait3A = arith.constant 0 : i32
    %dma_wait3A_44 = arith.constant 0 : i32
    %dma_wait3A_45 = tpu.memref_slice %arg8[%dma_wait3A, %dma_wait3A_44] : memref<80x128xf32, #tpu.memory_space<vmem>> -> memref<40x128xf32, #tpu.memory_space<vmem>>
    %dma_wait3A_46 = arith.constant 9920 : i32
    %dma_wait3A_47 = tpu.memref_slice %arg6[%dma_wait3A_46] : memref<10000xi32, #tpu.memory_space<vmem>> -> memref<40xi32, #tpu.memory_space<vmem>>
    %dma_wait3A_48 = arith.constant 0 : i32
    %dma_wait3A_49 = arith.constant 0 : i32
    %dma_wait3A_50 = tpu.memref_slice %arg2[%dma_wait3A_48, %dma_wait3A_49] : memref<10000x128xf32, #tpu.memory_space<hbm>> -> memref<10000x128xf32, #tpu.memory_space<hbm>>
    tpu.wait_indirect_dma semaphore(%arg11 : memref<!tpu.dma_semaphore, #tpu.memory_space<semaphore_mem>>) src(%dma_wait3A_50 : memref<10000x128xf32, #tpu.memory_space<hbm>>) dst(%dma_wait3A_45 : memref<40x128xf32, #tpu.memory_space<vmem>>)
    %dma_wait3A_51 = arith.constant 40 : i32
    %dma_wait3A_52 = arith.constant 0 : i32
    %dma_wait3A_53 = tpu.memref_slice %arg8[%dma_wait3A_51, %dma_wait3A_52] : memref<80x128xf32, #tpu.memory_space<vmem>> -> memref<40x128xf32, #tpu.memory_space<vmem>>
    %dma_wait3A_54 = arith.constant 9960 : i32
    %dma_wait3A_55 = tpu.memref_slice %arg6[%dma_wait3A_54] : memref<10000xi32, #tpu.memory_space<vmem>> -> memref<40xi32, #tpu.memory_space<vmem>>
    %dma_wait3A_56 = arith.constant 0 : i32
    %dma_wait3A_57 = arith.constant 0 : i32
    %dma_wait3A_58 = tpu.memref_slice %arg2[%dma_wait3A_56, %dma_wait3A_57] : memref<10000x128xf32, #tpu.memory_space<hbm>> -> memref<10000x128xf32, #tpu.memory_space<hbm>>
    tpu.wait_indirect_dma semaphore(%arg11 : memref<!tpu.dma_semaphore, #tpu.memory_space<semaphore_mem>>) src(%dma_wait3A_58 : memref<10000x128xf32, #tpu.memory_space<hbm>>) dst(%dma_wait3A_53 : memref<40x128xf32, #tpu.memory_space<vmem>>)
    %dma_start3A_59 = arith.constant 9920 : i32
    %dma_start3A_60 = tpu.memref_slice %arg7[%dma_start3A_59] : memref<10000xi32, #tpu.memory_space<vmem>> -> memref<80xi32, #tpu.memory_space<vmem>>
    %dma_start3A_61 = arith.constant 0 : i32
    %dma_start3A_62 = arith.constant 0 : i32
    %dma_start3A_63 = tpu.memref_slice %arg10[%dma_start3A_61, %dma_start3A_62] : memref<10240x128xf32, #tpu.memory_space<vmem_shared>> -> memref<10240x128xf32, #tpu.memory_space<vmem_shared>>
    tpu.enqueue_indirect_dma source(%arg8 : memref<80x128xf32, #tpu.memory_space<vmem>>) target(%dma_start3A_63 : memref<10240x128xf32, #tpu.memory_space<vmem_shared>>) offsets(%dma_start3A_60 : memref<80xi32, #tpu.memory_space<vmem>>) semaphore(%arg13 : memref<!tpu.dma_semaphore, #tpu.memory_space<semaphore_mem>>) {add = true}
    %dma_wait3A_64 = arith.constant 9920 : i32
    %dma_wait3A_65 = tpu.memref_slice %arg7[%dma_wait3A_64] : memref<10000xi32, #tpu.memory_space<vmem>> -> memref<80xi32, #tpu.memory_space<vmem>>
    %dma_wait3A_66 = arith.constant 0 : i32
    %dma_wait3A_67 = arith.constant 0 : i32
    %dma_wait3A_68 = tpu.memref_slice %arg10[%dma_wait3A_66, %dma_wait3A_67] : memref<10240x128xf32, #tpu.memory_space<vmem_shared>> -> memref<10240x128xf32, #tpu.memory_space<vmem_shared>>
    tpu.wait_indirect_dma semaphore(%arg13 : memref<!tpu.dma_semaphore, #tpu.memory_space<semaphore_mem>>) src(%arg8 : memref<80x128xf32, #tpu.memory_space<vmem>>) dst(%dma_wait3A_68 : memref<10240x128xf32, #tpu.memory_space<vmem_shared>>)
    %dma_wait3A_69 = arith.constant 9840 : i32
    %dma_wait3A_70 = tpu.memref_slice %arg7[%dma_wait3A_69] : memref<10000xi32, #tpu.memory_space<vmem>> -> memref<80xi32, #tpu.memory_space<vmem>>
    %dma_wait3A_71 = arith.constant 0 : i32
    %dma_wait3A_72 = arith.constant 0 : i32
    %dma_wait3A_73 = tpu.memref_slice %arg10[%dma_wait3A_71, %dma_wait3A_72] : memref<10240x128xf32, #tpu.memory_space<vmem_shared>> -> memref<10240x128xf32, #tpu.memory_space<vmem_shared>>
    tpu.wait_indirect_dma semaphore(%arg14 : memref<!tpu.dma_semaphore, #tpu.memory_space<semaphore_mem>>) src(%arg9 : memref<80x128xf32, #tpu.memory_space<vmem>>) dst(%dma_wait3A_73 : memref<10240x128xf32, #tpu.memory_space<vmem_shared>>)
    %barrier3A_74 = arith.constant 0 : index
    tpu.barrier barrier_id(%barrier3A_74)
    %lt3A_75 = arith.constant 15 : i32
    %lt3A_76 = arith.cmpi slt, %arg1, %lt3A_75 : i32
    %convert_element_type3A_77 = arith.extui %lt3A_76 : i1 to i32
    %cond3A_78 = arith.constant 0 : i32
    %cond3A_79 = arith.cmpi ne, %convert_element_type3A_77, %cond3A_78 : i32
    scf.if %cond3A_79 {
      %mul3A_85 = arith.constant 632 : i32
      %mul3A_86 = arith.muli %arg1, %mul3A_85 : i32
      %mul3A_87 = arith.constant 632 : i32
      %mul3A_88 = arith.muli %arg1, %mul3A_87 : i32
      "tpu.region"() ({
        %run_scoped3A_89 = tpu.sem_alloc : memref<!tpu.dma_semaphore, #tpu.memory_space<semaphore_mem>>
        %dma_start3A_90 = arith.constant 0 : i32
        %dma_start3A_91 = arith.constant 0 : i32
        %dma_start3A_92 = tpu.memref_slice %arg5[%arg0, %dma_start3A_90, %dma_start3A_91] : memref<2x10240x128xf32, #tpu.memory_space<hbm>> -> memref<1x10240x128xf32, #tpu.memory_space<hbm>>
        %dma_start3A_93 = tpu.memref_squeeze %dma_start3A_92 : memref<1x10240x128xf32, #tpu.memory_space<hbm>> -> memref<10240x128xf32, #tpu.memory_space<hbm>>
        %dma_start3A_94 = arith.constant 0 : i32
        %dma_start3A_95 = tpu.memref_slice %dma_start3A_93[%mul3A_88, %dma_start3A_94] : memref<10240x128xf32, #tpu.memory_space<hbm>> -> memref<632x128xf32, #tpu.memory_space<hbm>>
        %dma_start3A_96 = arith.constant 0 : i32
        %dma_start3A_97 = tpu.memref_slice %arg10[%mul3A_86, %dma_start3A_96] : memref<10240x128xf32, #tpu.memory_space<vmem_shared>> -> memref<632x128xf32, #tpu.memory_space<vmem_shared>>
        tpu.enqueue_dma source(%dma_start3A_97 : memref<632x128xf32, #tpu.memory_space<vmem_shared>>) target(%dma_start3A_95 : memref<632x128xf32, #tpu.memory_space<hbm>>) target_semaphore(%run_scoped3A_89 : memref<!tpu.dma_semaphore, #tpu.memory_space<semaphore_mem>>)
        %dma_wait3A_98 = arith.constant 0 : i32
        %dma_wait3A_99 = arith.constant 0 : i32
        %dma_wait3A_100 = tpu.memref_slice %arg5[%arg0, %dma_wait3A_98, %dma_wait3A_99] : memref<2x10240x128xf32, #tpu.memory_space<hbm>> -> memref<1x10240x128xf32, #tpu.memory_space<hbm>>
        %dma_wait3A_101 = tpu.memref_squeeze %dma_wait3A_100 : memref<1x10240x128xf32, #tpu.memory_space<hbm>> -> memref<10240x128xf32, #tpu.memory_space<hbm>>
        %dma_wait3A_102 = arith.constant 0 : i32
        %dma_wait3A_103 = tpu.memref_slice %dma_wait3A_101[%mul3A_88, %dma_wait3A_102] : memref<10240x128xf32, #tpu.memory_space<hbm>> -> memref<632x128xf32, #tpu.memory_space<hbm>>
        %dma_wait3A_104 = arith.constant 0 : i32
        %dma_wait3A_105 = tpu.memref_slice %arg10[%mul3A_86, %dma_wait3A_104] : memref<10240x128xf32, #tpu.memory_space<vmem_shared>> -> memref<632x128xf32, #tpu.memory_space<vmem_shared>>
        tpu.wait_dma2 semaphore(%run_scoped3A_89 : memref<!tpu.dma_semaphore, #tpu.memory_space<semaphore_mem>>) src(%dma_wait3A_105 : memref<632x128xf32, #tpu.memory_space<vmem_shared>>) dst(%dma_wait3A_103 : memref<632x128xf32, #tpu.memory_space<hbm>>)
        tpu.yield
      }) : () -> ()
    } else {
    }
    %eq3A_80 = arith.constant 15 : i32
    %eq3A_81 = arith.cmpi eq, %arg1, %eq3A_80 : i32
    %convert_element_type3A_82 = arith.extui %eq3A_81 : i1 to i32
    %cond3A_83 = arith.constant 0 : i32
    %cond3A_84 = arith.cmpi ne, %convert_element_type3A_82, %cond3A_83 : i32
    scf.if %cond3A_84 {
      "tpu.region"() ({
        %run_scoped3A_85 = tpu.sem_alloc : memref<!tpu.dma_semaphore, #tpu.memory_space<semaphore_mem>>
        %dma_start3A_86 = arith.constant 0 : i32
        %dma_start3A_87 = arith.constant 0 : i32
        %dma_start3A_88 = tpu.memref_slice %arg5[%arg0, %dma_start3A_86, %dma_start3A_87] : memref<2x10240x128xf32, #tpu.memory_space<hbm>> -> memref<1x10240x128xf32, #tpu.memory_space<hbm>>
        %dma_start3A_89 = tpu.memref_squeeze %dma_start3A_88 : memref<1x10240x128xf32, #tpu.memory_space<hbm>> -> memref<10240x128xf32, #tpu.memory_space<hbm>>
        %dma_start3A_90 = arith.constant 9480 : i32
        %dma_start3A_91 = arith.constant 0 : i32
        %dma_start3A_92 = tpu.memref_slice %dma_start3A_89[%dma_start3A_90, %dma_start3A_91] : memref<10240x128xf32, #tpu.memory_space<hbm>> -> memref<520x128xf32, #tpu.memory_space<hbm>>
        %dma_start3A_93 = arith.constant 9480 : i32
        %dma_start3A_94 = arith.constant 0 : i32
        %dma_start3A_95 = tpu.memref_slice %arg10[%dma_start3A_93, %dma_start3A_94] : memref<10240x128xf32, #tpu.memory_space<vmem_shared>> -> memref<520x128xf32, #tpu.memory_space<vmem_shared>>
        tpu.enqueue_dma source(%dma_start3A_95 : memref<520x128xf32, #tpu.memory_space<vmem_shared>>) target(%dma_start3A_92 : memref<520x128xf32, #tpu.memory_space<hbm>>) target_semaphore(%run_scoped3A_85 : memref<!tpu.dma_semaphore, #tpu.memory_space<semaphore_mem>>)
        %dma_wait3A_96 = arith.constant 0 : i32
        %dma_wait3A_97 = arith.constant 0 : i32
        %dma_wait3A_98 = tpu.memref_slice %arg5[%arg0, %dma_wait3A_96, %dma_wait3A_97] : memref<2x10240x128xf32, #tpu.memory_space<hbm>> -> memref<1x10240x128xf32, #tpu.memory_space<hbm>>
        %dma_wait3A_99 = tpu.memref_squeeze %dma_wait3A_98 : memref<1x10240x128xf32, #tpu.memory_space<hbm>> -> memref<10240x128xf32, #tpu.memory_space<hbm>>
        %dma_wait3A_100 = arith.constant 9480 : i32
        %dma_wait3A_101 = arith.constant 0 : i32
        %dma_wait3A_102 = tpu.memref_slice %dma_wait3A_99[%dma_wait3A_100, %dma_wait3A_101] : memref<10240x128xf32, #tpu.memory_space<hbm>> -> memref<520x128xf32, #tpu.memory_space<hbm>>
        %dma_wait3A_103 = arith.constant 9480 : i32
        %dma_wait3A_104 = arith.constant 0 : i32
        %dma_wait3A_105 = tpu.memref_slice %arg10[%dma_wait3A_103, %dma_wait3A_104] : memref<10240x128xf32, #tpu.memory_space<vmem_shared>> -> memref<520x128xf32, #tpu.memory_space<vmem_shared>>
        tpu.wait_dma2 semaphore(%run_scoped3A_85 : memref<!tpu.dma_semaphore, #tpu.memory_space<semaphore_mem>>) src(%dma_wait3A_105 : memref<520x128xf32, #tpu.memory_space<vmem_shared>>) dst(%dma_wait3A_102 : memref<520x128xf32, #tpu.memory_space<hbm>>)
        tpu.yield
      }) : () -> ()
    } else {
    }
    return
  }
}

#map = affine_map<(d0, d1) -> (0, 0)>
#map1 = affine_map<(d0, d1) -> (0, 0, 0)>
module attributes {stable_mosaic.version = 14 : i64} {
  func.func @_agg(%arg0: i32, %arg1: i32, %arg2: memref<10240x128xf32, #tpu.memory_space<hbm>>, %arg3: memref<2x32x10000xi32, #tpu.memory_space<hbm>>, %arg4: memref<10240x128xf32, #tpu.memory_space<hbm>>, %arg5: memref<2x10240x128xf32, #tpu.memory_space<hbm>>, %arg6: memref<10000xi32, #tpu.memory_space<vmem>>, %arg7: memref<10000xi32, #tpu.memory_space<vmem>>, %arg8: memref<80x128xf32, #tpu.memory_space<vmem>>, %arg9: memref<80x128xf32, #tpu.memory_space<vmem>>, %arg10: memref<10240x128xf32, #tpu.memory_space<vmem_shared>>, %arg11: memref<!tpu.dma_semaphore, #tpu.memory_space<semaphore_mem>>, %arg12: memref<!tpu.dma_semaphore, #tpu.memory_space<semaphore_mem>>, %arg13: memref<!tpu.dma_semaphore, #tpu.memory_space<semaphore_mem>>, %arg14: memref<!tpu.dma_semaphore, #tpu.memory_space<semaphore_mem>>) attributes {dimension_semantics = [#tpu.dimension_semantics<core_parallel>, #tpu.dimension_semantics<subcore_parallel>], iteration_bounds = array<i64: 2, 16>, scalar_prefetch = 0 : i64, scratch_operands = 9 : i64, tpu.core_type = #tpu.core_type<sc_vector_subcore>, window_params = [{transform_indices = #map}, {transform_indices = #map1}, {transform_indices = #map}, {transform_indices = #map1}]} {
    %mul3A = arith.constant 16 : i32
    %mul3A_0 = arith.muli %arg0, %mul3A : i32
    %add3A = arith.addi %mul3A_0, %arg1 : i32
    %run_scoped3A = arith.constant 0 : i32
    "tpu.region"() ({
      %run_scoped3A_85 = tpu.sem_alloc : memref<!tpu.dma_semaphore, #tpu.memory_space<semaphore_mem>>
      %dma_start3A_86 = arith.constant 0 : i32
      %dma_start3A_87 = tpu.memref_slice %arg3[%run_scoped3A, %add3A, %dma_start3A_86] : memref<2x32x10000xi32, #tpu.memory_space<hbm>> -> memref<1x1x10000xi32, #tpu.memory_space<hbm>>
      %dma_start3A_88 = tpu.memref_squeeze %dma_start3A_87 : memref<1x1x10000xi32, #tpu.memory_space<hbm>> -> memref<10000xi32, #tpu.memory_space<hbm>>
      %dma_start3A_89 = arith.constant 0 : i32
      %dma_start3A_90 = tpu.memref_slice %arg3[%run_scoped3A, %add3A, %dma_start3A_89] : memref<2x32x10000xi32, #tpu.memory_space<hbm>> -> memref<1x1x10000xi32, #tpu.memory_space<hbm>>
      %dma_start3A_91 = tpu.memref_squeeze %dma_start3A_90 : memref<1x1x10000xi32, #tpu.memory_space<hbm>> -> memref<10000xi32, #tpu.memory_space<hbm>>
      tpu.enqueue_dma source(%dma_start3A_91 : memref<10000xi32, #tpu.memory_space<hbm>>) target(%arg6 : memref<10000xi32, #tpu.memory_space<vmem>>) target_semaphore(%run_scoped3A_85 : memref<!tpu.dma_semaphore, #tpu.memory_space<semaphore_mem>>)
      %dma_wait3A_92 = arith.constant 0 : i32
      %dma_wait3A_93 = tpu.memref_slice %arg3[%run_scoped3A, %add3A, %dma_wait3A_92] : memref<2x32x10000xi32, #tpu.memory_space<hbm>> -> memref<1x1x10000xi32, #tpu.memory_space<hbm>>
      %dma_wait3A_94 = tpu.memref_squeeze %dma_wait3A_93 : memref<1x1x10000xi32, #tpu.memory_space<hbm>> -> memref<10000xi32, #tpu.memory_space<hbm>>
      %dma_wait3A_95 = arith.constant 0 : i32
      %dma_wait3A_96 = tpu.memref_slice %arg3[%run_scoped3A, %add3A, %dma_wait3A_95] : memref<2x32x10000xi32, #tpu.memory_space<hbm>> -> memref<1x1x10000xi32, #tpu.memory_space<hbm>>
      %dma_wait3A_97 = tpu.memref_squeeze %dma_wait3A_96 : memref<1x1x10000xi32, #tpu.memory_space<hbm>> -> memref<10000xi32, #tpu.memory_space<hbm>>
      tpu.wait_dma2 semaphore(%run_scoped3A_85 : memref<!tpu.dma_semaphore, #tpu.memory_space<semaphore_mem>>) src(%dma_wait3A_97 : memref<10000xi32, #tpu.memory_space<hbm>>) dst(%arg6 : memref<10000xi32, #tpu.memory_space<vmem>>)
      tpu.yield
    }) : () -> ()
    %run_scoped3A_1 = arith.constant 1 : i32
    "tpu.region"() ({
      %run_scoped3A_85 = tpu.sem_alloc : memref<!tpu.dma_semaphore, #tpu.memory_space<semaphore_mem>>
      %dma_start3A_86 = arith.constant 0 : i32
      %dma_start3A_87 = tpu.memref_slice %arg3[%run_scoped3A_1, %add3A, %dma_start3A_86] : memref<2x32x10000xi32, #tpu.memory_space<hbm>> -> memref<1x1x10000xi32, #tpu.memory_space<hbm>>
      %dma_start3A_88 = tpu.memref_squeeze %dma_start3A_87 : memref<1x1x10000xi32, #tpu.memory_space<hbm>> -> memref<10000xi32, #tpu.memory_space<hbm>>
      %dma_start3A_89 = arith.constant 0 : i32
      %dma_start3A_90 = tpu.memref_slice %arg3[%run_scoped3A_1, %add3A, %dma_start3A_89] : memref<2x32x10000xi32, #tpu.memory_space<hbm>> -> memref<1x1x10000xi32, #tpu.memory_space<hbm>>
      %dma_start3A_91 = tpu.memref_squeeze %dma_start3A_90 : memref<1x1x10000xi32, #tpu.memory_space<hbm>> -> memref<10000xi32, #tpu.memory_space<hbm>>
      tpu.enqueue_dma source(%dma_start3A_91 : memref<10000xi32, #tpu.memory_space<hbm>>) target(%arg7 : memref<10000xi32, #tpu.memory_space<vmem>>) target_semaphore(%run_scoped3A_85 : memref<!tpu.dma_semaphore, #tpu.memory_space<semaphore_mem>>)
      %dma_wait3A_92 = arith.constant 0 : i32
      %dma_wait3A_93 = tpu.memref_slice %arg3[%run_scoped3A_1, %add3A, %dma_wait3A_92] : memref<2x32x10000xi32, #tpu.memory_space<hbm>> -> memref<1x1x10000xi32, #tpu.memory_space<hbm>>
      %dma_wait3A_94 = tpu.memref_squeeze %dma_wait3A_93 : memref<1x1x10000xi32, #tpu.memory_space<hbm>> -> memref<10000xi32, #tpu.memory_space<hbm>>
      %dma_wait3A_95 = arith.constant 0 : i32
      %dma_wait3A_96 = tpu.memref_slice %arg3[%run_scoped3A_1, %add3A, %dma_wait3A_95] : memref<2x32x10000xi32, #tpu.memory_space<hbm>> -> memref<1x1x10000xi32, #tpu.memory_space<hbm>>
      %dma_wait3A_97 = tpu.memref_squeeze %dma_wait3A_96 : memref<1x1x10000xi32, #tpu.memory_space<hbm>> -> memref<10000xi32, #tpu.memory_space<hbm>>
      tpu.wait_dma2 semaphore(%run_scoped3A_85 : memref<!tpu.dma_semaphore, #tpu.memory_space<semaphore_mem>>) src(%dma_wait3A_97 : memref<10000xi32, #tpu.memory_space<hbm>>) dst(%arg7 : memref<10000xi32, #tpu.memory_space<vmem>>)
      tpu.yield
    }) : () -> ()
    %lt3A = arith.constant 15 : i32
    %lt3A_2 = arith.cmpi slt, %arg1, %lt3A : i32
    %convert_element_type3A = arith.extui %lt3A_2 : i1 to i32
    %cond3A = arith.constant 0 : i32
    %cond3A_3 = arith.cmpi ne, %convert_element_type3A, %cond3A : i32
    scf.if %cond3A_3 {
      %mul3A_85 = arith.constant 632 : i32
      %mul3A_86 = arith.muli %arg1, %mul3A_85 : i32
      %mul3A_87 = arith.constant 632 : i32
      %mul3A_88 = arith.muli %arg1, %mul3A_87 : i32
      "tpu.region"() ({
        %run_scoped3A_89 = tpu.sem_alloc : memref<!tpu.dma_semaphore, #tpu.memory_space<semaphore_mem>>
        %dma_start3A_90 = arith.constant 0 : i32
        %dma_start3A_91 = tpu.memref_slice %arg10[%mul3A_88, %dma_start3A_90] : memref<10240x128xf32, #tpu.memory_space<vmem_shared>> -> memref<632x128xf32, #tpu.memory_space<vmem_shared>>
        %dma_start3A_92 = arith.constant 0 : i32
        %dma_start3A_93 = tpu.memref_slice %arg4[%mul3A_86, %dma_start3A_92] : memref<10240x128xf32, #tpu.memory_space<hbm>> -> memref<632x128xf32, #tpu.memory_space<hbm>>
        tpu.enqueue_dma source(%dma_start3A_93 : memref<632x128xf32, #tpu.memory_space<hbm>>) target(%dma_start3A_91 : memref<632x128xf32, #tpu.memory_space<vmem_shared>>) target_semaphore(%run_scoped3A_89 : memref<!tpu.dma_semaphore, #tpu.memory_space<semaphore_mem>>)
        %dma_wait3A_94 = arith.constant 0 : i32
        %dma_wait3A_95 = tpu.memref_slice %arg10[%mul3A_88, %dma_wait3A_94] : memref<10240x128xf32, #tpu.memory_space<vmem_shared>> -> memref<632x128xf32, #tpu.memory_space<vmem_shared>>
        %dma_wait3A_96 = arith.constant 0 : i32
        %dma_wait3A_97 = tpu.memref_slice %arg4[%mul3A_86, %dma_wait3A_96] : memref<10240x128xf32, #tpu.memory_space<hbm>> -> memref<632x128xf32, #tpu.memory_space<hbm>>
        tpu.wait_dma2 semaphore(%run_scoped3A_89 : memref<!tpu.dma_semaphore, #tpu.memory_space<semaphore_mem>>) src(%dma_wait3A_97 : memref<632x128xf32, #tpu.memory_space<hbm>>) dst(%dma_wait3A_95 : memref<632x128xf32, #tpu.memory_space<vmem_shared>>)
        tpu.yield
      }) : () -> ()
    } else {
    }
    %eq3A = arith.constant 15 : i32
    %eq3A_4 = arith.cmpi eq, %arg1, %eq3A : i32
    %convert_element_type3A_5 = arith.extui %eq3A_4 : i1 to i32
    %cond3A_6 = arith.constant 0 : i32
    %cond3A_7 = arith.cmpi ne, %convert_element_type3A_5, %cond3A_6 : i32
    scf.if %cond3A_7 {
      "tpu.region"() ({
        %run_scoped3A_85 = tpu.sem_alloc : memref<!tpu.dma_semaphore, #tpu.memory_space<semaphore_mem>>
        %dma_start3A_86 = arith.constant 9480 : i32
        %dma_start3A_87 = arith.constant 0 : i32
        %dma_start3A_88 = tpu.memref_slice %arg10[%dma_start3A_86, %dma_start3A_87] : memref<10240x128xf32, #tpu.memory_space<vmem_shared>> -> memref<520x128xf32, #tpu.memory_space<vmem_shared>>
        %dma_start3A_89 = arith.constant 9480 : i32
        %dma_start3A_90 = arith.constant 0 : i32
        %dma_start3A_91 = tpu.memref_slice %arg4[%dma_start3A_89, %dma_start3A_90] : memref<10240x128xf32, #tpu.memory_space<hbm>> -> memref<520x128xf32, #tpu.memory_space<hbm>>
        tpu.enqueue_dma source(%dma_start3A_91 : memref<520x128xf32, #tpu.memory_space<hbm>>) target(%dma_start3A_88 : memref<520x128xf32, #tpu.memory_space<vmem_shared>>) target_semaphore(%run_scoped3A_85 : memref<!tpu.dma_semaphore, #tpu.memory_space<semaphore_mem>>)
        %dma_wait3A_92 = arith.constant 9480 : i32
        %dma_wait3A_93 = arith.constant 0 : i32
        %dma_wait3A_94 = tpu.memref_slice %arg10[%dma_wait3A_92, %dma_wait3A_93] : memref<10240x128xf32, #tpu.memory_space<vmem_shared>> -> memref<520x128xf32, #tpu.memory_space<vmem_shared>>
        %dma_wait3A_95 = arith.constant 9480 : i32
        %dma_wait3A_96 = arith.constant 0 : i32
        %dma_wait3A_97 = tpu.memref_slice %arg4[%dma_wait3A_95, %dma_wait3A_96] : memref<10240x128xf32, #tpu.memory_space<hbm>> -> memref<520x128xf32, #tpu.memory_space<hbm>>
        tpu.wait_dma2 semaphore(%run_scoped3A_85 : memref<!tpu.dma_semaphore, #tpu.memory_space<semaphore_mem>>) src(%dma_wait3A_97 : memref<520x128xf32, #tpu.memory_space<hbm>>) dst(%dma_wait3A_94 : memref<520x128xf32, #tpu.memory_space<vmem_shared>>)
        tpu.yield
      }) : () -> ()
    } else {
    }
    %barrier3A = arith.constant 0 : index
    tpu.barrier barrier_id(%barrier3A)
    %dma_start3A = arith.constant 0 : i32
    %dma_start3A_8 = arith.constant 0 : i32
    %dma_start3A_9 = tpu.memref_slice %arg8[%dma_start3A, %dma_start3A_8] : memref<80x128xf32, #tpu.memory_space<vmem>> -> memref<40x128xf32, #tpu.memory_space<vmem>>
    %dma_start3A_10 = arith.constant 0 : i32
    %dma_start3A_11 = tpu.memref_slice %arg6[%dma_start3A_10] : memref<10000xi32, #tpu.memory_space<vmem>> -> memref<40xi32, #tpu.memory_space<vmem>>
    %dma_start3A_12 = arith.constant 0 : i32
    %dma_start3A_13 = arith.constant 0 : i32
    %dma_start3A_14 = tpu.memref_slice %arg2[%dma_start3A_12, %dma_start3A_13] : memref<10240x128xf32, #tpu.memory_space<hbm>> -> memref<10240x128xf32, #tpu.memory_space<hbm>>
    tpu.enqueue_indirect_dma source(%dma_start3A_14 : memref<10240x128xf32, #tpu.memory_space<hbm>>) target(%dma_start3A_9 : memref<40x128xf32, #tpu.memory_space<vmem>>) offsets(%dma_start3A_11 : memref<40xi32, #tpu.memory_space<vmem>>) semaphore(%arg11 : memref<!tpu.dma_semaphore, #tpu.memory_space<semaphore_mem>>)
    %dma_start3A_15 = arith.constant 40 : i32
    %dma_start3A_16 = arith.constant 0 : i32
    %dma_start3A_17 = tpu.memref_slice %arg8[%dma_start3A_15, %dma_start3A_16] : memref<80x128xf32, #tpu.memory_space<vmem>> -> memref<40x128xf32, #tpu.memory_space<vmem>>
    %dma_start3A_18 = arith.constant 40 : i32
    %dma_start3A_19 = tpu.memref_slice %arg6[%dma_start3A_18] : memref<10000xi32, #tpu.memory_space<vmem>> -> memref<40xi32, #tpu.memory_space<vmem>>
    %dma_start3A_20 = arith.constant 0 : i32
    %dma_start3A_21 = arith.constant 0 : i32
    %dma_start3A_22 = tpu.memref_slice %arg2[%dma_start3A_20, %dma_start3A_21] : memref<10240x128xf32, #tpu.memory_space<hbm>> -> memref<10240x128xf32, #tpu.memory_space<hbm>>
    tpu.enqueue_indirect_dma source(%dma_start3A_22 : memref<10240x128xf32, #tpu.memory_space<hbm>>) target(%dma_start3A_17 : memref<40x128xf32, #tpu.memory_space<vmem>>) offsets(%dma_start3A_19 : memref<40xi32, #tpu.memory_space<vmem>>) semaphore(%arg11 : memref<!tpu.dma_semaphore, #tpu.memory_space<semaphore_mem>>)
    %dma_start3A_23 = arith.constant 0 : i32
    %dma_start3A_24 = arith.constant 0 : i32
    %dma_start3A_25 = tpu.memref_slice %arg9[%dma_start3A_23, %dma_start3A_24] : memref<80x128xf32, #tpu.memory_space<vmem>> -> memref<40x128xf32, #tpu.memory_space<vmem>>
    %dma_start3A_26 = arith.constant 80 : i32
    %dma_start3A_27 = tpu.memref_slice %arg6[%dma_start3A_26] : memref<10000xi32, #tpu.memory_space<vmem>> -> memref<40xi32, #tpu.memory_space<vmem>>
    %dma_start3A_28 = arith.constant 0 : i32
    %dma_start3A_29 = arith.constant 0 : i32
    %dma_start3A_30 = tpu.memref_slice %arg2[%dma_start3A_28, %dma_start3A_29] : memref<10240x128xf32, #tpu.memory_space<hbm>> -> memref<10240x128xf32, #tpu.memory_space<hbm>>
    tpu.enqueue_indirect_dma source(%dma_start3A_30 : memref<10240x128xf32, #tpu.memory_space<hbm>>) target(%dma_start3A_25 : memref<40x128xf32, #tpu.memory_space<vmem>>) offsets(%dma_start3A_27 : memref<40xi32, #tpu.memory_space<vmem>>) semaphore(%arg12 : memref<!tpu.dma_semaphore, #tpu.memory_space<semaphore_mem>>)
    %dma_start3A_31 = arith.constant 40 : i32
    %dma_start3A_32 = arith.constant 0 : i32
    %dma_start3A_33 = tpu.memref_slice %arg9[%dma_start3A_31, %dma_start3A_32] : memref<80x128xf32, #tpu.memory_space<vmem>> -> memref<40x128xf32, #tpu.memory_space<vmem>>
    %dma_start3A_34 = arith.constant 120 : i32
    %dma_start3A_35 = tpu.memref_slice %arg6[%dma_start3A_34] : memref<10000xi32, #tpu.memory_space<vmem>> -> memref<40xi32, #tpu.memory_space<vmem>>
    %dma_start3A_36 = arith.constant 0 : i32
    %dma_start3A_37 = arith.constant 0 : i32
    %dma_start3A_38 = tpu.memref_slice %arg2[%dma_start3A_36, %dma_start3A_37] : memref<10240x128xf32, #tpu.memory_space<hbm>> -> memref<10240x128xf32, #tpu.memory_space<hbm>>
    tpu.enqueue_indirect_dma source(%dma_start3A_38 : memref<10240x128xf32, #tpu.memory_space<hbm>>) target(%dma_start3A_33 : memref<40x128xf32, #tpu.memory_space<vmem>>) offsets(%dma_start3A_35 : memref<40xi32, #tpu.memory_space<vmem>>) semaphore(%arg12 : memref<!tpu.dma_semaphore, #tpu.memory_space<semaphore_mem>>)
    %scan3A = arith.constant 0 : i32
    %scan3A_39 = arith.constant 0 : i32
    %scan3A_40 = arith.constant 62 : i32
    %scan3A_41 = arith.addi %scan3A_39, %scan3A_40 : i32
    %scan3A_42 = arith.constant 1 : i32
    scf.for %scan3A_85 = %scan3A_39 to %scan3A_41 step %scan3A_42  : i32 {
      %mul3A_86 = arith.constant 2 : i32
      %mul3A_87 = arith.muli %mul3A_86, %scan3A_85 : i32
      %mul3A_88 = arith.constant 80 : i32
      %mul3A_89 = arith.muli %mul3A_87, %mul3A_88 : i32
      %dma_wait3A_90 = arith.constant 0 : i32
      %dma_wait3A_91 = arith.constant 0 : i32
      %dma_wait3A_92 = tpu.memref_slice %arg8[%dma_wait3A_90, %dma_wait3A_91] : memref<80x128xf32, #tpu.memory_space<vmem>> -> memref<40x128xf32, #tpu.memory_space<vmem>>
      %dma_wait3A_93 = tpu.memref_slice %arg6[%mul3A_89] : memref<10000xi32, #tpu.memory_space<vmem>> -> memref<40xi32, #tpu.memory_space<vmem>>
      %dma_wait3A_94 = arith.constant 0 : i32
      %dma_wait3A_95 = arith.constant 0 : i32
      %dma_wait3A_96 = tpu.memref_slice %arg2[%dma_wait3A_94, %dma_wait3A_95] : memref<10240x128xf32, #tpu.memory_space<hbm>> -> memref<10240x128xf32, #tpu.memory_space<hbm>>
      tpu.wait_indirect_dma semaphore(%arg11 : memref<!tpu.dma_semaphore, #tpu.memory_space<semaphore_mem>>) src(%dma_wait3A_96 : memref<10240x128xf32, #tpu.memory_space<hbm>>) dst(%dma_wait3A_92 : memref<40x128xf32, #tpu.memory_space<vmem>>)
      %mul3A_97 = arith.constant 80 : i32
      %mul3A_98 = arith.muli %mul3A_87, %mul3A_97 : i32
      %add3A_99 = arith.constant 40 : i32
      %add3A_100 = arith.addi %mul3A_98, %add3A_99 : i32
      %dma_wait3A_101 = arith.constant 40 : i32
      %dma_wait3A_102 = arith.constant 0 : i32
      %dma_wait3A_103 = tpu.memref_slice %arg8[%dma_wait3A_101, %dma_wait3A_102] : memref<80x128xf32, #tpu.memory_space<vmem>> -> memref<40x128xf32, #tpu.memory_space<vmem>>
      %dma_wait3A_104 = tpu.memref_slice %arg6[%add3A_100] : memref<10000xi32, #tpu.memory_space<vmem>> -> memref<40xi32, #tpu.memory_space<vmem>>
      %dma_wait3A_105 = arith.constant 0 : i32
      %dma_wait3A_106 = arith.constant 0 : i32
      %dma_wait3A_107 = tpu.memref_slice %arg2[%dma_wait3A_105, %dma_wait3A_106] : memref<10240x128xf32, #tpu.memory_space<hbm>> -> memref<10240x128xf32, #tpu.memory_space<hbm>>
      tpu.wait_indirect_dma semaphore(%arg11 : memref<!tpu.dma_semaphore, #tpu.memory_space<semaphore_mem>>) src(%dma_wait3A_107 : memref<10240x128xf32, #tpu.memory_space<hbm>>) dst(%dma_wait3A_103 : memref<40x128xf32, #tpu.memory_space<vmem>>)
      %mul3A_108 = arith.constant 80 : i32
      %mul3A_109 = arith.muli %mul3A_87, %mul3A_108 : i32
      %dma_start3A_110 = tpu.memref_slice %arg7[%mul3A_109] : memref<10000xi32, #tpu.memory_space<vmem>> -> memref<80xi32, #tpu.memory_space<vmem>>
      %dma_start3A_111 = arith.constant 0 : i32
      %dma_start3A_112 = arith.constant 0 : i32
      %dma_start3A_113 = tpu.memref_slice %arg10[%dma_start3A_111, %dma_start3A_112] : memref<10240x128xf32, #tpu.memory_space<vmem_shared>> -> memref<10240x128xf32, #tpu.memory_space<vmem_shared>>
      tpu.enqueue_indirect_dma source(%arg8 : memref<80x128xf32, #tpu.memory_space<vmem>>) target(%dma_start3A_113 : memref<10240x128xf32, #tpu.memory_space<vmem_shared>>) offsets(%dma_start3A_110 : memref<80xi32, #tpu.memory_space<vmem>>) semaphore(%arg13 : memref<!tpu.dma_semaphore, #tpu.memory_space<semaphore_mem>>) {add = true}
      %add3A_114 = arith.constant 1 : i32
      %add3A_115 = arith.addi %mul3A_87, %add3A_114 : i32
      %mul3A_116 = arith.constant 80 : i32
      %mul3A_117 = arith.muli %add3A_115, %mul3A_116 : i32
      %dma_wait3A_118 = arith.constant 0 : i32
      %dma_wait3A_119 = arith.constant 0 : i32
      %dma_wait3A_120 = tpu.memref_slice %arg9[%dma_wait3A_118, %dma_wait3A_119] : memref<80x128xf32, #tpu.memory_space<vmem>> -> memref<40x128xf32, #tpu.memory_space<vmem>>
      %dma_wait3A_121 = tpu.memref_slice %arg6[%mul3A_117] : memref<10000xi32, #tpu.memory_space<vmem>> -> memref<40xi32, #tpu.memory_space<vmem>>
      %dma_wait3A_122 = arith.constant 0 : i32
      %dma_wait3A_123 = arith.constant 0 : i32
      %dma_wait3A_124 = tpu.memref_slice %arg2[%dma_wait3A_122, %dma_wait3A_123] : memref<10240x128xf32, #tpu.memory_space<hbm>> -> memref<10240x128xf32, #tpu.memory_space<hbm>>
      tpu.wait_indirect_dma semaphore(%arg12 : memref<!tpu.dma_semaphore, #tpu.memory_space<semaphore_mem>>) src(%dma_wait3A_124 : memref<10240x128xf32, #tpu.memory_space<hbm>>) dst(%dma_wait3A_120 : memref<40x128xf32, #tpu.memory_space<vmem>>)
      %mul3A_125 = arith.constant 80 : i32
      %mul3A_126 = arith.muli %add3A_115, %mul3A_125 : i32
      %add3A_127 = arith.constant 40 : i32
      %add3A_128 = arith.addi %mul3A_126, %add3A_127 : i32
      %dma_wait3A_129 = arith.constant 40 : i32
      %dma_wait3A_130 = arith.constant 0 : i32
      %dma_wait3A_131 = tpu.memref_slice %arg9[%dma_wait3A_129, %dma_wait3A_130] : memref<80x128xf32, #tpu.memory_space<vmem>> -> memref<40x128xf32, #tpu.memory_space<vmem>>
      %dma_wait3A_132 = tpu.memref_slice %arg6[%add3A_128] : memref<10000xi32, #tpu.memory_space<vmem>> -> memref<40xi32, #tpu.memory_space<vmem>>
      %dma_wait3A_133 = arith.constant 0 : i32
      %dma_wait3A_134 = arith.constant 0 : i32
      %dma_wait3A_135 = tpu.memref_slice %arg2[%dma_wait3A_133, %dma_wait3A_134] : memref<10240x128xf32, #tpu.memory_space<hbm>> -> memref<10240x128xf32, #tpu.memory_space<hbm>>
      tpu.wait_indirect_dma semaphore(%arg12 : memref<!tpu.dma_semaphore, #tpu.memory_space<semaphore_mem>>) src(%dma_wait3A_135 : memref<10240x128xf32, #tpu.memory_space<hbm>>) dst(%dma_wait3A_131 : memref<40x128xf32, #tpu.memory_space<vmem>>)
      %add3A_136 = arith.constant 1 : i32
      %add3A_137 = arith.addi %mul3A_87, %add3A_136 : i32
      %mul3A_138 = arith.constant 80 : i32
      %mul3A_139 = arith.muli %add3A_137, %mul3A_138 : i32
      %dma_start3A_140 = tpu.memref_slice %arg7[%mul3A_139] : memref<10000xi32, #tpu.memory_space<vmem>> -> memref<80xi32, #tpu.memory_space<vmem>>
      %dma_start3A_141 = arith.constant 0 : i32
      %dma_start3A_142 = arith.constant 0 : i32
      %dma_start3A_143 = tpu.memref_slice %arg10[%dma_start3A_141, %dma_start3A_142] : memref<10240x128xf32, #tpu.memory_space<vmem_shared>> -> memref<10240x128xf32, #tpu.memory_space<vmem_shared>>
      tpu.enqueue_indirect_dma source(%arg9 : memref<80x128xf32, #tpu.memory_space<vmem>>) target(%dma_start3A_143 : memref<10240x128xf32, #tpu.memory_space<vmem_shared>>) offsets(%dma_start3A_140 : memref<80xi32, #tpu.memory_space<vmem>>) semaphore(%arg14 : memref<!tpu.dma_semaphore, #tpu.memory_space<semaphore_mem>>) {add = true}
      %add3A_144 = arith.constant 2 : i32
      %add3A_145 = arith.addi %mul3A_87, %add3A_144 : i32
      %lt3A_146 = arith.constant 125 : i32
      %lt3A_147 = arith.cmpi slt, %add3A_145, %lt3A_146 : i32
      %convert_element_type3A_148 = arith.extui %lt3A_147 : i1 to i32
      %cond3A_149 = arith.constant 0 : i32
      %cond3A_150 = arith.cmpi ne, %convert_element_type3A_148, %cond3A_149 : i32
      scf.if %cond3A_150 {
        %mul3A_158 = arith.constant 80 : i32
        %mul3A_159 = arith.muli %mul3A_87, %mul3A_158 : i32
        %dma_wait3A_160 = tpu.memref_slice %arg7[%mul3A_159] : memref<10000xi32, #tpu.memory_space<vmem>> -> memref<80xi32, #tpu.memory_space<vmem>>
        %dma_wait3A_161 = arith.constant 0 : i32
        %dma_wait3A_162 = arith.constant 0 : i32
        %dma_wait3A_163 = tpu.memref_slice %arg10[%dma_wait3A_161, %dma_wait3A_162] : memref<10240x128xf32, #tpu.memory_space<vmem_shared>> -> memref<10240x128xf32, #tpu.memory_space<vmem_shared>>
        tpu.wait_indirect_dma semaphore(%arg13 : memref<!tpu.dma_semaphore, #tpu.memory_space<semaphore_mem>>) src(%arg8 : memref<80x128xf32, #tpu.memory_space<vmem>>) dst(%dma_wait3A_163 : memref<10240x128xf32, #tpu.memory_space<vmem_shared>>)
        %add3A_164 = arith.constant 2 : i32
        %add3A_165 = arith.addi %mul3A_87, %add3A_164 : i32
        %mul3A_166 = arith.constant 80 : i32
        %mul3A_167 = arith.muli %add3A_165, %mul3A_166 : i32
        %dma_start3A_168 = arith.constant 0 : i32
        %dma_start3A_169 = arith.constant 0 : i32
        %dma_start3A_170 = tpu.memref_slice %arg8[%dma_start3A_168, %dma_start3A_169] : memref<80x128xf32, #tpu.memory_space<vmem>> -> memref<40x128xf32, #tpu.memory_space<vmem>>
        %dma_start3A_171 = tpu.memref_slice %arg6[%mul3A_167] : memref<10000xi32, #tpu.memory_space<vmem>> -> memref<40xi32, #tpu.memory_space<vmem>>
        %dma_start3A_172 = arith.constant 0 : i32
        %dma_start3A_173 = arith.constant 0 : i32
        %dma_start3A_174 = tpu.memref_slice %arg2[%dma_start3A_172, %dma_start3A_173] : memref<10240x128xf32, #tpu.memory_space<hbm>> -> memref<10240x128xf32, #tpu.memory_space<hbm>>
        tpu.enqueue_indirect_dma source(%dma_start3A_174 : memref<10240x128xf32, #tpu.memory_space<hbm>>) target(%dma_start3A_170 : memref<40x128xf32, #tpu.memory_space<vmem>>) offsets(%dma_start3A_171 : memref<40xi32, #tpu.memory_space<vmem>>) semaphore(%arg11 : memref<!tpu.dma_semaphore, #tpu.memory_space<semaphore_mem>>)
        %mul3A_175 = arith.constant 80 : i32
        %mul3A_176 = arith.muli %add3A_165, %mul3A_175 : i32
        %add3A_177 = arith.constant 40 : i32
        %add3A_178 = arith.addi %mul3A_176, %add3A_177 : i32
        %dma_start3A_179 = arith.constant 40 : i32
        %dma_start3A_180 = arith.constant 0 : i32
        %dma_start3A_181 = tpu.memref_slice %arg8[%dma_start3A_179, %dma_start3A_180] : memref<80x128xf32, #tpu.memory_space<vmem>> -> memref<40x128xf32, #tpu.memory_space<vmem>>
        %dma_start3A_182 = tpu.memref_slice %arg6[%add3A_178] : memref<10000xi32, #tpu.memory_space<vmem>> -> memref<40xi32, #tpu.memory_space<vmem>>
        %dma_start3A_183 = arith.constant 0 : i32
        %dma_start3A_184 = arith.constant 0 : i32
        %dma_start3A_185 = tpu.memref_slice %arg2[%dma_start3A_183, %dma_start3A_184] : memref<10240x128xf32, #tpu.memory_space<hbm>> -> memref<10240x128xf32, #tpu.memory_space<hbm>>
        tpu.enqueue_indirect_dma source(%dma_start3A_185 : memref<10240x128xf32, #tpu.memory_space<hbm>>) target(%dma_start3A_181 : memref<40x128xf32, #tpu.memory_space<vmem>>) offsets(%dma_start3A_182 : memref<40xi32, #tpu.memory_space<vmem>>) semaphore(%arg11 : memref<!tpu.dma_semaphore, #tpu.memory_space<semaphore_mem>>)
      } else {
      }
      %add3A_151 = arith.constant 3 : i32
      %add3A_152 = arith.addi %mul3A_87, %add3A_151 : i32
      %lt3A_153 = arith.constant 125 : i32
      %lt3A_154 = arith.cmpi slt, %add3A_152, %lt3A_153 : i32
      %convert_element_type3A_155 = arith.extui %lt3A_154 : i1 to i32
      %cond3A_156 = arith.constant 0 : i32
      %cond3A_157 = arith.cmpi ne, %convert_element_type3A_155, %cond3A_156 : i32
      scf.if %cond3A_157 {
        %add3A_158 = arith.constant 1 : i32
        %add3A_159 = arith.addi %mul3A_87, %add3A_158 : i32
        %mul3A_160 = arith.constant 80 : i32
        %mul3A_161 = arith.muli %add3A_159, %mul3A_160 : i32
        %dma_wait3A_162 = tpu.memref_slice %arg7[%mul3A_161] : memref<10000xi32, #tpu.memory_space<vmem>> -> memref<80xi32, #tpu.memory_space<vmem>>
        %dma_wait3A_163 = arith.constant 0 : i32
        %dma_wait3A_164 = arith.constant 0 : i32
        %dma_wait3A_165 = tpu.memref_slice %arg10[%dma_wait3A_163, %dma_wait3A_164] : memref<10240x128xf32, #tpu.memory_space<vmem_shared>> -> memref<10240x128xf32, #tpu.memory_space<vmem_shared>>
        tpu.wait_indirect_dma semaphore(%arg14 : memref<!tpu.dma_semaphore, #tpu.memory_space<semaphore_mem>>) src(%arg9 : memref<80x128xf32, #tpu.memory_space<vmem>>) dst(%dma_wait3A_165 : memref<10240x128xf32, #tpu.memory_space<vmem_shared>>)
        %add3A_166 = arith.constant 3 : i32
        %add3A_167 = arith.addi %mul3A_87, %add3A_166 : i32
        %mul3A_168 = arith.constant 80 : i32
        %mul3A_169 = arith.muli %add3A_167, %mul3A_168 : i32
        %dma_start3A_170 = arith.constant 0 : i32
        %dma_start3A_171 = arith.constant 0 : i32
        %dma_start3A_172 = tpu.memref_slice %arg9[%dma_start3A_170, %dma_start3A_171] : memref<80x128xf32, #tpu.memory_space<vmem>> -> memref<40x128xf32, #tpu.memory_space<vmem>>
        %dma_start3A_173 = tpu.memref_slice %arg6[%mul3A_169] : memref<10000xi32, #tpu.memory_space<vmem>> -> memref<40xi32, #tpu.memory_space<vmem>>
        %dma_start3A_174 = arith.constant 0 : i32
        %dma_start3A_175 = arith.constant 0 : i32
        %dma_start3A_176 = tpu.memref_slice %arg2[%dma_start3A_174, %dma_start3A_175] : memref<10240x128xf32, #tpu.memory_space<hbm>> -> memref<10240x128xf32, #tpu.memory_space<hbm>>
        tpu.enqueue_indirect_dma source(%dma_start3A_176 : memref<10240x128xf32, #tpu.memory_space<hbm>>) target(%dma_start3A_172 : memref<40x128xf32, #tpu.memory_space<vmem>>) offsets(%dma_start3A_173 : memref<40xi32, #tpu.memory_space<vmem>>) semaphore(%arg12 : memref<!tpu.dma_semaphore, #tpu.memory_space<semaphore_mem>>)
        %mul3A_177 = arith.constant 80 : i32
        %mul3A_178 = arith.muli %add3A_167, %mul3A_177 : i32
        %add3A_179 = arith.constant 40 : i32
        %add3A_180 = arith.addi %mul3A_178, %add3A_179 : i32
        %dma_start3A_181 = arith.constant 40 : i32
        %dma_start3A_182 = arith.constant 0 : i32
        %dma_start3A_183 = tpu.memref_slice %arg9[%dma_start3A_181, %dma_start3A_182] : memref<80x128xf32, #tpu.memory_space<vmem>> -> memref<40x128xf32, #tpu.memory_space<vmem>>
        %dma_start3A_184 = tpu.memref_slice %arg6[%add3A_180] : memref<10000xi32, #tpu.memory_space<vmem>> -> memref<40xi32, #tpu.memory_space<vmem>>
        %dma_start3A_185 = arith.constant 0 : i32
        %dma_start3A_186 = arith.constant 0 : i32
        %dma_start3A_187 = tpu.memref_slice %arg2[%dma_start3A_185, %dma_start3A_186] : memref<10240x128xf32, #tpu.memory_space<hbm>> -> memref<10240x128xf32, #tpu.memory_space<hbm>>
        tpu.enqueue_indirect_dma source(%dma_start3A_187 : memref<10240x128xf32, #tpu.memory_space<hbm>>) target(%dma_start3A_183 : memref<40x128xf32, #tpu.memory_space<vmem>>) offsets(%dma_start3A_184 : memref<40xi32, #tpu.memory_space<vmem>>) semaphore(%arg12 : memref<!tpu.dma_semaphore, #tpu.memory_space<semaphore_mem>>)
      } else {
      }
    }
    %scan3A_43 = arith.constant 62 : i32
    %dma_wait3A = arith.constant 0 : i32
    %dma_wait3A_44 = arith.constant 0 : i32
    %dma_wait3A_45 = tpu.memref_slice %arg8[%dma_wait3A, %dma_wait3A_44] : memref<80x128xf32, #tpu.memory_space<vmem>> -> memref<40x128xf32, #tpu.memory_space<vmem>>
    %dma_wait3A_46 = arith.constant 9920 : i32
    %dma_wait3A_47 = tpu.memref_slice %arg6[%dma_wait3A_46] : memref<10000xi32, #tpu.memory_space<vmem>> -> memref<40xi32, #tpu.memory_space<vmem>>
    %dma_wait3A_48 = arith.constant 0 : i32
    %dma_wait3A_49 = arith.constant 0 : i32
    %dma_wait3A_50 = tpu.memref_slice %arg2[%dma_wait3A_48, %dma_wait3A_49] : memref<10240x128xf32, #tpu.memory_space<hbm>> -> memref<10240x128xf32, #tpu.memory_space<hbm>>
    tpu.wait_indirect_dma semaphore(%arg11 : memref<!tpu.dma_semaphore, #tpu.memory_space<semaphore_mem>>) src(%dma_wait3A_50 : memref<10240x128xf32, #tpu.memory_space<hbm>>) dst(%dma_wait3A_45 : memref<40x128xf32, #tpu.memory_space<vmem>>)
    %dma_wait3A_51 = arith.constant 40 : i32
    %dma_wait3A_52 = arith.constant 0 : i32
    %dma_wait3A_53 = tpu.memref_slice %arg8[%dma_wait3A_51, %dma_wait3A_52] : memref<80x128xf32, #tpu.memory_space<vmem>> -> memref<40x128xf32, #tpu.memory_space<vmem>>
    %dma_wait3A_54 = arith.constant 9960 : i32
    %dma_wait3A_55 = tpu.memref_slice %arg6[%dma_wait3A_54] : memref<10000xi32, #tpu.memory_space<vmem>> -> memref<40xi32, #tpu.memory_space<vmem>>
    %dma_wait3A_56 = arith.constant 0 : i32
    %dma_wait3A_57 = arith.constant 0 : i32
    %dma_wait3A_58 = tpu.memref_slice %arg2[%dma_wait3A_56, %dma_wait3A_57] : memref<10240x128xf32, #tpu.memory_space<hbm>> -> memref<10240x128xf32, #tpu.memory_space<hbm>>
    tpu.wait_indirect_dma semaphore(%arg11 : memref<!tpu.dma_semaphore, #tpu.memory_space<semaphore_mem>>) src(%dma_wait3A_58 : memref<10240x128xf32, #tpu.memory_space<hbm>>) dst(%dma_wait3A_53 : memref<40x128xf32, #tpu.memory_space<vmem>>)
    %dma_start3A_59 = arith.constant 9920 : i32
    %dma_start3A_60 = tpu.memref_slice %arg7[%dma_start3A_59] : memref<10000xi32, #tpu.memory_space<vmem>> -> memref<80xi32, #tpu.memory_space<vmem>>
    %dma_start3A_61 = arith.constant 0 : i32
    %dma_start3A_62 = arith.constant 0 : i32
    %dma_start3A_63 = tpu.memref_slice %arg10[%dma_start3A_61, %dma_start3A_62] : memref<10240x128xf32, #tpu.memory_space<vmem_shared>> -> memref<10240x128xf32, #tpu.memory_space<vmem_shared>>
    tpu.enqueue_indirect_dma source(%arg8 : memref<80x128xf32, #tpu.memory_space<vmem>>) target(%dma_start3A_63 : memref<10240x128xf32, #tpu.memory_space<vmem_shared>>) offsets(%dma_start3A_60 : memref<80xi32, #tpu.memory_space<vmem>>) semaphore(%arg13 : memref<!tpu.dma_semaphore, #tpu.memory_space<semaphore_mem>>) {add = true}
    %dma_wait3A_64 = arith.constant 9920 : i32
    %dma_wait3A_65 = tpu.memref_slice %arg7[%dma_wait3A_64] : memref<10000xi32, #tpu.memory_space<vmem>> -> memref<80xi32, #tpu.memory_space<vmem>>
    %dma_wait3A_66 = arith.constant 0 : i32
    %dma_wait3A_67 = arith.constant 0 : i32
    %dma_wait3A_68 = tpu.memref_slice %arg10[%dma_wait3A_66, %dma_wait3A_67] : memref<10240x128xf32, #tpu.memory_space<vmem_shared>> -> memref<10240x128xf32, #tpu.memory_space<vmem_shared>>
    tpu.wait_indirect_dma semaphore(%arg13 : memref<!tpu.dma_semaphore, #tpu.memory_space<semaphore_mem>>) src(%arg8 : memref<80x128xf32, #tpu.memory_space<vmem>>) dst(%dma_wait3A_68 : memref<10240x128xf32, #tpu.memory_space<vmem_shared>>)
    %dma_wait3A_69 = arith.constant 9840 : i32
    %dma_wait3A_70 = tpu.memref_slice %arg7[%dma_wait3A_69] : memref<10000xi32, #tpu.memory_space<vmem>> -> memref<80xi32, #tpu.memory_space<vmem>>
    %dma_wait3A_71 = arith.constant 0 : i32
    %dma_wait3A_72 = arith.constant 0 : i32
    %dma_wait3A_73 = tpu.memref_slice %arg10[%dma_wait3A_71, %dma_wait3A_72] : memref<10240x128xf32, #tpu.memory_space<vmem_shared>> -> memref<10240x128xf32, #tpu.memory_space<vmem_shared>>
    tpu.wait_indirect_dma semaphore(%arg14 : memref<!tpu.dma_semaphore, #tpu.memory_space<semaphore_mem>>) src(%arg9 : memref<80x128xf32, #tpu.memory_space<vmem>>) dst(%dma_wait3A_73 : memref<10240x128xf32, #tpu.memory_space<vmem_shared>>)
    %barrier3A_74 = arith.constant 0 : index
    tpu.barrier barrier_id(%barrier3A_74)
    %lt3A_75 = arith.constant 15 : i32
    %lt3A_76 = arith.cmpi slt, %arg1, %lt3A_75 : i32
    %convert_element_type3A_77 = arith.extui %lt3A_76 : i1 to i32
    %cond3A_78 = arith.constant 0 : i32
    %cond3A_79 = arith.cmpi ne, %convert_element_type3A_77, %cond3A_78 : i32
    scf.if %cond3A_79 {
      %mul3A_85 = arith.constant 632 : i32
      %mul3A_86 = arith.muli %arg1, %mul3A_85 : i32
      %mul3A_87 = arith.constant 632 : i32
      %mul3A_88 = arith.muli %arg1, %mul3A_87 : i32
      "tpu.region"() ({
        %run_scoped3A_89 = tpu.sem_alloc : memref<!tpu.dma_semaphore, #tpu.memory_space<semaphore_mem>>
        %dma_start3A_90 = arith.constant 0 : i32
        %dma_start3A_91 = arith.constant 0 : i32
        %dma_start3A_92 = tpu.memref_slice %arg5[%arg0, %dma_start3A_90, %dma_start3A_91] : memref<2x10240x128xf32, #tpu.memory_space<hbm>> -> memref<1x10240x128xf32, #tpu.memory_space<hbm>>
        %dma_start3A_93 = tpu.memref_squeeze %dma_start3A_92 : memref<1x10240x128xf32, #tpu.memory_space<hbm>> -> memref<10240x128xf32, #tpu.memory_space<hbm>>
        %dma_start3A_94 = arith.constant 0 : i32
        %dma_start3A_95 = tpu.memref_slice %dma_start3A_93[%mul3A_88, %dma_start3A_94] : memref<10240x128xf32, #tpu.memory_space<hbm>> -> memref<632x128xf32, #tpu.memory_space<hbm>>
        %dma_start3A_96 = arith.constant 0 : i32
        %dma_start3A_97 = tpu.memref_slice %arg10[%mul3A_86, %dma_start3A_96] : memref<10240x128xf32, #tpu.memory_space<vmem_shared>> -> memref<632x128xf32, #tpu.memory_space<vmem_shared>>
        tpu.enqueue_dma source(%dma_start3A_97 : memref<632x128xf32, #tpu.memory_space<vmem_shared>>) target(%dma_start3A_95 : memref<632x128xf32, #tpu.memory_space<hbm>>) target_semaphore(%run_scoped3A_89 : memref<!tpu.dma_semaphore, #tpu.memory_space<semaphore_mem>>)
        %dma_wait3A_98 = arith.constant 0 : i32
        %dma_wait3A_99 = arith.constant 0 : i32
        %dma_wait3A_100 = tpu.memref_slice %arg5[%arg0, %dma_wait3A_98, %dma_wait3A_99] : memref<2x10240x128xf32, #tpu.memory_space<hbm>> -> memref<1x10240x128xf32, #tpu.memory_space<hbm>>
        %dma_wait3A_101 = tpu.memref_squeeze %dma_wait3A_100 : memref<1x10240x128xf32, #tpu.memory_space<hbm>> -> memref<10240x128xf32, #tpu.memory_space<hbm>>
        %dma_wait3A_102 = arith.constant 0 : i32
        %dma_wait3A_103 = tpu.memref_slice %dma_wait3A_101[%mul3A_88, %dma_wait3A_102] : memref<10240x128xf32, #tpu.memory_space<hbm>> -> memref<632x128xf32, #tpu.memory_space<hbm>>
        %dma_wait3A_104 = arith.constant 0 : i32
        %dma_wait3A_105 = tpu.memref_slice %arg10[%mul3A_86, %dma_wait3A_104] : memref<10240x128xf32, #tpu.memory_space<vmem_shared>> -> memref<632x128xf32, #tpu.memory_space<vmem_shared>>
        tpu.wait_dma2 semaphore(%run_scoped3A_89 : memref<!tpu.dma_semaphore, #tpu.memory_space<semaphore_mem>>) src(%dma_wait3A_105 : memref<632x128xf32, #tpu.memory_space<vmem_shared>>) dst(%dma_wait3A_103 : memref<632x128xf32, #tpu.memory_space<hbm>>)
        tpu.yield
      }) : () -> ()
    } else {
    }
    %eq3A_80 = arith.constant 15 : i32
    %eq3A_81 = arith.cmpi eq, %arg1, %eq3A_80 : i32
    %convert_element_type3A_82 = arith.extui %eq3A_81 : i1 to i32
    %cond3A_83 = arith.constant 0 : i32
    %cond3A_84 = arith.cmpi ne, %convert_element_type3A_82, %cond3A_83 : i32
    scf.if %cond3A_84 {
      "tpu.region"() ({
        %run_scoped3A_85 = tpu.sem_alloc : memref<!tpu.dma_semaphore, #tpu.memory_space<semaphore_mem>>
        %dma_start3A_86 = arith.constant 0 : i32
        %dma_start3A_87 = arith.constant 0 : i32
        %dma_start3A_88 = tpu.memref_slice %arg5[%arg0, %dma_start3A_86, %dma_start3A_87] : memref<2x10240x128xf32, #tpu.memory_space<hbm>> -> memref<1x10240x128xf32, #tpu.memory_space<hbm>>
        %dma_start3A_89 = tpu.memref_squeeze %dma_start3A_88 : memref<1x10240x128xf32, #tpu.memory_space<hbm>> -> memref<10240x128xf32, #tpu.memory_space<hbm>>
        %dma_start3A_90 = arith.constant 9480 : i32
        %dma_start3A_91 = arith.constant 0 : i32
        %dma_start3A_92 = tpu.memref_slice %dma_start3A_89[%dma_start3A_90, %dma_start3A_91] : memref<10240x128xf32, #tpu.memory_space<hbm>> -> memref<520x128xf32, #tpu.memory_space<hbm>>
        %dma_start3A_93 = arith.constant 9480 : i32
        %dma_start3A_94 = arith.constant 0 : i32
        %dma_start3A_95 = tpu.memref_slice %arg10[%dma_start3A_93, %dma_start3A_94] : memref<10240x128xf32, #tpu.memory_space<vmem_shared>> -> memref<520x128xf32, #tpu.memory_space<vmem_shared>>
        tpu.enqueue_dma source(%dma_start3A_95 : memref<520x128xf32, #tpu.memory_space<vmem_shared>>) target(%dma_start3A_92 : memref<520x128xf32, #tpu.memory_space<hbm>>) target_semaphore(%run_scoped3A_85 : memref<!tpu.dma_semaphore, #tpu.memory_space<semaphore_mem>>)
        %dma_wait3A_96 = arith.constant 0 : i32
        %dma_wait3A_97 = arith.constant 0 : i32
        %dma_wait3A_98 = tpu.memref_slice %arg5[%arg0, %dma_wait3A_96, %dma_wait3A_97] : memref<2x10240x128xf32, #tpu.memory_space<hbm>> -> memref<1x10240x128xf32, #tpu.memory_space<hbm>>
        %dma_wait3A_99 = tpu.memref_squeeze %dma_wait3A_98 : memref<1x10240x128xf32, #tpu.memory_space<hbm>> -> memref<10240x128xf32, #tpu.memory_space<hbm>>
        %dma_wait3A_100 = arith.constant 9480 : i32
        %dma_wait3A_101 = arith.constant 0 : i32
        %dma_wait3A_102 = tpu.memref_slice %dma_wait3A_99[%dma_wait3A_100, %dma_wait3A_101] : memref<10240x128xf32, #tpu.memory_space<hbm>> -> memref<520x128xf32, #tpu.memory_space<hbm>>
        %dma_wait3A_103 = arith.constant 9480 : i32
        %dma_wait3A_104 = arith.constant 0 : i32
        %dma_wait3A_105 = tpu.memref_slice %arg10[%dma_wait3A_103, %dma_wait3A_104] : memref<10240x128xf32, #tpu.memory_space<vmem_shared>> -> memref<520x128xf32, #tpu.memory_space<vmem_shared>>
        tpu.wait_dma2 semaphore(%run_scoped3A_85 : memref<!tpu.dma_semaphore, #tpu.memory_space<semaphore_mem>>) src(%dma_wait3A_105 : memref<520x128xf32, #tpu.memory_space<vmem_shared>>) dst(%dma_wait3A_102 : memref<520x128xf32, #tpu.memory_space<hbm>>)
        tpu.yield
      }) : () -> ()
    } else {
    }
    return
  }
}

#map = affine_map<(d0, d1) -> (0, 0, 0)>
#map1 = affine_map<(d0, d1) -> (0, 0)>
module attributes {stable_mosaic.version = 14 : i64} {
  func.func @_hist(%arg0: i32, %arg1: i32, %arg2: memref<2x32x10000xi32, #tpu.memory_space<hbm>>, %arg3: memref<10240x128xf32, #tpu.memory_space<hbm>>, %arg4: memref<2x80x128xf32, #tpu.memory_space<hbm>>, %arg5: memref<10000xi32, #tpu.memory_space<vmem>>, %arg6: memref<80x128xf32, #tpu.memory_space<vmem>>, %arg7: memref<80xi32, #tpu.memory_space<vmem>>, %arg8: memref<80x128xf32, #tpu.memory_space<vmem_shared>>) attributes {dimension_semantics = [#tpu.dimension_semantics<core_parallel>, #tpu.dimension_semantics<subcore_parallel>], iteration_bounds = array<i64: 2, 16>, scalar_prefetch = 0 : i64, scratch_operands = 4 : i64, tpu.core_type = #tpu.core_type<sc_vector_subcore>, window_params = [{transform_indices = #map}, {transform_indices = #map1}, {transform_indices = #map}]} {
    %mul3A = arith.constant 16 : i32
    %mul3A_0 = arith.muli %arg0, %mul3A : i32
    %add3A = arith.addi %mul3A_0, %arg1 : i32
    %run_scoped3A = arith.constant 1 : i32
    "tpu.region"() ({
      %run_scoped3A_21 = tpu.sem_alloc : memref<!tpu.dma_semaphore, #tpu.memory_space<semaphore_mem>>
      %dma_start3A = arith.constant 0 : i32
      %dma_start3A_22 = tpu.memref_slice %arg2[%run_scoped3A, %add3A, %dma_start3A] : memref<2x32x10000xi32, #tpu.memory_space<hbm>> -> memref<1x1x10000xi32, #tpu.memory_space<hbm>>
      %dma_start3A_23 = tpu.memref_squeeze %dma_start3A_22 : memref<1x1x10000xi32, #tpu.memory_space<hbm>> -> memref<10000xi32, #tpu.memory_space<hbm>>
      %dma_start3A_24 = arith.constant 0 : i32
      %dma_start3A_25 = tpu.memref_slice %arg2[%run_scoped3A, %add3A, %dma_start3A_24] : memref<2x32x10000xi32, #tpu.memory_space<hbm>> -> memref<1x1x10000xi32, #tpu.memory_space<hbm>>
      %dma_start3A_26 = tpu.memref_squeeze %dma_start3A_25 : memref<1x1x10000xi32, #tpu.memory_space<hbm>> -> memref<10000xi32, #tpu.memory_space<hbm>>
      tpu.enqueue_dma source(%dma_start3A_26 : memref<10000xi32, #tpu.memory_space<hbm>>) target(%arg5 : memref<10000xi32, #tpu.memory_space<vmem>>) target_semaphore(%run_scoped3A_21 : memref<!tpu.dma_semaphore, #tpu.memory_space<semaphore_mem>>)
      %dma_wait3A = arith.constant 0 : i32
      %dma_wait3A_27 = tpu.memref_slice %arg2[%run_scoped3A, %add3A, %dma_wait3A] : memref<2x32x10000xi32, #tpu.memory_space<hbm>> -> memref<1x1x10000xi32, #tpu.memory_space<hbm>>
      %dma_wait3A_28 = tpu.memref_squeeze %dma_wait3A_27 : memref<1x1x10000xi32, #tpu.memory_space<hbm>> -> memref<10000xi32, #tpu.memory_space<hbm>>
      %dma_wait3A_29 = arith.constant 0 : i32
      %dma_wait3A_30 = tpu.memref_slice %arg2[%run_scoped3A, %add3A, %dma_wait3A_29] : memref<2x32x10000xi32, #tpu.memory_space<hbm>> -> memref<1x1x10000xi32, #tpu.memory_space<hbm>>
      %dma_wait3A_31 = tpu.memref_squeeze %dma_wait3A_30 : memref<1x1x10000xi32, #tpu.memory_space<hbm>> -> memref<10000xi32, #tpu.memory_space<hbm>>
      tpu.wait_dma2 semaphore(%run_scoped3A_21 : memref<!tpu.dma_semaphore, #tpu.memory_space<semaphore_mem>>) src(%dma_wait3A_31 : memref<10000xi32, #tpu.memory_space<hbm>>) dst(%arg5 : memref<10000xi32, #tpu.memory_space<vmem>>)
      tpu.yield
    }) : () -> ()
    "tpu.region"() ({
      %run_scoped3A_21 = tpu.sem_alloc : memref<!tpu.dma_semaphore, #tpu.memory_space<semaphore_mem>>
      %dma_start3A = arith.constant 0 : i32
      %dma_start3A_22 = arith.constant 0 : i32
      %dma_start3A_23 = tpu.memref_slice %arg3[%dma_start3A, %dma_start3A_22] : memref<10240x128xf32, #tpu.memory_space<hbm>> -> memref<80x128xf32, #tpu.memory_space<hbm>>
      %dma_start3A_24 = arith.constant 0 : i32
      %dma_start3A_25 = arith.constant 0 : i32
      %dma_start3A_26 = tpu.memref_slice %arg3[%dma_start3A_24, %dma_start3A_25] : memref<10240x128xf32, #tpu.memory_space<hbm>> -> memref<80x128xf32, #tpu.memory_space<hbm>>
      tpu.enqueue_dma source(%dma_start3A_26 : memref<80x128xf32, #tpu.memory_space<hbm>>) target(%arg6 : memref<80x128xf32, #tpu.memory_space<vmem>>) target_semaphore(%run_scoped3A_21 : memref<!tpu.dma_semaphore, #tpu.memory_space<semaphore_mem>>)
      %dma_wait3A = arith.constant 0 : i32
      %dma_wait3A_27 = arith.constant 0 : i32
      %dma_wait3A_28 = tpu.memref_slice %arg3[%dma_wait3A, %dma_wait3A_27] : memref<10240x128xf32, #tpu.memory_space<hbm>> -> memref<80x128xf32, #tpu.memory_space<hbm>>
      %dma_wait3A_29 = arith.constant 0 : i32
      %dma_wait3A_30 = arith.constant 0 : i32
      %dma_wait3A_31 = tpu.memref_slice %arg3[%dma_wait3A_29, %dma_wait3A_30] : memref<10240x128xf32, #tpu.memory_space<hbm>> -> memref<80x128xf32, #tpu.memory_space<hbm>>
      tpu.wait_dma2 semaphore(%run_scoped3A_21 : memref<!tpu.dma_semaphore, #tpu.memory_space<semaphore_mem>>) src(%dma_wait3A_31 : memref<80x128xf32, #tpu.memory_space<hbm>>) dst(%arg6 : memref<80x128xf32, #tpu.memory_space<vmem>>)
      tpu.yield
    }) : () -> ()
    %eq3A = arith.constant 0 : i32
    %eq3A_1 = arith.cmpi eq, %arg1, %eq3A : i32
    %convert_element_type3A = arith.extui %eq3A_1 : i1 to i32
    %cond3A = arith.constant 0 : i32
    %cond3A_2 = arith.cmpi ne, %convert_element_type3A, %cond3A : i32
    scf.if %cond3A_2 {
      "tpu.region"() ({
        %run_scoped3A_21 = tpu.sem_alloc : memref<!tpu.dma_semaphore, #tpu.memory_space<semaphore_mem>>
        %dma_start3A = arith.constant 0 : i32
        %dma_start3A_22 = arith.constant 0 : i32
        %dma_start3A_23 = tpu.memref_slice %arg3[%dma_start3A, %dma_start3A_22] : memref<10240x128xf32, #tpu.memory_space<hbm>> -> memref<80x128xf32, #tpu.memory_space<hbm>>
        tpu.enqueue_dma source(%dma_start3A_23 : memref<80x128xf32, #tpu.memory_space<hbm>>) target(%arg8 : memref<80x128xf32, #tpu.memory_space<vmem_shared>>) target_semaphore(%run_scoped3A_21 : memref<!tpu.dma_semaphore, #tpu.memory_space<semaphore_mem>>)
        %dma_wait3A = arith.constant 0 : i32
        %dma_wait3A_24 = arith.constant 0 : i32
        %dma_wait3A_25 = tpu.memref_slice %arg3[%dma_wait3A, %dma_wait3A_24] : memref<10240x128xf32, #tpu.memory_space<hbm>> -> memref<80x128xf32, #tpu.memory_space<hbm>>
        tpu.wait_dma2 semaphore(%run_scoped3A_21 : memref<!tpu.dma_semaphore, #tpu.memory_space<semaphore_mem>>) src(%dma_wait3A_25 : memref<80x128xf32, #tpu.memory_space<hbm>>) dst(%arg8 : memref<80x128xf32, #tpu.memory_space<vmem_shared>>)
        tpu.yield
      }) : () -> ()
    } else {
    }
    %scan3A = arith.constant 0 : i32
    %scan3A_3 = arith.constant 0 : i32
    %scan3A_4 = arith.constant 5 : i32
    %scan3A_5 = arith.addi %scan3A_3, %scan3A_4 : i32
    %scan3A_6 = arith.constant 1 : i32
    scf.for %scan3A_21 = %scan3A_3 to %scan3A_5 step %scan3A_6  : i32 {
      %iota3A = tpu.iota {dimensions = array<i32: 0>} : vector<16xi32>
      %mul3A_22 = arith.constant 16 : i32
      %mul3A_23 = arith.muli %scan3A_21, %mul3A_22 : i32
      %add3A_24 = vector.broadcast %mul3A_23 : i32 to vector<16xi32>
      %add3A_25 = arith.addi %iota3A, %add3A_24 : vector<16xi32>
      %mul3A_26 = arith.constant 16 : i32
      %mul3A_27 = arith.muli %scan3A_21, %mul3A_26 : i32
      %swap3A = arith.index_cast %mul3A_27 : i32 to index
      %swap3A_28 = tpu.vector_load %arg7[%swap3A] {strides = array<i32>} : memref<80xi32, #tpu.memory_space<vmem>>, vector<16xi32>,
      tpu.vector_store %arg7[%swap3A], %add3A_25 {strides = array<i32>} : memref<80xi32, #tpu.memory_space<vmem>>, vector<16xi32>,
    }
    %scan3A_7 = arith.constant 5 : i32
    %broadcast_in_dim3A = arith.constant 1.000000e+00 : f32
    %broadcast_in_dim3A_8 = vector.broadcast %broadcast_in_dim3A : f32 to vector<16xf32>
    %scan3A_9 = arith.constant 0 : i32
    %scan3A_10 = arith.constant 0 : i32
    %scan3A_11 = arith.constant 625 : i32
    %scan3A_12 = arith.addi %scan3A_10, %scan3A_11 : i32
    %scan3A_13 = arith.constant 1 : i32
    scf.for %scan3A_21 = %scan3A_10 to %scan3A_12 step %scan3A_13  : i32 {
      %mul3A_22 = arith.constant 16 : i32
      %mul3A_23 = arith.muli %scan3A_21, %mul3A_22 : i32
      %get3A = arith.index_cast %mul3A_23 : i32 to index
      %get3A_24 = tpu.vector_load %arg5[%get3A] {strides = array<i32>} : memref<10000xi32, #tpu.memory_space<vmem>>, vector<16xi32>,
      %shift_right_arithmetic3A = arith.constant 7 : i32
      %shift_right_arithmetic3A_25 = vector.broadcast %shift_right_arithmetic3A : i32 to vector<16xi32>
      %shift_right_arithmetic3A_26 = arith.shrsi %get3A_24, %shift_right_arithmetic3A_25 : vector<16xi32>
      %and3A = arith.constant 127 : i32
      %and3A_27 = vector.broadcast %and3A : i32 to vector<16xi32>
      %and3A_28 = arith.andi %get3A_24, %and3A_27 : vector<16xi32>
      tpu.vector_store_idx %arg6[%shift_right_arithmetic3A_26, %and3A_28], %broadcast_in_dim3A_8 {add = true} : memref<80x128xf32, #tpu.memory_space<vmem>>[vector<16xi32>, vector<16xi32>], vector<16xf32>,
    }
    %scan3A_14 = arith.constant 625 : i32
    %barrier3A = arith.constant 0 : index
    tpu.barrier barrier_id(%barrier3A)
    "tpu.region"() ({
      %run_scoped3A_21 = tpu.sem_alloc : memref<!tpu.dma_semaphore, #tpu.memory_space<semaphore_mem>>
      %dma_start3A = arith.constant 0 : i32
      %dma_start3A_22 = arith.constant 0 : i32
      %dma_start3A_23 = tpu.memref_slice %arg8[%dma_start3A, %dma_start3A_22] : memref<80x128xf32, #tpu.memory_space<vmem_shared>> -> memref<80x128xf32, #tpu.memory_space<vmem_shared>>
      tpu.enqueue_indirect_dma source(%arg6 : memref<80x128xf32, #tpu.memory_space<vmem>>) target(%dma_start3A_23 : memref<80x128xf32, #tpu.memory_space<vmem_shared>>) offsets(%arg7 : memref<80xi32, #tpu.memory_space<vmem>>) semaphore(%run_scoped3A_21 : memref<!tpu.dma_semaphore, #tpu.memory_space<semaphore_mem>>) {add = true}
      %dma_wait3A = arith.constant 0 : i32
      %dma_wait3A_24 = arith.constant 0 : i32
      %dma_wait3A_25 = tpu.memref_slice %arg8[%dma_wait3A, %dma_wait3A_24] : memref<80x128xf32, #tpu.memory_space<vmem_shared>> -> memref<80x128xf32, #tpu.memory_space<vmem_shared>>
      tpu.wait_indirect_dma semaphore(%run_scoped3A_21 : memref<!tpu.dma_semaphore, #tpu.memory_space<semaphore_mem>>) src(%arg6 : memref<80x128xf32, #tpu.memory_space<vmem>>) dst(%dma_wait3A_25 : memref<80x128xf32, #tpu.memory_space<vmem_shared>>)
      tpu.yield
    }) : () -> ()
    %barrier3A_15 = arith.constant 0 : index
    tpu.barrier barrier_id(%barrier3A_15)
    %eq3A_16 = arith.constant 0 : i32
    %eq3A_17 = arith.cmpi eq, %arg1, %eq3A_16 : i32
    %convert_element_type3A_18 = arith.extui %eq3A_17 : i1 to i32
    %cond3A_19 = arith.constant 0 : i32
    %cond3A_20 = arith.cmpi ne, %convert_element_type3A_18, %cond3A_19 : i32
    scf.if %cond3A_20 {
      "tpu.region"() ({
        %run_scoped3A_21 = tpu.sem_alloc : memref<!tpu.dma_semaphore, #tpu.memory_space<semaphore_mem>>
        %dma_start3A = arith.constant 0 : i32
        %dma_start3A_22 = arith.constant 0 : i32
        %dma_start3A_23 = tpu.memref_slice %arg4[%arg0, %dma_start3A, %dma_start3A_22] : memref<2x80x128xf32, #tpu.memory_space<hbm>> -> memref<1x80x128xf32, #tpu.memory_space<hbm>>
        %dma_start3A_24 = tpu.memref_squeeze %dma_start3A_23 : memref<1x80x128xf32, #tpu.memory_space<hbm>> -> memref<80x128xf32, #tpu.memory_space<hbm>>
        tpu.enqueue_dma source(%arg8 : memref<80x128xf32, #tpu.memory_space<vmem_shared>>) target(%dma_start3A_24 : memref<80x128xf32, #tpu.memory_space<hbm>>) target_semaphore(%run_scoped3A_21 : memref<!tpu.dma_semaphore, #tpu.memory_space<semaphore_mem>>)
        %dma_wait3A = arith.constant 0 : i32
        %dma_wait3A_25 = arith.constant 0 : i32
        %dma_wait3A_26 = tpu.memref_slice %arg4[%arg0, %dma_wait3A, %dma_wait3A_25] : memref<2x80x128xf32, #tpu.memory_space<hbm>> -> memref<1x80x128xf32, #tpu.memory_space<hbm>>
        %dma_wait3A_27 = tpu.memref_squeeze %dma_wait3A_26 : memref<1x80x128xf32, #tpu.memory_space<hbm>> -> memref<80x128xf32, #tpu.memory_space<hbm>>
        tpu.wait_dma2 semaphore(%run_scoped3A_21 : memref<!tpu.dma_semaphore, #tpu.memory_space<semaphore_mem>>) src(%arg8 : memref<80x128xf32, #tpu.memory_space<vmem_shared>>) dst(%dma_wait3A_27 : memref<80x128xf32, #tpu.memory_space<hbm>>)
        tpu.yield
      }) : () -> ()
    } else {
    }
    return
  }
}

#map = affine_map<(d0, d1) -> (0, 0)>
#map1 = affine_map<(d0, d1) -> (0, 0, 0)>
module attributes {stable_mosaic.version = 14 : i64} {
  func.func @_agg(%arg0: i32, %arg1: i32, %arg2: memref<10240x128xf32, #tpu.memory_space<hbm>>, %arg3: memref<2x32x10000xi32, #tpu.memory_space<hbm>>, %arg4: memref<10240x128xf32, #tpu.memory_space<hbm>>, %arg5: memref<2x10240x128xf32, #tpu.memory_space<hbm>>, %arg6: memref<10000xi32, #tpu.memory_space<vmem>>, %arg7: memref<10000xi32, #tpu.memory_space<vmem>>, %arg8: memref<80x128xf32, #tpu.memory_space<vmem>>, %arg9: memref<80x128xf32, #tpu.memory_space<vmem>>, %arg10: memref<10240x128xf32, #tpu.memory_space<vmem_shared>>, %arg11: memref<!tpu.dma_semaphore, #tpu.memory_space<semaphore_mem>>, %arg12: memref<!tpu.dma_semaphore, #tpu.memory_space<semaphore_mem>>, %arg13: memref<!tpu.dma_semaphore, #tpu.memory_space<semaphore_mem>>, %arg14: memref<!tpu.dma_semaphore, #tpu.memory_space<semaphore_mem>>) attributes {dimension_semantics = [#tpu.dimension_semantics<core_parallel>, #tpu.dimension_semantics<subcore_parallel>], iteration_bounds = array<i64: 2, 16>, scalar_prefetch = 0 : i64, scratch_operands = 9 : i64, tpu.core_type = #tpu.core_type<sc_vector_subcore>, window_params = [{transform_indices = #map}, {transform_indices = #map1}, {transform_indices = #map}, {transform_indices = #map1}]} {
    %mul3A = arith.constant 16 : i32
    %mul3A_0 = arith.muli %arg0, %mul3A : i32
    %add3A = arith.addi %mul3A_0, %arg1 : i32
    %run_scoped3A = arith.constant 0 : i32
    "tpu.region"() ({
      %run_scoped3A_85 = tpu.sem_alloc : memref<!tpu.dma_semaphore, #tpu.memory_space<semaphore_mem>>
      %dma_start3A_86 = arith.constant 0 : i32
      %dma_start3A_87 = tpu.memref_slice %arg3[%run_scoped3A, %add3A, %dma_start3A_86] : memref<2x32x10000xi32, #tpu.memory_space<hbm>> -> memref<1x1x10000xi32, #tpu.memory_space<hbm>>
      %dma_start3A_88 = tpu.memref_squeeze %dma_start3A_87 : memref<1x1x10000xi32, #tpu.memory_space<hbm>> -> memref<10000xi32, #tpu.memory_space<hbm>>
      %dma_start3A_89 = arith.constant 0 : i32
      %dma_start3A_90 = tpu.memref_slice %arg3[%run_scoped3A, %add3A, %dma_start3A_89] : memref<2x32x10000xi32, #tpu.memory_space<hbm>> -> memref<1x1x10000xi32, #tpu.memory_space<hbm>>
      %dma_start3A_91 = tpu.memref_squeeze %dma_start3A_90 : memref<1x1x10000xi32, #tpu.memory_space<hbm>> -> memref<10000xi32, #tpu.memory_space<hbm>>
      tpu.enqueue_dma source(%dma_start3A_91 : memref<10000xi32, #tpu.memory_space<hbm>>) target(%arg6 : memref<10000xi32, #tpu.memory_space<vmem>>) target_semaphore(%run_scoped3A_85 : memref<!tpu.dma_semaphore, #tpu.memory_space<semaphore_mem>>)
      %dma_wait3A_92 = arith.constant 0 : i32
      %dma_wait3A_93 = tpu.memref_slice %arg3[%run_scoped3A, %add3A, %dma_wait3A_92] : memref<2x32x10000xi32, #tpu.memory_space<hbm>> -> memref<1x1x10000xi32, #tpu.memory_space<hbm>>
      %dma_wait3A_94 = tpu.memref_squeeze %dma_wait3A_93 : memref<1x1x10000xi32, #tpu.memory_space<hbm>> -> memref<10000xi32, #tpu.memory_space<hbm>>
      %dma_wait3A_95 = arith.constant 0 : i32
      %dma_wait3A_96 = tpu.memref_slice %arg3[%run_scoped3A, %add3A, %dma_wait3A_95] : memref<2x32x10000xi32, #tpu.memory_space<hbm>> -> memref<1x1x10000xi32, #tpu.memory_space<hbm>>
      %dma_wait3A_97 = tpu.memref_squeeze %dma_wait3A_96 : memref<1x1x10000xi32, #tpu.memory_space<hbm>> -> memref<10000xi32, #tpu.memory_space<hbm>>
      tpu.wait_dma2 semaphore(%run_scoped3A_85 : memref<!tpu.dma_semaphore, #tpu.memory_space<semaphore_mem>>) src(%dma_wait3A_97 : memref<10000xi32, #tpu.memory_space<hbm>>) dst(%arg6 : memref<10000xi32, #tpu.memory_space<vmem>>)
      tpu.yield
    }) : () -> ()
    %run_scoped3A_1 = arith.constant 1 : i32
    "tpu.region"() ({
      %run_scoped3A_85 = tpu.sem_alloc : memref<!tpu.dma_semaphore, #tpu.memory_space<semaphore_mem>>
      %dma_start3A_86 = arith.constant 0 : i32
      %dma_start3A_87 = tpu.memref_slice %arg3[%run_scoped3A_1, %add3A, %dma_start3A_86] : memref<2x32x10000xi32, #tpu.memory_space<hbm>> -> memref<1x1x10000xi32, #tpu.memory_space<hbm>>
      %dma_start3A_88 = tpu.memref_squeeze %dma_start3A_87 : memref<1x1x10000xi32, #tpu.memory_space<hbm>> -> memref<10000xi32, #tpu.memory_space<hbm>>
      %dma_start3A_89 = arith.constant 0 : i32
      %dma_start3A_90 = tpu.memref_slice %arg3[%run_scoped3A_1, %add3A, %dma_start3A_89] : memref<2x32x10000xi32, #tpu.memory_space<hbm>> -> memref<1x1x10000xi32, #tpu.memory_space<hbm>>
      %dma_start3A_91 = tpu.memref_squeeze %dma_start3A_90 : memref<1x1x10000xi32, #tpu.memory_space<hbm>> -> memref<10000xi32, #tpu.memory_space<hbm>>
      tpu.enqueue_dma source(%dma_start3A_91 : memref<10000xi32, #tpu.memory_space<hbm>>) target(%arg7 : memref<10000xi32, #tpu.memory_space<vmem>>) target_semaphore(%run_scoped3A_85 : memref<!tpu.dma_semaphore, #tpu.memory_space<semaphore_mem>>)
      %dma_wait3A_92 = arith.constant 0 : i32
      %dma_wait3A_93 = tpu.memref_slice %arg3[%run_scoped3A_1, %add3A, %dma_wait3A_92] : memref<2x32x10000xi32, #tpu.memory_space<hbm>> -> memref<1x1x10000xi32, #tpu.memory_space<hbm>>
      %dma_wait3A_94 = tpu.memref_squeeze %dma_wait3A_93 : memref<1x1x10000xi32, #tpu.memory_space<hbm>> -> memref<10000xi32, #tpu.memory_space<hbm>>
      %dma_wait3A_95 = arith.constant 0 : i32
      %dma_wait3A_96 = tpu.memref_slice %arg3[%run_scoped3A_1, %add3A, %dma_wait3A_95] : memref<2x32x10000xi32, #tpu.memory_space<hbm>> -> memref<1x1x10000xi32, #tpu.memory_space<hbm>>
      %dma_wait3A_97 = tpu.memref_squeeze %dma_wait3A_96 : memref<1x1x10000xi32, #tpu.memory_space<hbm>> -> memref<10000xi32, #tpu.memory_space<hbm>>
      tpu.wait_dma2 semaphore(%run_scoped3A_85 : memref<!tpu.dma_semaphore, #tpu.memory_space<semaphore_mem>>) src(%dma_wait3A_97 : memref<10000xi32, #tpu.memory_space<hbm>>) dst(%arg7 : memref<10000xi32, #tpu.memory_space<vmem>>)
      tpu.yield
    }) : () -> ()
    %lt3A = arith.constant 15 : i32
    %lt3A_2 = arith.cmpi slt, %arg1, %lt3A : i32
    %convert_element_type3A = arith.extui %lt3A_2 : i1 to i32
    %cond3A = arith.constant 0 : i32
    %cond3A_3 = arith.cmpi ne, %convert_element_type3A, %cond3A : i32
    scf.if %cond3A_3 {
      %mul3A_85 = arith.constant 632 : i32
      %mul3A_86 = arith.muli %arg1, %mul3A_85 : i32
      %mul3A_87 = arith.constant 632 : i32
      %mul3A_88 = arith.muli %arg1, %mul3A_87 : i32
      "tpu.region"() ({
        %run_scoped3A_89 = tpu.sem_alloc : memref<!tpu.dma_semaphore, #tpu.memory_space<semaphore_mem>>
        %dma_start3A_90 = arith.constant 0 : i32
        %dma_start3A_91 = tpu.memref_slice %arg10[%mul3A_88, %dma_start3A_90] : memref<10240x128xf32, #tpu.memory_space<vmem_shared>> -> memref<632x128xf32, #tpu.memory_space<vmem_shared>>
        %dma_start3A_92 = arith.constant 0 : i32
        %dma_start3A_93 = tpu.memref_slice %arg4[%mul3A_86, %dma_start3A_92] : memref<10240x128xf32, #tpu.memory_space<hbm>> -> memref<632x128xf32, #tpu.memory_space<hbm>>
        tpu.enqueue_dma source(%dma_start3A_93 : memref<632x128xf32, #tpu.memory_space<hbm>>) target(%dma_start3A_91 : memref<632x128xf32, #tpu.memory_space<vmem_shared>>) target_semaphore(%run_scoped3A_89 : memref<!tpu.dma_semaphore, #tpu.memory_space<semaphore_mem>>)
        %dma_wait3A_94 = arith.constant 0 : i32
        %dma_wait3A_95 = tpu.memref_slice %arg10[%mul3A_88, %dma_wait3A_94] : memref<10240x128xf32, #tpu.memory_space<vmem_shared>> -> memref<632x128xf32, #tpu.memory_space<vmem_shared>>
        %dma_wait3A_96 = arith.constant 0 : i32
        %dma_wait3A_97 = tpu.memref_slice %arg4[%mul3A_86, %dma_wait3A_96] : memref<10240x128xf32, #tpu.memory_space<hbm>> -> memref<632x128xf32, #tpu.memory_space<hbm>>
        tpu.wait_dma2 semaphore(%run_scoped3A_89 : memref<!tpu.dma_semaphore, #tpu.memory_space<semaphore_mem>>) src(%dma_wait3A_97 : memref<632x128xf32, #tpu.memory_space<hbm>>) dst(%dma_wait3A_95 : memref<632x128xf32, #tpu.memory_space<vmem_shared>>)
        tpu.yield
      }) : () -> ()
    } else {
    }
    %eq3A = arith.constant 15 : i32
    %eq3A_4 = arith.cmpi eq, %arg1, %eq3A : i32
    %convert_element_type3A_5 = arith.extui %eq3A_4 : i1 to i32
    %cond3A_6 = arith.constant 0 : i32
    %cond3A_7 = arith.cmpi ne, %convert_element_type3A_5, %cond3A_6 : i32
    scf.if %cond3A_7 {
      "tpu.region"() ({
        %run_scoped3A_85 = tpu.sem_alloc : memref<!tpu.dma_semaphore, #tpu.memory_space<semaphore_mem>>
        %dma_start3A_86 = arith.constant 9480 : i32
        %dma_start3A_87 = arith.constant 0 : i32
        %dma_start3A_88 = tpu.memref_slice %arg10[%dma_start3A_86, %dma_start3A_87] : memref<10240x128xf32, #tpu.memory_space<vmem_shared>> -> memref<520x128xf32, #tpu.memory_space<vmem_shared>>
        %dma_start3A_89 = arith.constant 9480 : i32
        %dma_start3A_90 = arith.constant 0 : i32
        %dma_start3A_91 = tpu.memref_slice %arg4[%dma_start3A_89, %dma_start3A_90] : memref<10240x128xf32, #tpu.memory_space<hbm>> -> memref<520x128xf32, #tpu.memory_space<hbm>>
        tpu.enqueue_dma source(%dma_start3A_91 : memref<520x128xf32, #tpu.memory_space<hbm>>) target(%dma_start3A_88 : memref<520x128xf32, #tpu.memory_space<vmem_shared>>) target_semaphore(%run_scoped3A_85 : memref<!tpu.dma_semaphore, #tpu.memory_space<semaphore_mem>>)
        %dma_wait3A_92 = arith.constant 9480 : i32
        %dma_wait3A_93 = arith.constant 0 : i32
        %dma_wait3A_94 = tpu.memref_slice %arg10[%dma_wait3A_92, %dma_wait3A_93] : memref<10240x128xf32, #tpu.memory_space<vmem_shared>> -> memref<520x128xf32, #tpu.memory_space<vmem_shared>>
        %dma_wait3A_95 = arith.constant 9480 : i32
        %dma_wait3A_96 = arith.constant 0 : i32
        %dma_wait3A_97 = tpu.memref_slice %arg4[%dma_wait3A_95, %dma_wait3A_96] : memref<10240x128xf32, #tpu.memory_space<hbm>> -> memref<520x128xf32, #tpu.memory_space<hbm>>
        tpu.wait_dma2 semaphore(%run_scoped3A_85 : memref<!tpu.dma_semaphore, #tpu.memory_space<semaphore_mem>>) src(%dma_wait3A_97 : memref<520x128xf32, #tpu.memory_space<hbm>>) dst(%dma_wait3A_94 : memref<520x128xf32, #tpu.memory_space<vmem_shared>>)
        tpu.yield
      }) : () -> ()
    } else {
    }
    %barrier3A = arith.constant 0 : index
    tpu.barrier barrier_id(%barrier3A)
    %dma_start3A = arith.constant 0 : i32
    %dma_start3A_8 = arith.constant 0 : i32
    %dma_start3A_9 = tpu.memref_slice %arg8[%dma_start3A, %dma_start3A_8] : memref<80x128xf32, #tpu.memory_space<vmem>> -> memref<40x128xf32, #tpu.memory_space<vmem>>
    %dma_start3A_10 = arith.constant 0 : i32
    %dma_start3A_11 = tpu.memref_slice %arg6[%dma_start3A_10] : memref<10000xi32, #tpu.memory_space<vmem>> -> memref<40xi32, #tpu.memory_space<vmem>>
    %dma_start3A_12 = arith.constant 0 : i32
    %dma_start3A_13 = arith.constant 0 : i32
    %dma_start3A_14 = tpu.memref_slice %arg2[%dma_start3A_12, %dma_start3A_13] : memref<10240x128xf32, #tpu.memory_space<hbm>> -> memref<10240x128xf32, #tpu.memory_space<hbm>>
    tpu.enqueue_indirect_dma source(%dma_start3A_14 : memref<10240x128xf32, #tpu.memory_space<hbm>>) target(%dma_start3A_9 : memref<40x128xf32, #tpu.memory_space<vmem>>) offsets(%dma_start3A_11 : memref<40xi32, #tpu.memory_space<vmem>>) semaphore(%arg11 : memref<!tpu.dma_semaphore, #tpu.memory_space<semaphore_mem>>)
    %dma_start3A_15 = arith.constant 40 : i32
    %dma_start3A_16 = arith.constant 0 : i32
    %dma_start3A_17 = tpu.memref_slice %arg8[%dma_start3A_15, %dma_start3A_16] : memref<80x128xf32, #tpu.memory_space<vmem>> -> memref<40x128xf32, #tpu.memory_space<vmem>>
    %dma_start3A_18 = arith.constant 40 : i32
    %dma_start3A_19 = tpu.memref_slice %arg6[%dma_start3A_18] : memref<10000xi32, #tpu.memory_space<vmem>> -> memref<40xi32, #tpu.memory_space<vmem>>
    %dma_start3A_20 = arith.constant 0 : i32
    %dma_start3A_21 = arith.constant 0 : i32
    %dma_start3A_22 = tpu.memref_slice %arg2[%dma_start3A_20, %dma_start3A_21] : memref<10240x128xf32, #tpu.memory_space<hbm>> -> memref<10240x128xf32, #tpu.memory_space<hbm>>
    tpu.enqueue_indirect_dma source(%dma_start3A_22 : memref<10240x128xf32, #tpu.memory_space<hbm>>) target(%dma_start3A_17 : memref<40x128xf32, #tpu.memory_space<vmem>>) offsets(%dma_start3A_19 : memref<40xi32, #tpu.memory_space<vmem>>) semaphore(%arg11 : memref<!tpu.dma_semaphore, #tpu.memory_space<semaphore_mem>>)
    %dma_start3A_23 = arith.constant 0 : i32
    %dma_start3A_24 = arith.constant 0 : i32
    %dma_start3A_25 = tpu.memref_slice %arg9[%dma_start3A_23, %dma_start3A_24] : memref<80x128xf32, #tpu.memory_space<vmem>> -> memref<40x128xf32, #tpu.memory_space<vmem>>
    %dma_start3A_26 = arith.constant 80 : i32
    %dma_start3A_27 = tpu.memref_slice %arg6[%dma_start3A_26] : memref<10000xi32, #tpu.memory_space<vmem>> -> memref<40xi32, #tpu.memory_space<vmem>>
    %dma_start3A_28 = arith.constant 0 : i32
    %dma_start3A_29 = arith.constant 0 : i32
    %dma_start3A_30 = tpu.memref_slice %arg2[%dma_start3A_28, %dma_start3A_29] : memref<10240x128xf32, #tpu.memory_space<hbm>> -> memref<10240x128xf32, #tpu.memory_space<hbm>>
    tpu.enqueue_indirect_dma source(%dma_start3A_30 : memref<10240x128xf32, #tpu.memory_space<hbm>>) target(%dma_start3A_25 : memref<40x128xf32, #tpu.memory_space<vmem>>) offsets(%dma_start3A_27 : memref<40xi32, #tpu.memory_space<vmem>>) semaphore(%arg12 : memref<!tpu.dma_semaphore, #tpu.memory_space<semaphore_mem>>)
    %dma_start3A_31 = arith.constant 40 : i32
    %dma_start3A_32 = arith.constant 0 : i32
    %dma_start3A_33 = tpu.memref_slice %arg9[%dma_start3A_31, %dma_start3A_32] : memref<80x128xf32, #tpu.memory_space<vmem>> -> memref<40x128xf32, #tpu.memory_space<vmem>>
    %dma_start3A_34 = arith.constant 120 : i32
    %dma_start3A_35 = tpu.memref_slice %arg6[%dma_start3A_34] : memref<10000xi32, #tpu.memory_space<vmem>> -> memref<40xi32, #tpu.memory_space<vmem>>
    %dma_start3A_36 = arith.constant 0 : i32
    %dma_start3A_37 = arith.constant 0 : i32
    %dma_start3A_38 = tpu.memref_slice %arg2[%dma_start3A_36, %dma_start3A_37] : memref<10240x128xf32, #tpu.memory_space<hbm>> -> memref<10240x128xf32, #tpu.memory_space<hbm>>
    tpu.enqueue_indirect_dma source(%dma_start3A_38 : memref<10240x128xf32, #tpu.memory_space<hbm>>) target(%dma_start3A_33 : memref<40x128xf32, #tpu.memory_space<vmem>>) offsets(%dma_start3A_35 : memref<40xi32, #tpu.memory_space<vmem>>) semaphore(%arg12 : memref<!tpu.dma_semaphore, #tpu.memory_space<semaphore_mem>>)
    %scan3A = arith.constant 0 : i32
    %scan3A_39 = arith.constant 0 : i32
    %scan3A_40 = arith.constant 62 : i32
    %scan3A_41 = arith.addi %scan3A_39, %scan3A_40 : i32
    %scan3A_42 = arith.constant 1 : i32
    scf.for %scan3A_85 = %scan3A_39 to %scan3A_41 step %scan3A_42  : i32 {
      %mul3A_86 = arith.constant 2 : i32
      %mul3A_87 = arith.muli %mul3A_86, %scan3A_85 : i32
      %mul3A_88 = arith.constant 80 : i32
      %mul3A_89 = arith.muli %mul3A_87, %mul3A_88 : i32
      %dma_wait3A_90 = arith.constant 0 : i32
      %dma_wait3A_91 = arith.constant 0 : i32
      %dma_wait3A_92 = tpu.memref_slice %arg8[%dma_wait3A_90, %dma_wait3A_91] : memref<80x128xf32, #tpu.memory_space<vmem>> -> memref<40x128xf32, #tpu.memory_space<vmem>>
      %dma_wait3A_93 = tpu.memref_slice %arg6[%mul3A_89] : memref<10000xi32, #tpu.memory_space<vmem>> -> memref<40xi32, #tpu.memory_space<vmem>>
      %dma_wait3A_94 = arith.constant 0 : i32
      %dma_wait3A_95 = arith.constant 0 : i32
      %dma_wait3A_96 = tpu.memref_slice %arg2[%dma_wait3A_94, %dma_wait3A_95] : memref<10240x128xf32, #tpu.memory_space<hbm>> -> memref<10240x128xf32, #tpu.memory_space<hbm>>
      tpu.wait_indirect_dma semaphore(%arg11 : memref<!tpu.dma_semaphore, #tpu.memory_space<semaphore_mem>>) src(%dma_wait3A_96 : memref<10240x128xf32, #tpu.memory_space<hbm>>) dst(%dma_wait3A_92 : memref<40x128xf32, #tpu.memory_space<vmem>>)
      %mul3A_97 = arith.constant 80 : i32
      %mul3A_98 = arith.muli %mul3A_87, %mul3A_97 : i32
      %add3A_99 = arith.constant 40 : i32
      %add3A_100 = arith.addi %mul3A_98, %add3A_99 : i32
      %dma_wait3A_101 = arith.constant 40 : i32
      %dma_wait3A_102 = arith.constant 0 : i32
      %dma_wait3A_103 = tpu.memref_slice %arg8[%dma_wait3A_101, %dma_wait3A_102] : memref<80x128xf32, #tpu.memory_space<vmem>> -> memref<40x128xf32, #tpu.memory_space<vmem>>
      %dma_wait3A_104 = tpu.memref_slice %arg6[%add3A_100] : memref<10000xi32, #tpu.memory_space<vmem>> -> memref<40xi32, #tpu.memory_space<vmem>>
      %dma_wait3A_105 = arith.constant 0 : i32
      %dma_wait3A_106 = arith.constant 0 : i32
      %dma_wait3A_107 = tpu.memref_slice %arg2[%dma_wait3A_105, %dma_wait3A_106] : memref<10240x128xf32, #tpu.memory_space<hbm>> -> memref<10240x128xf32, #tpu.memory_space<hbm>>
      tpu.wait_indirect_dma semaphore(%arg11 : memref<!tpu.dma_semaphore, #tpu.memory_space<semaphore_mem>>) src(%dma_wait3A_107 : memref<10240x128xf32, #tpu.memory_space<hbm>>) dst(%dma_wait3A_103 : memref<40x128xf32, #tpu.memory_space<vmem>>)
      %mul3A_108 = arith.constant 80 : i32
      %mul3A_109 = arith.muli %mul3A_87, %mul3A_108 : i32
      %dma_start3A_110 = tpu.memref_slice %arg7[%mul3A_109] : memref<10000xi32, #tpu.memory_space<vmem>> -> memref<80xi32, #tpu.memory_space<vmem>>
      %dma_start3A_111 = arith.constant 0 : i32
      %dma_start3A_112 = arith.constant 0 : i32
      %dma_start3A_113 = tpu.memref_slice %arg10[%dma_start3A_111, %dma_start3A_112] : memref<10240x128xf32, #tpu.memory_space<vmem_shared>> -> memref<10240x128xf32, #tpu.memory_space<vmem_shared>>
      tpu.enqueue_indirect_dma source(%arg8 : memref<80x128xf32, #tpu.memory_space<vmem>>) target(%dma_start3A_113 : memref<10240x128xf32, #tpu.memory_space<vmem_shared>>) offsets(%dma_start3A_110 : memref<80xi32, #tpu.memory_space<vmem>>) semaphore(%arg13 : memref<!tpu.dma_semaphore, #tpu.memory_space<semaphore_mem>>) {add = true}
      %add3A_114 = arith.constant 1 : i32
      %add3A_115 = arith.addi %mul3A_87, %add3A_114 : i32
      %mul3A_116 = arith.constant 80 : i32
      %mul3A_117 = arith.muli %add3A_115, %mul3A_116 : i32
      %dma_wait3A_118 = arith.constant 0 : i32
      %dma_wait3A_119 = arith.constant 0 : i32
      %dma_wait3A_120 = tpu.memref_slice %arg9[%dma_wait3A_118, %dma_wait3A_119] : memref<80x128xf32, #tpu.memory_space<vmem>> -> memref<40x128xf32, #tpu.memory_space<vmem>>
      %dma_wait3A_121 = tpu.memref_slice %arg6[%mul3A_117] : memref<10000xi32, #tpu.memory_space<vmem>> -> memref<40xi32, #tpu.memory_space<vmem>>
      %dma_wait3A_122 = arith.constant 0 : i32
      %dma_wait3A_123 = arith.constant 0 : i32
      %dma_wait3A_124 = tpu.memref_slice %arg2[%dma_wait3A_122, %dma_wait3A_123] : memref<10240x128xf32, #tpu.memory_space<hbm>> -> memref<10240x128xf32, #tpu.memory_space<hbm>>
      tpu.wait_indirect_dma semaphore(%arg12 : memref<!tpu.dma_semaphore, #tpu.memory_space<semaphore_mem>>) src(%dma_wait3A_124 : memref<10240x128xf32, #tpu.memory_space<hbm>>) dst(%dma_wait3A_120 : memref<40x128xf32, #tpu.memory_space<vmem>>)
      %mul3A_125 = arith.constant 80 : i32
      %mul3A_126 = arith.muli %add3A_115, %mul3A_125 : i32
      %add3A_127 = arith.constant 40 : i32
      %add3A_128 = arith.addi %mul3A_126, %add3A_127 : i32
      %dma_wait3A_129 = arith.constant 40 : i32
      %dma_wait3A_130 = arith.constant 0 : i32
      %dma_wait3A_131 = tpu.memref_slice %arg9[%dma_wait3A_129, %dma_wait3A_130] : memref<80x128xf32, #tpu.memory_space<vmem>> -> memref<40x128xf32, #tpu.memory_space<vmem>>
      %dma_wait3A_132 = tpu.memref_slice %arg6[%add3A_128] : memref<10000xi32, #tpu.memory_space<vmem>> -> memref<40xi32, #tpu.memory_space<vmem>>
      %dma_wait3A_133 = arith.constant 0 : i32
      %dma_wait3A_134 = arith.constant 0 : i32
      %dma_wait3A_135 = tpu.memref_slice %arg2[%dma_wait3A_133, %dma_wait3A_134] : memref<10240x128xf32, #tpu.memory_space<hbm>> -> memref<10240x128xf32, #tpu.memory_space<hbm>>
      tpu.wait_indirect_dma semaphore(%arg12 : memref<!tpu.dma_semaphore, #tpu.memory_space<semaphore_mem>>) src(%dma_wait3A_135 : memref<10240x128xf32, #tpu.memory_space<hbm>>) dst(%dma_wait3A_131 : memref<40x128xf32, #tpu.memory_space<vmem>>)
      %add3A_136 = arith.constant 1 : i32
      %add3A_137 = arith.addi %mul3A_87, %add3A_136 : i32
      %mul3A_138 = arith.constant 80 : i32
      %mul3A_139 = arith.muli %add3A_137, %mul3A_138 : i32
      %dma_start3A_140 = tpu.memref_slice %arg7[%mul3A_139] : memref<10000xi32, #tpu.memory_space<vmem>> -> memref<80xi32, #tpu.memory_space<vmem>>
      %dma_start3A_141 = arith.constant 0 : i32
      %dma_start3A_142 = arith.constant 0 : i32
      %dma_start3A_143 = tpu.memref_slice %arg10[%dma_start3A_141, %dma_start3A_142] : memref<10240x128xf32, #tpu.memory_space<vmem_shared>> -> memref<10240x128xf32, #tpu.memory_space<vmem_shared>>
      tpu.enqueue_indirect_dma source(%arg9 : memref<80x128xf32, #tpu.memory_space<vmem>>) target(%dma_start3A_143 : memref<10240x128xf32, #tpu.memory_space<vmem_shared>>) offsets(%dma_start3A_140 : memref<80xi32, #tpu.memory_space<vmem>>) semaphore(%arg14 : memref<!tpu.dma_semaphore, #tpu.memory_space<semaphore_mem>>) {add = true}
      %add3A_144 = arith.constant 2 : i32
      %add3A_145 = arith.addi %mul3A_87, %add3A_144 : i32
      %lt3A_146 = arith.constant 125 : i32
      %lt3A_147 = arith.cmpi slt, %add3A_145, %lt3A_146 : i32
      %convert_element_type3A_148 = arith.extui %lt3A_147 : i1 to i32
      %cond3A_149 = arith.constant 0 : i32
      %cond3A_150 = arith.cmpi ne, %convert_element_type3A_148, %cond3A_149 : i32
      scf.if %cond3A_150 {
        %mul3A_158 = arith.constant 80 : i32
        %mul3A_159 = arith.muli %mul3A_87, %mul3A_158 : i32
        %dma_wait3A_160 = tpu.memref_slice %arg7[%mul3A_159] : memref<10000xi32, #tpu.memory_space<vmem>> -> memref<80xi32, #tpu.memory_space<vmem>>
        %dma_wait3A_161 = arith.constant 0 : i32
        %dma_wait3A_162 = arith.constant 0 : i32
        %dma_wait3A_163 = tpu.memref_slice %arg10[%dma_wait3A_161, %dma_wait3A_162] : memref<10240x128xf32, #tpu.memory_space<vmem_shared>> -> memref<10240x128xf32, #tpu.memory_space<vmem_shared>>
        tpu.wait_indirect_dma semaphore(%arg13 : memref<!tpu.dma_semaphore, #tpu.memory_space<semaphore_mem>>) src(%arg8 : memref<80x128xf32, #tpu.memory_space<vmem>>) dst(%dma_wait3A_163 : memref<10240x128xf32, #tpu.memory_space<vmem_shared>>)
        %add3A_164 = arith.constant 2 : i32
        %add3A_165 = arith.addi %mul3A_87, %add3A_164 : i32
        %mul3A_166 = arith.constant 80 : i32
        %mul3A_167 = arith.muli %add3A_165, %mul3A_166 : i32
        %dma_start3A_168 = arith.constant 0 : i32
        %dma_start3A_169 = arith.constant 0 : i32
        %dma_start3A_170 = tpu.memref_slice %arg8[%dma_start3A_168, %dma_start3A_169] : memref<80x128xf32, #tpu.memory_space<vmem>> -> memref<40x128xf32, #tpu.memory_space<vmem>>
        %dma_start3A_171 = tpu.memref_slice %arg6[%mul3A_167] : memref<10000xi32, #tpu.memory_space<vmem>> -> memref<40xi32, #tpu.memory_space<vmem>>
        %dma_start3A_172 = arith.constant 0 : i32
        %dma_start3A_173 = arith.constant 0 : i32
        %dma_start3A_174 = tpu.memref_slice %arg2[%dma_start3A_172, %dma_start3A_173] : memref<10240x128xf32, #tpu.memory_space<hbm>> -> memref<10240x128xf32, #tpu.memory_space<hbm>>
        tpu.enqueue_indirect_dma source(%dma_start3A_174 : memref<10240x128xf32, #tpu.memory_space<hbm>>) target(%dma_start3A_170 : memref<40x128xf32, #tpu.memory_space<vmem>>) offsets(%dma_start3A_171 : memref<40xi32, #tpu.memory_space<vmem>>) semaphore(%arg11 : memref<!tpu.dma_semaphore, #tpu.memory_space<semaphore_mem>>)
        %mul3A_175 = arith.constant 80 : i32
        %mul3A_176 = arith.muli %add3A_165, %mul3A_175 : i32
        %add3A_177 = arith.constant 40 : i32
        %add3A_178 = arith.addi %mul3A_176, %add3A_177 : i32
        %dma_start3A_179 = arith.constant 40 : i32
        %dma_start3A_180 = arith.constant 0 : i32
        %dma_start3A_181 = tpu.memref_slice %arg8[%dma_start3A_179, %dma_start3A_180] : memref<80x128xf32, #tpu.memory_space<vmem>> -> memref<40x128xf32, #tpu.memory_space<vmem>>
        %dma_start3A_182 = tpu.memref_slice %arg6[%add3A_178] : memref<10000xi32, #tpu.memory_space<vmem>> -> memref<40xi32, #tpu.memory_space<vmem>>
        %dma_start3A_183 = arith.constant 0 : i32
        %dma_start3A_184 = arith.constant 0 : i32
        %dma_start3A_185 = tpu.memref_slice %arg2[%dma_start3A_183, %dma_start3A_184] : memref<10240x128xf32, #tpu.memory_space<hbm>> -> memref<10240x128xf32, #tpu.memory_space<hbm>>
        tpu.enqueue_indirect_dma source(%dma_start3A_185 : memref<10240x128xf32, #tpu.memory_space<hbm>>) target(%dma_start3A_181 : memref<40x128xf32, #tpu.memory_space<vmem>>) offsets(%dma_start3A_182 : memref<40xi32, #tpu.memory_space<vmem>>) semaphore(%arg11 : memref<!tpu.dma_semaphore, #tpu.memory_space<semaphore_mem>>)
      } else {
      }
      %add3A_151 = arith.constant 3 : i32
      %add3A_152 = arith.addi %mul3A_87, %add3A_151 : i32
      %lt3A_153 = arith.constant 125 : i32
      %lt3A_154 = arith.cmpi slt, %add3A_152, %lt3A_153 : i32
      %convert_element_type3A_155 = arith.extui %lt3A_154 : i1 to i32
      %cond3A_156 = arith.constant 0 : i32
      %cond3A_157 = arith.cmpi ne, %convert_element_type3A_155, %cond3A_156 : i32
      scf.if %cond3A_157 {
        %add3A_158 = arith.constant 1 : i32
        %add3A_159 = arith.addi %mul3A_87, %add3A_158 : i32
        %mul3A_160 = arith.constant 80 : i32
        %mul3A_161 = arith.muli %add3A_159, %mul3A_160 : i32
        %dma_wait3A_162 = tpu.memref_slice %arg7[%mul3A_161] : memref<10000xi32, #tpu.memory_space<vmem>> -> memref<80xi32, #tpu.memory_space<vmem>>
        %dma_wait3A_163 = arith.constant 0 : i32
        %dma_wait3A_164 = arith.constant 0 : i32
        %dma_wait3A_165 = tpu.memref_slice %arg10[%dma_wait3A_163, %dma_wait3A_164] : memref<10240x128xf32, #tpu.memory_space<vmem_shared>> -> memref<10240x128xf32, #tpu.memory_space<vmem_shared>>
        tpu.wait_indirect_dma semaphore(%arg14 : memref<!tpu.dma_semaphore, #tpu.memory_space<semaphore_mem>>) src(%arg9 : memref<80x128xf32, #tpu.memory_space<vmem>>) dst(%dma_wait3A_165 : memref<10240x128xf32, #tpu.memory_space<vmem_shared>>)
        %add3A_166 = arith.constant 3 : i32
        %add3A_167 = arith.addi %mul3A_87, %add3A_166 : i32
        %mul3A_168 = arith.constant 80 : i32
        %mul3A_169 = arith.muli %add3A_167, %mul3A_168 : i32
        %dma_start3A_170 = arith.constant 0 : i32
        %dma_start3A_171 = arith.constant 0 : i32
        %dma_start3A_172 = tpu.memref_slice %arg9[%dma_start3A_170, %dma_start3A_171] : memref<80x128xf32, #tpu.memory_space<vmem>> -> memref<40x128xf32, #tpu.memory_space<vmem>>
        %dma_start3A_173 = tpu.memref_slice %arg6[%mul3A_169] : memref<10000xi32, #tpu.memory_space<vmem>> -> memref<40xi32, #tpu.memory_space<vmem>>
        %dma_start3A_174 = arith.constant 0 : i32
        %dma_start3A_175 = arith.constant 0 : i32
        %dma_start3A_176 = tpu.memref_slice %arg2[%dma_start3A_174, %dma_start3A_175] : memref<10240x128xf32, #tpu.memory_space<hbm>> -> memref<10240x128xf32, #tpu.memory_space<hbm>>
        tpu.enqueue_indirect_dma source(%dma_start3A_176 : memref<10240x128xf32, #tpu.memory_space<hbm>>) target(%dma_start3A_172 : memref<40x128xf32, #tpu.memory_space<vmem>>) offsets(%dma_start3A_173 : memref<40xi32, #tpu.memory_space<vmem>>) semaphore(%arg12 : memref<!tpu.dma_semaphore, #tpu.memory_space<semaphore_mem>>)
        %mul3A_177 = arith.constant 80 : i32
        %mul3A_178 = arith.muli %add3A_167, %mul3A_177 : i32
        %add3A_179 = arith.constant 40 : i32
        %add3A_180 = arith.addi %mul3A_178, %add3A_179 : i32
        %dma_start3A_181 = arith.constant 40 : i32
        %dma_start3A_182 = arith.constant 0 : i32
        %dma_start3A_183 = tpu.memref_slice %arg9[%dma_start3A_181, %dma_start3A_182] : memref<80x128xf32, #tpu.memory_space<vmem>> -> memref<40x128xf32, #tpu.memory_space<vmem>>
        %dma_start3A_184 = tpu.memref_slice %arg6[%add3A_180] : memref<10000xi32, #tpu.memory_space<vmem>> -> memref<40xi32, #tpu.memory_space<vmem>>
        %dma_start3A_185 = arith.constant 0 : i32
        %dma_start3A_186 = arith.constant 0 : i32
        %dma_start3A_187 = tpu.memref_slice %arg2[%dma_start3A_185, %dma_start3A_186] : memref<10240x128xf32, #tpu.memory_space<hbm>> -> memref<10240x128xf32, #tpu.memory_space<hbm>>
        tpu.enqueue_indirect_dma source(%dma_start3A_187 : memref<10240x128xf32, #tpu.memory_space<hbm>>) target(%dma_start3A_183 : memref<40x128xf32, #tpu.memory_space<vmem>>) offsets(%dma_start3A_184 : memref<40xi32, #tpu.memory_space<vmem>>) semaphore(%arg12 : memref<!tpu.dma_semaphore, #tpu.memory_space<semaphore_mem>>)
      } else {
      }
    }
    %scan3A_43 = arith.constant 62 : i32
    %dma_wait3A = arith.constant 0 : i32
    %dma_wait3A_44 = arith.constant 0 : i32
    %dma_wait3A_45 = tpu.memref_slice %arg8[%dma_wait3A, %dma_wait3A_44] : memref<80x128xf32, #tpu.memory_space<vmem>> -> memref<40x128xf32, #tpu.memory_space<vmem>>
    %dma_wait3A_46 = arith.constant 9920 : i32
    %dma_wait3A_47 = tpu.memref_slice %arg6[%dma_wait3A_46] : memref<10000xi32, #tpu.memory_space<vmem>> -> memref<40xi32, #tpu.memory_space<vmem>>
    %dma_wait3A_48 = arith.constant 0 : i32
    %dma_wait3A_49 = arith.constant 0 : i32
    %dma_wait3A_50 = tpu.memref_slice %arg2[%dma_wait3A_48, %dma_wait3A_49] : memref<10240x128xf32, #tpu.memory_space<hbm>> -> memref<10240x128xf32, #tpu.memory_space<hbm>>
    tpu.wait_indirect_dma semaphore(%arg11 : memref<!tpu.dma_semaphore, #tpu.memory_space<semaphore_mem>>) src(%dma_wait3A_50 : memref<10240x128xf32, #tpu.memory_space<hbm>>) dst(%dma_wait3A_45 : memref<40x128xf32, #tpu.memory_space<vmem>>)
    %dma_wait3A_51 = arith.constant 40 : i32
    %dma_wait3A_52 = arith.constant 0 : i32
    %dma_wait3A_53 = tpu.memref_slice %arg8[%dma_wait3A_51, %dma_wait3A_52] : memref<80x128xf32, #tpu.memory_space<vmem>> -> memref<40x128xf32, #tpu.memory_space<vmem>>
    %dma_wait3A_54 = arith.constant 9960 : i32
    %dma_wait3A_55 = tpu.memref_slice %arg6[%dma_wait3A_54] : memref<10000xi32, #tpu.memory_space<vmem>> -> memref<40xi32, #tpu.memory_space<vmem>>
    %dma_wait3A_56 = arith.constant 0 : i32
    %dma_wait3A_57 = arith.constant 0 : i32
    %dma_wait3A_58 = tpu.memref_slice %arg2[%dma_wait3A_56, %dma_wait3A_57] : memref<10240x128xf32, #tpu.memory_space<hbm>> -> memref<10240x128xf32, #tpu.memory_space<hbm>>
    tpu.wait_indirect_dma semaphore(%arg11 : memref<!tpu.dma_semaphore, #tpu.memory_space<semaphore_mem>>) src(%dma_wait3A_58 : memref<10240x128xf32, #tpu.memory_space<hbm>>) dst(%dma_wait3A_53 : memref<40x128xf32, #tpu.memory_space<vmem>>)
    %dma_start3A_59 = arith.constant 9920 : i32
    %dma_start3A_60 = tpu.memref_slice %arg7[%dma_start3A_59] : memref<10000xi32, #tpu.memory_space<vmem>> -> memref<80xi32, #tpu.memory_space<vmem>>
    %dma_start3A_61 = arith.constant 0 : i32
    %dma_start3A_62 = arith.constant 0 : i32
    %dma_start3A_63 = tpu.memref_slice %arg10[%dma_start3A_61, %dma_start3A_62] : memref<10240x128xf32, #tpu.memory_space<vmem_shared>> -> memref<10240x128xf32, #tpu.memory_space<vmem_shared>>
    tpu.enqueue_indirect_dma source(%arg8 : memref<80x128xf32, #tpu.memory_space<vmem>>) target(%dma_start3A_63 : memref<10240x128xf32, #tpu.memory_space<vmem_shared>>) offsets(%dma_start3A_60 : memref<80xi32, #tpu.memory_space<vmem>>) semaphore(%arg13 : memref<!tpu.dma_semaphore, #tpu.memory_space<semaphore_mem>>) {add = true}
    %dma_wait3A_64 = arith.constant 9920 : i32
    %dma_wait3A_65 = tpu.memref_slice %arg7[%dma_wait3A_64] : memref<10000xi32, #tpu.memory_space<vmem>> -> memref<80xi32, #tpu.memory_space<vmem>>
    %dma_wait3A_66 = arith.constant 0 : i32
    %dma_wait3A_67 = arith.constant 0 : i32
    %dma_wait3A_68 = tpu.memref_slice %arg10[%dma_wait3A_66, %dma_wait3A_67] : memref<10240x128xf32, #tpu.memory_space<vmem_shared>> -> memref<10240x128xf32, #tpu.memory_space<vmem_shared>>
    tpu.wait_indirect_dma semaphore(%arg13 : memref<!tpu.dma_semaphore, #tpu.memory_space<semaphore_mem>>) src(%arg8 : memref<80x128xf32, #tpu.memory_space<vmem>>) dst(%dma_wait3A_68 : memref<10240x128xf32, #tpu.memory_space<vmem_shared>>)
    %dma_wait3A_69 = arith.constant 9840 : i32
    %dma_wait3A_70 = tpu.memref_slice %arg7[%dma_wait3A_69] : memref<10000xi32, #tpu.memory_space<vmem>> -> memref<80xi32, #tpu.memory_space<vmem>>
    %dma_wait3A_71 = arith.constant 0 : i32
    %dma_wait3A_72 = arith.constant 0 : i32
    %dma_wait3A_73 = tpu.memref_slice %arg10[%dma_wait3A_71, %dma_wait3A_72] : memref<10240x128xf32, #tpu.memory_space<vmem_shared>> -> memref<10240x128xf32, #tpu.memory_space<vmem_shared>>
    tpu.wait_indirect_dma semaphore(%arg14 : memref<!tpu.dma_semaphore, #tpu.memory_space<semaphore_mem>>) src(%arg9 : memref<80x128xf32, #tpu.memory_space<vmem>>) dst(%dma_wait3A_73 : memref<10240x128xf32, #tpu.memory_space<vmem_shared>>)
    %barrier3A_74 = arith.constant 0 : index
    tpu.barrier barrier_id(%barrier3A_74)
    %lt3A_75 = arith.constant 15 : i32
    %lt3A_76 = arith.cmpi slt, %arg1, %lt3A_75 : i32
    %convert_element_type3A_77 = arith.extui %lt3A_76 : i1 to i32
    %cond3A_78 = arith.constant 0 : i32
    %cond3A_79 = arith.cmpi ne, %convert_element_type3A_77, %cond3A_78 : i32
    scf.if %cond3A_79 {
      %mul3A_85 = arith.constant 632 : i32
      %mul3A_86 = arith.muli %arg1, %mul3A_85 : i32
      %mul3A_87 = arith.constant 632 : i32
      %mul3A_88 = arith.muli %arg1, %mul3A_87 : i32
      "tpu.region"() ({
        %run_scoped3A_89 = tpu.sem_alloc : memref<!tpu.dma_semaphore, #tpu.memory_space<semaphore_mem>>
        %dma_start3A_90 = arith.constant 0 : i32
        %dma_start3A_91 = arith.constant 0 : i32
        %dma_start3A_92 = tpu.memref_slice %arg5[%arg0, %dma_start3A_90, %dma_start3A_91] : memref<2x10240x128xf32, #tpu.memory_space<hbm>> -> memref<1x10240x128xf32, #tpu.memory_space<hbm>>
        %dma_start3A_93 = tpu.memref_squeeze %dma_start3A_92 : memref<1x10240x128xf32, #tpu.memory_space<hbm>> -> memref<10240x128xf32, #tpu.memory_space<hbm>>
        %dma_start3A_94 = arith.constant 0 : i32
        %dma_start3A_95 = tpu.memref_slice %dma_start3A_93[%mul3A_88, %dma_start3A_94] : memref<10240x128xf32, #tpu.memory_space<hbm>> -> memref<632x128xf32, #tpu.memory_space<hbm>>
        %dma_start3A_96 = arith.constant 0 : i32
        %dma_start3A_97 = tpu.memref_slice %arg10[%mul3A_86, %dma_start3A_96] : memref<10240x128xf32, #tpu.memory_space<vmem_shared>> -> memref<632x128xf32, #tpu.memory_space<vmem_shared>>
        tpu.enqueue_dma source(%dma_start3A_97 : memref<632x128xf32, #tpu.memory_space<vmem_shared>>) target(%dma_start3A_95 : memref<632x128xf32, #tpu.memory_space<hbm>>) target_semaphore(%run_scoped3A_89 : memref<!tpu.dma_semaphore, #tpu.memory_space<semaphore_mem>>)
        %dma_wait3A_98 = arith.constant 0 : i32
        %dma_wait3A_99 = arith.constant 0 : i32
        %dma_wait3A_100 = tpu.memref_slice %arg5[%arg0, %dma_wait3A_98, %dma_wait3A_99] : memref<2x10240x128xf32, #tpu.memory_space<hbm>> -> memref<1x10240x128xf32, #tpu.memory_space<hbm>>
        %dma_wait3A_101 = tpu.memref_squeeze %dma_wait3A_100 : memref<1x10240x128xf32, #tpu.memory_space<hbm>> -> memref<10240x128xf32, #tpu.memory_space<hbm>>
        %dma_wait3A_102 = arith.constant 0 : i32
        %dma_wait3A_103 = tpu.memref_slice %dma_wait3A_101[%mul3A_88, %dma_wait3A_102] : memref<10240x128xf32, #tpu.memory_space<hbm>> -> memref<632x128xf32, #tpu.memory_space<hbm>>
        %dma_wait3A_104 = arith.constant 0 : i32
        %dma_wait3A_105 = tpu.memref_slice %arg10[%mul3A_86, %dma_wait3A_104] : memref<10240x128xf32, #tpu.memory_space<vmem_shared>> -> memref<632x128xf32, #tpu.memory_space<vmem_shared>>
        tpu.wait_dma2 semaphore(%run_scoped3A_89 : memref<!tpu.dma_semaphore, #tpu.memory_space<semaphore_mem>>) src(%dma_wait3A_105 : memref<632x128xf32, #tpu.memory_space<vmem_shared>>) dst(%dma_wait3A_103 : memref<632x128xf32, #tpu.memory_space<hbm>>)
        tpu.yield
      }) : () -> ()
    } else {
    }
    %eq3A_80 = arith.constant 15 : i32
    %eq3A_81 = arith.cmpi eq, %arg1, %eq3A_80 : i32
    %convert_element_type3A_82 = arith.extui %eq3A_81 : i1 to i32
    %cond3A_83 = arith.constant 0 : i32
    %cond3A_84 = arith.cmpi ne, %convert_element_type3A_82, %cond3A_83 : i32
    scf.if %cond3A_84 {
      "tpu.region"() ({
        %run_scoped3A_85 = tpu.sem_alloc : memref<!tpu.dma_semaphore, #tpu.memory_space<semaphore_mem>>
        %dma_start3A_86 = arith.constant 0 : i32
        %dma_start3A_87 = arith.constant 0 : i32
        %dma_start3A_88 = tpu.memref_slice %arg5[%arg0, %dma_start3A_86, %dma_start3A_87] : memref<2x10240x128xf32, #tpu.memory_space<hbm>> -> memref<1x10240x128xf32, #tpu.memory_space<hbm>>
        %dma_start3A_89 = tpu.memref_squeeze %dma_start3A_88 : memref<1x10240x128xf32, #tpu.memory_space<hbm>> -> memref<10240x128xf32, #tpu.memory_space<hbm>>
        %dma_start3A_90 = arith.constant 9480 : i32
        %dma_start3A_91 = arith.constant 0 : i32
        %dma_start3A_92 = tpu.memref_slice %dma_start3A_89[%dma_start3A_90, %dma_start3A_91] : memref<10240x128xf32, #tpu.memory_space<hbm>> -> memref<520x128xf32, #tpu.memory_space<hbm>>
        %dma_start3A_93 = arith.constant 9480 : i32
        %dma_start3A_94 = arith.constant 0 : i32
        %dma_start3A_95 = tpu.memref_slice %arg10[%dma_start3A_93, %dma_start3A_94] : memref<10240x128xf32, #tpu.memory_space<vmem_shared>> -> memref<520x128xf32, #tpu.memory_space<vmem_shared>>
        tpu.enqueue_dma source(%dma_start3A_95 : memref<520x128xf32, #tpu.memory_space<vmem_shared>>) target(%dma_start3A_92 : memref<520x128xf32, #tpu.memory_space<hbm>>) target_semaphore(%run_scoped3A_85 : memref<!tpu.dma_semaphore, #tpu.memory_space<semaphore_mem>>)
        %dma_wait3A_96 = arith.constant 0 : i32
        %dma_wait3A_97 = arith.constant 0 : i32
        %dma_wait3A_98 = tpu.memref_slice %arg5[%arg0, %dma_wait3A_96, %dma_wait3A_97] : memref<2x10240x128xf32, #tpu.memory_space<hbm>> -> memref<1x10240x128xf32, #tpu.memory_space<hbm>>
        %dma_wait3A_99 = tpu.memref_squeeze %dma_wait3A_98 : memref<1x10240x128xf32, #tpu.memory_space<hbm>> -> memref<10240x128xf32, #tpu.memory_space<hbm>>
        %dma_wait3A_100 = arith.constant 9480 : i32
        %dma_wait3A_101 = arith.constant 0 : i32
        %dma_wait3A_102 = tpu.memref_slice %dma_wait3A_99[%dma_wait3A_100, %dma_wait3A_101] : memref<10240x128xf32, #tpu.memory_space<hbm>> -> memref<520x128xf32, #tpu.memory_space<hbm>>
        %dma_wait3A_103 = arith.constant 9480 : i32
        %dma_wait3A_104 = arith.constant 0 : i32
        %dma_wait3A_105 = tpu.memref_slice %arg10[%dma_wait3A_103, %dma_wait3A_104] : memref<10240x128xf32, #tpu.memory_space<vmem_shared>> -> memref<520x128xf32, #tpu.memory_space<vmem_shared>>
        tpu.wait_dma2 semaphore(%run_scoped3A_85 : memref<!tpu.dma_semaphore, #tpu.memory_space<semaphore_mem>>) src(%dma_wait3A_105 : memref<520x128xf32, #tpu.memory_space<vmem_shared>>) dst(%dma_wait3A_102 : memref<520x128xf32, #tpu.memory_space<hbm>>)
        tpu.yield
      }) : () -> ()
    } else {
    }
    return
  }
}

module attributes {stable_mosaic.version = 14 : i64} {
  func.func @_layer_body(%arg0: i32, %arg1: memref<2x1024x128xf32, #tpu.memory_space<vmem>>, %arg2: memref<2x8x128xf32, #tpu.memory_space<vmem>>, %arg3: memref<1024x128xf32, #tpu.memory_space<vmem>>, %arg4: memref<128x128xf32, #tpu.memory_space<vmem>>, %arg5: memref<1x128xf32, #tpu.memory_space<vmem>>, %arg6: memref<128x128xf32, #tpu.memory_space<vmem>>, %arg7: memref<1024x128xf32, #tpu.memory_space<vmem>>) attributes {dimension_semantics = [#tpu.dimension_semantics<arbitrary>], iteration_bounds = array<i64: 10>, scalar_prefetch = 0 : i64, scratch_operands = 0 : i64, tpu.core_type = #tpu.core_type<tc>, window_params = [{transform_indices = @transform_0, window_bounds = array<i64: 2, 1024, 128>}, {transform_indices = @transform_1, window_bounds = array<i64: 2, 8, 128>}, {transform_indices = @transform_2, window_bounds = array<i64: 1024, 128>}, {pipeline_mode = #tpu.pipeline_mode<synchronous>, transform_indices = @transform_3, window_bounds = array<i64: 128, 128>}, {pipeline_mode = #tpu.pipeline_mode<synchronous>, transform_indices = @transform_4, window_bounds = array<i64: 1, 128>}, {pipeline_mode = #tpu.pipeline_mode<synchronous>, transform_indices = @transform_5, window_bounds = array<i64: 128, 128>}, {transform_indices = @transform_6, window_bounds = array<i64: 1024, 128>}]} {
    %get3A = arith.constant 0 : index
    %get3A_0 = arith.constant 0 : index
    %get3A_1 = arith.constant 0 : index
    %get3A_2 = vector.load %arg2[%get3A, %get3A_0, %get3A_1] : memref<2x8x128xf32, #tpu.memory_space<vmem>>, vector<1x8x128xf32>
    %get3A_3 = vector.shape_cast %get3A_2 : vector<1x8x128xf32> to vector<8x128xf32>
    %get3A_4 = arith.constant 1 : index
    %get3A_5 = arith.constant 0 : index
    %get3A_6 = arith.constant 0 : index
    %get3A_7 = vector.load %arg2[%get3A_4, %get3A_5, %get3A_6] : memref<2x8x128xf32, #tpu.memory_space<vmem>>, vector<1x8x128xf32>
    %get3A_8 = vector.shape_cast %get3A_7 : vector<1x8x128xf32> to vector<8x128xf32>
    %add3A = arith.addf %get3A_3, %get3A_8 : vector<8x128xf32>
    %transpose3A = tpu.transpose %add3A, [1, 0] : vector<8x128xf32> -> vector<128x8xf32>
    %tile3A = tpu.concatenate %transpose3A, %transpose3A, %transpose3A, %transpose3A, %transpose3A, %transpose3A, %transpose3A, %transpose3A in 0 : vector<128x8xf32>, vector<128x8xf32>, vector<128x8xf32>, vector<128x8xf32>, vector<128x8xf32>, vector<128x8xf32>, vector<128x8xf32>, vector<128x8xf32> -> vector<1024x8xf32>
    %iota3A = tpu.iota {dimensions = array<i32: 0>} : vector<1024x8xi32>
    %jit3A = arith.constant 128 : i32
    %div3A = vector.broadcast %jit3A : i32 to vector<1024x8xi32>
    %div3A_9 = arith.divsi %iota3A, %div3A : vector<1024x8xi32>
    %sign3A = arith.constant 0 : i32
    %sign3A_10 = vector.broadcast %sign3A : i32 to vector<1024x8xi32>
    %sign3A_11 = arith.cmpi sgt, %iota3A, %sign3A_10 : vector<1024x8xi32>
    %sign3A_12 = arith.extui %sign3A_11 : vector<1024x8xi1> to vector<1024x8xi32>
    %sign3A_13 = arith.constant 0 : i32
    %sign3A_14 = vector.broadcast %sign3A_13 : i32 to vector<1024x8xi32>
    %sign3A_15 = arith.cmpi slt, %iota3A, %sign3A_14 : vector<1024x8xi32>
    %sign3A_16 = arith.extui %sign3A_15 : vector<1024x8xi1> to vector<1024x8xi32>
    %sign3A_17 = arith.subi %sign3A_12, %sign3A_16 : vector<1024x8xi32>
    %sign3A_18 = arith.constant 0 : i32
    %sign3A_19 = arith.cmpi sgt, %jit3A, %sign3A_18 : i32
    %sign3A_20 = arith.extui %sign3A_19 : i1 to i32
    %sign3A_21 = arith.constant 0 : i32
    %sign3A_22 = arith.cmpi slt, %jit3A, %sign3A_21 : i32
    %sign3A_23 = arith.extui %sign3A_22 : i1 to i32
    %sign3A_24 = arith.subi %sign3A_20, %sign3A_23 : i32
    %ne3A = vector.broadcast %sign3A_24 : i32 to vector<1024x8xi32>
    %ne3A_25 = arith.cmpi ne, %sign3A_17, %ne3A : vector<1024x8xi32>
    %rem3A = vector.broadcast %jit3A : i32 to vector<1024x8xi32>
    %rem3A_26 = arith.remsi %iota3A, %rem3A : vector<1024x8xi32>
    %ne3A_27 = arith.constant 0 : i32
    %ne3A_28 = vector.broadcast %ne3A_27 : i32 to vector<1024x8xi32>
    %ne3A_29 = arith.cmpi ne, %rem3A_26, %ne3A_28 : vector<1024x8xi32>
    %and3A = arith.andi %ne3A_25, %ne3A_29 : vector<1024x8xi1>
    %sub3A = arith.constant 1 : i32
    %sub3A_30 = vector.broadcast %sub3A : i32 to vector<1024x8xi32>
    %sub3A_31 = arith.subi %div3A_9, %sub3A_30 : vector<1024x8xi32>
    %select_n3A = arith.select %and3A, %sub3A_31, %div3A_9 : vector<1024x8xi1>, vector<1024x8xi32>
    %iota3A_32 = tpu.iota {dimensions = array<i32: 1>} : vector<1024x8xi32>
    %eq3A = arith.cmpi eq, %select_n3A, %iota3A_32 : vector<1024x8xi32>
    %jit3A_33 = arith.constant 0.000000e+00 : f32
    %broadcast_in_dim3A = vector.broadcast %jit3A_33 : f32 to vector<1024x8xf32>
    %select_n3A_34 = arith.select %eq3A, %tile3A, %broadcast_in_dim3A : vector<1024x8xi1>, vector<1024x8xf32>
    %reduce_sum3A = arith.constant dense<0.000000e+00> : vector<1024xf32>
    %reduce_sum3A_35 = vector.multi_reduction <add>, %select_n3A_34, %reduce_sum3A [1] : vector<1024x8xf32> to vector<1024xf32>
    %broadcast_in_dim3A_36 = vector.shape_cast %reduce_sum3A_35 : vector<1024xf32> to vector<1024x1xf32>
    %max3A = arith.constant 1.000000e+00 : f32
    %max3A_37 = vector.broadcast %max3A : f32 to vector<1024x1xf32>
    %max3A_38 = arith.maximumf %broadcast_in_dim3A_36, %max3A_37 : vector<1024x1xf32>
    %div3A_39 = arith.constant 1.000000e+00 : f32
    %div3A_40 = vector.broadcast %div3A_39 : f32 to vector<1024x1xf32>
    %div3A_41 = arith.divf %div3A_40, %max3A_38 : vector<1024x1xf32>
    %get3A_42 = arith.constant 0 : index
    %get3A_43 = arith.constant 0 : index
    %get3A_44 = arith.constant 0 : index
    %get3A_45 = vector.load %arg1[%get3A_42, %get3A_43, %get3A_44] : memref<2x1024x128xf32, #tpu.memory_space<vmem>>, vector<1x1024x128xf32>
    %get3A_46 = vector.shape_cast %get3A_45 : vector<1x1024x128xf32> to vector<1024x128xf32>
    %get3A_47 = arith.constant 1 : index
    %get3A_48 = arith.constant 0 : index
    %get3A_49 = arith.constant 0 : index
    %get3A_50 = vector.load %arg1[%get3A_47, %get3A_48, %get3A_49] : memref<2x1024x128xf32, #tpu.memory_space<vmem>>, vector<1x1024x128xf32>
    %get3A_51 = vector.shape_cast %get3A_50 : vector<1x1024x128xf32> to vector<1024x128xf32>
    %add3A_52 = arith.addf %get3A_46, %get3A_51 : vector<1024x128xf32>
    %mul3A = vector.broadcast %div3A_41 : vector<1024x1xf32> to vector<1024x128xf32>
    %mul3A_53 = arith.mulf %add3A_52, %mul3A : vector<1024x128xf32>
    %get3A_54 = arith.constant 0 : index
    %get3A_55 = arith.constant 0 : index
    %get3A_56 = vector.load %arg4[%get3A_54, %get3A_55] : memref<128x128xf32, #tpu.memory_space<vmem>>, vector<128x128xf32>
    %dot_general3A = arith.constant dense<0.000000e+00> : vector<1024x128xf32>
    %dot_general3A_57 = tpu.matmul %mul3A_53, %get3A_56, %dot_general3A {dimension_numbers = #tpu.dot_dimension_numbers<[1], [0], [0], [1], [0, 0, 1, 1], [], []>, transpose_lhs_hint = false} : vector<1024x128xf32>, vector<128x128xf32>, vector<1024x128xf32> -> vector<1024x128xf32>
    %get3A_58 = arith.constant 0 : index
    %get3A_59 = arith.constant 0 : index
    %get3A_60 = vector.load %arg5[%get3A_58, %get3A_59] : memref<1x128xf32, #tpu.memory_space<vmem>>, vector<1x128xf32>
    %add3A_61 = vector.broadcast %get3A_60 : vector<1x128xf32> to vector<1024x128xf32>
    %add3A_62 = arith.addf %dot_general3A_57, %add3A_61 : vector<1024x128xf32>
    %get3A_63 = arith.constant 0 : index
    %get3A_64 = arith.constant 0 : index
    %get3A_65 = vector.load %arg3[%get3A_63, %get3A_64] : memref<1024x128xf32, #tpu.memory_space<vmem>>, vector<1024x128xf32>
    %get3A_66 = arith.constant 0 : index
    %get3A_67 = arith.constant 0 : index
    %get3A_68 = vector.load %arg6[%get3A_66, %get3A_67] : memref<128x128xf32, #tpu.memory_space<vmem>>, vector<128x128xf32>
    %dot_general3A_69 = arith.constant dense<0.000000e+00> : vector<1024x128xf32>
    %dot_general3A_70 = tpu.matmul %get3A_65, %get3A_68, %dot_general3A_69 {dimension_numbers = #tpu.dot_dimension_numbers<[1], [0], [0], [1], [0, 0, 1, 1], [], []>, transpose_lhs_hint = false} : vector<1024x128xf32>, vector<128x128xf32>, vector<1024x128xf32> -> vector<1024x128xf32>
    %add3A_71 = arith.addf %add3A_62, %dot_general3A_70 : vector<1024x128xf32>
    %max3A_72 = arith.constant 0.000000e+00 : f32
    %max3A_73 = vector.broadcast %max3A_72 : f32 to vector<1024x128xf32>
    %max3A_74 = arith.maximumf %add3A_71, %max3A_73 : vector<1024x128xf32>
    %swap3A = arith.constant 0 : index
    %swap3A_75 = arith.constant 0 : index
    %swap3A_76 = vector.load %arg7[%swap3A, %swap3A_75] : memref<1024x128xf32, #tpu.memory_space<vmem>>, vector<1024x128xf32>
    tpu.vector_store %arg7[%swap3A, %swap3A_75], %max3A_74 {strides = array<i32>} : memref<1024x128xf32, #tpu.memory_space<vmem>>, vector<1024x128xf32>,
    return
  }
  func.func @transform_0(%arg0: i32) -> (i32, i32, i32) {
    %c0_i32 = arith.constant 0 : i32
    %c0_i32_0 = arith.constant 0 : i32
    %c0_i32_1 = arith.constant 0 : i32
    return %c0_i32, %arg0, %c0_i32_0 : i32, i32, i32
  }
  func.func @transform_1(%arg0: i32) -> (i32, i32, i32) {
    %c0_i32 = arith.constant 0 : i32
    %c0_i32_0 = arith.constant 0 : i32
    %c0_i32_1 = arith.constant 0 : i32
    return %c0_i32, %arg0, %c0_i32_0 : i32, i32, i32
  }
  func.func @transform_2(%arg0: i32) -> (i32, i32) {
    %c0_i32 = arith.constant 0 : i32
    %c0_i32_0 = arith.constant 0 : i32
    return %arg0, %c0_i32 : i32, i32
  }
  func.func @transform_3(%arg0: i32) -> (i32, i32) {
    %c0_i32 = arith.constant 0 : i32
    %c0_i32_0 = arith.constant 0 : i32
    %c0_i32_1 = arith.constant 0 : i32
    return %c0_i32, %c0_i32_0 : i32, i32
  }
  func.func @transform_4(%arg0: i32) -> (i32, i32) {
    %c0_i32 = arith.constant 0 : i32
    %c0_i32_0 = arith.constant 0 : i32
    %c0_i32_1 = arith.constant 0 : i32
    return %c0_i32, %c0_i32_0 : i32, i32
  }
  func.func @transform_5(%arg0: i32) -> (i32, i32) {
    %c0_i32 = arith.constant 0 : i32
    %c0_i32_0 = arith.constant 0 : i32
    %c0_i32_1 = arith.constant 0 : i32
    return %c0_i32, %c0_i32_0 : i32, i32
  }
  func.func @transform_6(%arg0: i32) -> (i32, i32) {
    %c0_i32 = arith.constant 0 : i32
    %c0_i32_0 = arith.constant 0 : i32
    return %arg0, %c0_i32 : i32, i32
  }
}

module attributes {stable_mosaic.version = 14 : i64} {
  func.func @_layer_body(%arg0: i32, %arg1: memref<2x1024x128xf32, #tpu.memory_space<vmem>>, %arg2: memref<2x8x128xf32, #tpu.memory_space<vmem>>, %arg3: memref<1024x128xf32, #tpu.memory_space<vmem>>, %arg4: memref<128x128xf32, #tpu.memory_space<vmem>>, %arg5: memref<1x128xf32, #tpu.memory_space<vmem>>, %arg6: memref<128x128xf32, #tpu.memory_space<vmem>>, %arg7: memref<1024x128xf32, #tpu.memory_space<vmem>>) attributes {dimension_semantics = [#tpu.dimension_semantics<arbitrary>], iteration_bounds = array<i64: 10>, scalar_prefetch = 0 : i64, scratch_operands = 0 : i64, tpu.core_type = #tpu.core_type<tc>, window_params = [{transform_indices = @transform_0, window_bounds = array<i64: 2, 1024, 128>}, {transform_indices = @transform_1, window_bounds = array<i64: 2, 8, 128>}, {transform_indices = @transform_2, window_bounds = array<i64: 1024, 128>}, {pipeline_mode = #tpu.pipeline_mode<synchronous>, transform_indices = @transform_3, window_bounds = array<i64: 128, 128>}, {pipeline_mode = #tpu.pipeline_mode<synchronous>, transform_indices = @transform_4, window_bounds = array<i64: 1, 128>}, {pipeline_mode = #tpu.pipeline_mode<synchronous>, transform_indices = @transform_5, window_bounds = array<i64: 128, 128>}, {transform_indices = @transform_6, window_bounds = array<i64: 1024, 128>}]} {
    %get3A = arith.constant 0 : index
    %get3A_0 = arith.constant 0 : index
    %get3A_1 = arith.constant 0 : index
    %get3A_2 = vector.load %arg2[%get3A, %get3A_0, %get3A_1] : memref<2x8x128xf32, #tpu.memory_space<vmem>>, vector<1x8x128xf32>
    %get3A_3 = vector.shape_cast %get3A_2 : vector<1x8x128xf32> to vector<8x128xf32>
    %get3A_4 = arith.constant 1 : index
    %get3A_5 = arith.constant 0 : index
    %get3A_6 = arith.constant 0 : index
    %get3A_7 = vector.load %arg2[%get3A_4, %get3A_5, %get3A_6] : memref<2x8x128xf32, #tpu.memory_space<vmem>>, vector<1x8x128xf32>
    %get3A_8 = vector.shape_cast %get3A_7 : vector<1x8x128xf32> to vector<8x128xf32>
    %add3A = arith.addf %get3A_3, %get3A_8 : vector<8x128xf32>
    %transpose3A = tpu.transpose %add3A, [1, 0] : vector<8x128xf32> -> vector<128x8xf32>
    %tile3A = tpu.concatenate %transpose3A, %transpose3A, %transpose3A, %transpose3A, %transpose3A, %transpose3A, %transpose3A, %transpose3A in 0 : vector<128x8xf32>, vector<128x8xf32>, vector<128x8xf32>, vector<128x8xf32>, vector<128x8xf32>, vector<128x8xf32>, vector<128x8xf32>, vector<128x8xf32> -> vector<1024x8xf32>
    %iota3A = tpu.iota {dimensions = array<i32: 0>} : vector<1024x8xi32>
    %jit3A = arith.constant 128 : i32
    %div3A = vector.broadcast %jit3A : i32 to vector<1024x8xi32>
    %div3A_9 = arith.divsi %iota3A, %div3A : vector<1024x8xi32>
    %sign3A = arith.constant 0 : i32
    %sign3A_10 = vector.broadcast %sign3A : i32 to vector<1024x8xi32>
    %sign3A_11 = arith.cmpi sgt, %iota3A, %sign3A_10 : vector<1024x8xi32>
    %sign3A_12 = arith.extui %sign3A_11 : vector<1024x8xi1> to vector<1024x8xi32>
    %sign3A_13 = arith.constant 0 : i32
    %sign3A_14 = vector.broadcast %sign3A_13 : i32 to vector<1024x8xi32>
    %sign3A_15 = arith.cmpi slt, %iota3A, %sign3A_14 : vector<1024x8xi32>
    %sign3A_16 = arith.extui %sign3A_15 : vector<1024x8xi1> to vector<1024x8xi32>
    %sign3A_17 = arith.subi %sign3A_12, %sign3A_16 : vector<1024x8xi32>
    %sign3A_18 = arith.constant 0 : i32
    %sign3A_19 = arith.cmpi sgt, %jit3A, %sign3A_18 : i32
    %sign3A_20 = arith.extui %sign3A_19 : i1 to i32
    %sign3A_21 = arith.constant 0 : i32
    %sign3A_22 = arith.cmpi slt, %jit3A, %sign3A_21 : i32
    %sign3A_23 = arith.extui %sign3A_22 : i1 to i32
    %sign3A_24 = arith.subi %sign3A_20, %sign3A_23 : i32
    %ne3A = vector.broadcast %sign3A_24 : i32 to vector<1024x8xi32>
    %ne3A_25 = arith.cmpi ne, %sign3A_17, %ne3A : vector<1024x8xi32>
    %rem3A = vector.broadcast %jit3A : i32 to vector<1024x8xi32>
    %rem3A_26 = arith.remsi %iota3A, %rem3A : vector<1024x8xi32>
    %ne3A_27 = arith.constant 0 : i32
    %ne3A_28 = vector.broadcast %ne3A_27 : i32 to vector<1024x8xi32>
    %ne3A_29 = arith.cmpi ne, %rem3A_26, %ne3A_28 : vector<1024x8xi32>
    %and3A = arith.andi %ne3A_25, %ne3A_29 : vector<1024x8xi1>
    %sub3A = arith.constant 1 : i32
    %sub3A_30 = vector.broadcast %sub3A : i32 to vector<1024x8xi32>
    %sub3A_31 = arith.subi %div3A_9, %sub3A_30 : vector<1024x8xi32>
    %select_n3A = arith.select %and3A, %sub3A_31, %div3A_9 : vector<1024x8xi1>, vector<1024x8xi32>
    %iota3A_32 = tpu.iota {dimensions = array<i32: 1>} : vector<1024x8xi32>
    %eq3A = arith.cmpi eq, %select_n3A, %iota3A_32 : vector<1024x8xi32>
    %jit3A_33 = arith.constant 0.000000e+00 : f32
    %broadcast_in_dim3A = vector.broadcast %jit3A_33 : f32 to vector<1024x8xf32>
    %select_n3A_34 = arith.select %eq3A, %tile3A, %broadcast_in_dim3A : vector<1024x8xi1>, vector<1024x8xf32>
    %reduce_sum3A = arith.constant dense<0.000000e+00> : vector<1024xf32>
    %reduce_sum3A_35 = vector.multi_reduction <add>, %select_n3A_34, %reduce_sum3A [1] : vector<1024x8xf32> to vector<1024xf32>
    %broadcast_in_dim3A_36 = vector.shape_cast %reduce_sum3A_35 : vector<1024xf32> to vector<1024x1xf32>
    %max3A = arith.constant 1.000000e+00 : f32
    %max3A_37 = vector.broadcast %max3A : f32 to vector<1024x1xf32>
    %max3A_38 = arith.maximumf %broadcast_in_dim3A_36, %max3A_37 : vector<1024x1xf32>
    %div3A_39 = arith.constant 1.000000e+00 : f32
    %div3A_40 = vector.broadcast %div3A_39 : f32 to vector<1024x1xf32>
    %div3A_41 = arith.divf %div3A_40, %max3A_38 : vector<1024x1xf32>
    %get3A_42 = arith.constant 0 : index
    %get3A_43 = arith.constant 0 : index
    %get3A_44 = arith.constant 0 : index
    %get3A_45 = vector.load %arg1[%get3A_42, %get3A_43, %get3A_44] : memref<2x1024x128xf32, #tpu.memory_space<vmem>>, vector<1x1024x128xf32>
    %get3A_46 = vector.shape_cast %get3A_45 : vector<1x1024x128xf32> to vector<1024x128xf32>
    %get3A_47 = arith.constant 1 : index
    %get3A_48 = arith.constant 0 : index
    %get3A_49 = arith.constant 0 : index
    %get3A_50 = vector.load %arg1[%get3A_47, %get3A_48, %get3A_49] : memref<2x1024x128xf32, #tpu.memory_space<vmem>>, vector<1x1024x128xf32>
    %get3A_51 = vector.shape_cast %get3A_50 : vector<1x1024x128xf32> to vector<1024x128xf32>
    %add3A_52 = arith.addf %get3A_46, %get3A_51 : vector<1024x128xf32>
    %mul3A = vector.broadcast %div3A_41 : vector<1024x1xf32> to vector<1024x128xf32>
    %mul3A_53 = arith.mulf %add3A_52, %mul3A : vector<1024x128xf32>
    %get3A_54 = arith.constant 0 : index
    %get3A_55 = arith.constant 0 : index
    %get3A_56 = vector.load %arg4[%get3A_54, %get3A_55] : memref<128x128xf32, #tpu.memory_space<vmem>>, vector<128x128xf32>
    %dot_general3A = arith.constant dense<0.000000e+00> : vector<1024x128xf32>
    %dot_general3A_57 = tpu.matmul %mul3A_53, %get3A_56, %dot_general3A {dimension_numbers = #tpu.dot_dimension_numbers<[1], [0], [0], [1], [0, 0, 1, 1], [], []>, transpose_lhs_hint = false} : vector<1024x128xf32>, vector<128x128xf32>, vector<1024x128xf32> -> vector<1024x128xf32>
    %get3A_58 = arith.constant 0 : index
    %get3A_59 = arith.constant 0 : index
    %get3A_60 = vector.load %arg5[%get3A_58, %get3A_59] : memref<1x128xf32, #tpu.memory_space<vmem>>, vector<1x128xf32>
    %add3A_61 = vector.broadcast %get3A_60 : vector<1x128xf32> to vector<1024x128xf32>
    %add3A_62 = arith.addf %dot_general3A_57, %add3A_61 : vector<1024x128xf32>
    %get3A_63 = arith.constant 0 : index
    %get3A_64 = arith.constant 0 : index
    %get3A_65 = vector.load %arg3[%get3A_63, %get3A_64] : memref<1024x128xf32, #tpu.memory_space<vmem>>, vector<1024x128xf32>
    %get3A_66 = arith.constant 0 : index
    %get3A_67 = arith.constant 0 : index
    %get3A_68 = vector.load %arg6[%get3A_66, %get3A_67] : memref<128x128xf32, #tpu.memory_space<vmem>>, vector<128x128xf32>
    %dot_general3A_69 = arith.constant dense<0.000000e+00> : vector<1024x128xf32>
    %dot_general3A_70 = tpu.matmul %get3A_65, %get3A_68, %dot_general3A_69 {dimension_numbers = #tpu.dot_dimension_numbers<[1], [0], [0], [1], [0, 0, 1, 1], [], []>, transpose_lhs_hint = false} : vector<1024x128xf32>, vector<128x128xf32>, vector<1024x128xf32> -> vector<1024x128xf32>
    %add3A_71 = arith.addf %add3A_62, %dot_general3A_70 : vector<1024x128xf32>
    %max3A_72 = arith.constant 0.000000e+00 : f32
    %max3A_73 = vector.broadcast %max3A_72 : f32 to vector<1024x128xf32>
    %max3A_74 = arith.maximumf %add3A_71, %max3A_73 : vector<1024x128xf32>
    %swap3A = arith.constant 0 : index
    %swap3A_75 = arith.constant 0 : index
    %swap3A_76 = vector.load %arg7[%swap3A, %swap3A_75] : memref<1024x128xf32, #tpu.memory_space<vmem>>, vector<1024x128xf32>
    tpu.vector_store %arg7[%swap3A, %swap3A_75], %max3A_74 {strides = array<i32>} : memref<1024x128xf32, #tpu.memory_space<vmem>>, vector<1024x128xf32>,
    return
  }
  func.func @transform_0(%arg0: i32) -> (i32, i32, i32) {
    %c0_i32 = arith.constant 0 : i32
    %c0_i32_0 = arith.constant 0 : i32
    %c0_i32_1 = arith.constant 0 : i32
    return %c0_i32, %arg0, %c0_i32_0 : i32, i32, i32
  }
  func.func @transform_1(%arg0: i32) -> (i32, i32, i32) {
    %c0_i32 = arith.constant 0 : i32
    %c0_i32_0 = arith.constant 0 : i32
    %c0_i32_1 = arith.constant 0 : i32
    return %c0_i32, %arg0, %c0_i32_0 : i32, i32, i32
  }
  func.func @transform_2(%arg0: i32) -> (i32, i32) {
    %c0_i32 = arith.constant 0 : i32
    %c0_i32_0 = arith.constant 0 : i32
    return %arg0, %c0_i32 : i32, i32
  }
  func.func @transform_3(%arg0: i32) -> (i32, i32) {
    %c0_i32 = arith.constant 0 : i32
    %c0_i32_0 = arith.constant 0 : i32
    %c0_i32_1 = arith.constant 0 : i32
    return %c0_i32, %c0_i32_0 : i32, i32
  }
  func.func @transform_4(%arg0: i32) -> (i32, i32) {
    %c0_i32 = arith.constant 0 : i32
    %c0_i32_0 = arith.constant 0 : i32
    %c0_i32_1 = arith.constant 0 : i32
    return %c0_i32, %c0_i32_0 : i32, i32
  }
  func.func @transform_5(%arg0: i32) -> (i32, i32) {
    %c0_i32 = arith.constant 0 : i32
    %c0_i32_0 = arith.constant 0 : i32
    %c0_i32_1 = arith.constant 0 : i32
    return %c0_i32, %c0_i32_0 : i32, i32
  }
  func.func @transform_6(%arg0: i32) -> (i32, i32) {
    %c0_i32 = arith.constant 0 : i32
    %c0_i32_0 = arith.constant 0 : i32
    return %arg0, %c0_i32 : i32, i32
  }
}

module attributes {stable_mosaic.version = 14 : i64} {
  func.func @_layer_body(%arg0: i32, %arg1: memref<2x1024x128xf32, #tpu.memory_space<vmem>>, %arg2: memref<2x8x128xf32, #tpu.memory_space<vmem>>, %arg3: memref<1024x128xf32, #tpu.memory_space<vmem>>, %arg4: memref<128x128xf32, #tpu.memory_space<vmem>>, %arg5: memref<1x128xf32, #tpu.memory_space<vmem>>, %arg6: memref<128x128xf32, #tpu.memory_space<vmem>>, %arg7: memref<1024x128xf32, #tpu.memory_space<vmem>>) attributes {dimension_semantics = [#tpu.dimension_semantics<arbitrary>], iteration_bounds = array<i64: 10>, scalar_prefetch = 0 : i64, scratch_operands = 0 : i64, tpu.core_type = #tpu.core_type<tc>, window_params = [{transform_indices = @transform_0, window_bounds = array<i64: 2, 1024, 128>}, {transform_indices = @transform_1, window_bounds = array<i64: 2, 8, 128>}, {transform_indices = @transform_2, window_bounds = array<i64: 1024, 128>}, {pipeline_mode = #tpu.pipeline_mode<synchronous>, transform_indices = @transform_3, window_bounds = array<i64: 128, 128>}, {pipeline_mode = #tpu.pipeline_mode<synchronous>, transform_indices = @transform_4, window_bounds = array<i64: 1, 128>}, {pipeline_mode = #tpu.pipeline_mode<synchronous>, transform_indices = @transform_5, window_bounds = array<i64: 128, 128>}, {transform_indices = @transform_6, window_bounds = array<i64: 1024, 128>}]} {
    %get3A = arith.constant 0 : index
    %get3A_0 = arith.constant 0 : index
    %get3A_1 = arith.constant 0 : index
    %get3A_2 = vector.load %arg2[%get3A, %get3A_0, %get3A_1] : memref<2x8x128xf32, #tpu.memory_space<vmem>>, vector<1x8x128xf32>
    %get3A_3 = vector.shape_cast %get3A_2 : vector<1x8x128xf32> to vector<8x128xf32>
    %get3A_4 = arith.constant 1 : index
    %get3A_5 = arith.constant 0 : index
    %get3A_6 = arith.constant 0 : index
    %get3A_7 = vector.load %arg2[%get3A_4, %get3A_5, %get3A_6] : memref<2x8x128xf32, #tpu.memory_space<vmem>>, vector<1x8x128xf32>
    %get3A_8 = vector.shape_cast %get3A_7 : vector<1x8x128xf32> to vector<8x128xf32>
    %add3A = arith.addf %get3A_3, %get3A_8 : vector<8x128xf32>
    %transpose3A = tpu.transpose %add3A, [1, 0] : vector<8x128xf32> -> vector<128x8xf32>
    %tile3A = tpu.concatenate %transpose3A, %transpose3A, %transpose3A, %transpose3A, %transpose3A, %transpose3A, %transpose3A, %transpose3A in 0 : vector<128x8xf32>, vector<128x8xf32>, vector<128x8xf32>, vector<128x8xf32>, vector<128x8xf32>, vector<128x8xf32>, vector<128x8xf32>, vector<128x8xf32> -> vector<1024x8xf32>
    %iota3A = tpu.iota {dimensions = array<i32: 0>} : vector<1024x8xi32>
    %jit3A = arith.constant 128 : i32
    %div3A = vector.broadcast %jit3A : i32 to vector<1024x8xi32>
    %div3A_9 = arith.divsi %iota3A, %div3A : vector<1024x8xi32>
    %sign3A = arith.constant 0 : i32
    %sign3A_10 = vector.broadcast %sign3A : i32 to vector<1024x8xi32>
    %sign3A_11 = arith.cmpi sgt, %iota3A, %sign3A_10 : vector<1024x8xi32>
    %sign3A_12 = arith.extui %sign3A_11 : vector<1024x8xi1> to vector<1024x8xi32>
    %sign3A_13 = arith.constant 0 : i32
    %sign3A_14 = vector.broadcast %sign3A_13 : i32 to vector<1024x8xi32>
    %sign3A_15 = arith.cmpi slt, %iota3A, %sign3A_14 : vector<1024x8xi32>
    %sign3A_16 = arith.extui %sign3A_15 : vector<1024x8xi1> to vector<1024x8xi32>
    %sign3A_17 = arith.subi %sign3A_12, %sign3A_16 : vector<1024x8xi32>
    %sign3A_18 = arith.constant 0 : i32
    %sign3A_19 = arith.cmpi sgt, %jit3A, %sign3A_18 : i32
    %sign3A_20 = arith.extui %sign3A_19 : i1 to i32
    %sign3A_21 = arith.constant 0 : i32
    %sign3A_22 = arith.cmpi slt, %jit3A, %sign3A_21 : i32
    %sign3A_23 = arith.extui %sign3A_22 : i1 to i32
    %sign3A_24 = arith.subi %sign3A_20, %sign3A_23 : i32
    %ne3A = vector.broadcast %sign3A_24 : i32 to vector<1024x8xi32>
    %ne3A_25 = arith.cmpi ne, %sign3A_17, %ne3A : vector<1024x8xi32>
    %rem3A = vector.broadcast %jit3A : i32 to vector<1024x8xi32>
    %rem3A_26 = arith.remsi %iota3A, %rem3A : vector<1024x8xi32>
    %ne3A_27 = arith.constant 0 : i32
    %ne3A_28 = vector.broadcast %ne3A_27 : i32 to vector<1024x8xi32>
    %ne3A_29 = arith.cmpi ne, %rem3A_26, %ne3A_28 : vector<1024x8xi32>
    %and3A = arith.andi %ne3A_25, %ne3A_29 : vector<1024x8xi1>
    %sub3A = arith.constant 1 : i32
    %sub3A_30 = vector.broadcast %sub3A : i32 to vector<1024x8xi32>
    %sub3A_31 = arith.subi %div3A_9, %sub3A_30 : vector<1024x8xi32>
    %select_n3A = arith.select %and3A, %sub3A_31, %div3A_9 : vector<1024x8xi1>, vector<1024x8xi32>
    %iota3A_32 = tpu.iota {dimensions = array<i32: 1>} : vector<1024x8xi32>
    %eq3A = arith.cmpi eq, %select_n3A, %iota3A_32 : vector<1024x8xi32>
    %jit3A_33 = arith.constant 0.000000e+00 : f32
    %broadcast_in_dim3A = vector.broadcast %jit3A_33 : f32 to vector<1024x8xf32>
    %select_n3A_34 = arith.select %eq3A, %tile3A, %broadcast_in_dim3A : vector<1024x8xi1>, vector<1024x8xf32>
    %reduce_sum3A = arith.constant dense<0.000000e+00> : vector<1024xf32>
    %reduce_sum3A_35 = vector.multi_reduction <add>, %select_n3A_34, %reduce_sum3A [1] : vector<1024x8xf32> to vector<1024xf32>
    %broadcast_in_dim3A_36 = vector.shape_cast %reduce_sum3A_35 : vector<1024xf32> to vector<1024x1xf32>
    %max3A = arith.constant 1.000000e+00 : f32
    %max3A_37 = vector.broadcast %max3A : f32 to vector<1024x1xf32>
    %max3A_38 = arith.maximumf %broadcast_in_dim3A_36, %max3A_37 : vector<1024x1xf32>
    %div3A_39 = arith.constant 1.000000e+00 : f32
    %div3A_40 = vector.broadcast %div3A_39 : f32 to vector<1024x1xf32>
    %div3A_41 = arith.divf %div3A_40, %max3A_38 : vector<1024x1xf32>
    %get3A_42 = arith.constant 0 : index
    %get3A_43 = arith.constant 0 : index
    %get3A_44 = arith.constant 0 : index
    %get3A_45 = vector.load %arg1[%get3A_42, %get3A_43, %get3A_44] : memref<2x1024x128xf32, #tpu.memory_space<vmem>>, vector<1x1024x128xf32>
    %get3A_46 = vector.shape_cast %get3A_45 : vector<1x1024x128xf32> to vector<1024x128xf32>
    %get3A_47 = arith.constant 1 : index
    %get3A_48 = arith.constant 0 : index
    %get3A_49 = arith.constant 0 : index
    %get3A_50 = vector.load %arg1[%get3A_47, %get3A_48, %get3A_49] : memref<2x1024x128xf32, #tpu.memory_space<vmem>>, vector<1x1024x128xf32>
    %get3A_51 = vector.shape_cast %get3A_50 : vector<1x1024x128xf32> to vector<1024x128xf32>
    %add3A_52 = arith.addf %get3A_46, %get3A_51 : vector<1024x128xf32>
    %mul3A = vector.broadcast %div3A_41 : vector<1024x1xf32> to vector<1024x128xf32>
    %mul3A_53 = arith.mulf %add3A_52, %mul3A : vector<1024x128xf32>
    %get3A_54 = arith.constant 0 : index
    %get3A_55 = arith.constant 0 : index
    %get3A_56 = vector.load %arg4[%get3A_54, %get3A_55] : memref<128x128xf32, #tpu.memory_space<vmem>>, vector<128x128xf32>
    %dot_general3A = arith.constant dense<0.000000e+00> : vector<1024x128xf32>
    %dot_general3A_57 = tpu.matmul %mul3A_53, %get3A_56, %dot_general3A {dimension_numbers = #tpu.dot_dimension_numbers<[1], [0], [0], [1], [0, 0, 1, 1], [], []>, transpose_lhs_hint = false} : vector<1024x128xf32>, vector<128x128xf32>, vector<1024x128xf32> -> vector<1024x128xf32>
    %get3A_58 = arith.constant 0 : index
    %get3A_59 = arith.constant 0 : index
    %get3A_60 = vector.load %arg5[%get3A_58, %get3A_59] : memref<1x128xf32, #tpu.memory_space<vmem>>, vector<1x128xf32>
    %add3A_61 = vector.broadcast %get3A_60 : vector<1x128xf32> to vector<1024x128xf32>
    %add3A_62 = arith.addf %dot_general3A_57, %add3A_61 : vector<1024x128xf32>
    %get3A_63 = arith.constant 0 : index
    %get3A_64 = arith.constant 0 : index
    %get3A_65 = vector.load %arg3[%get3A_63, %get3A_64] : memref<1024x128xf32, #tpu.memory_space<vmem>>, vector<1024x128xf32>
    %get3A_66 = arith.constant 0 : index
    %get3A_67 = arith.constant 0 : index
    %get3A_68 = vector.load %arg6[%get3A_66, %get3A_67] : memref<128x128xf32, #tpu.memory_space<vmem>>, vector<128x128xf32>
    %dot_general3A_69 = arith.constant dense<0.000000e+00> : vector<1024x128xf32>
    %dot_general3A_70 = tpu.matmul %get3A_65, %get3A_68, %dot_general3A_69 {dimension_numbers = #tpu.dot_dimension_numbers<[1], [0], [0], [1], [0, 0, 1, 1], [], []>, transpose_lhs_hint = false} : vector<1024x128xf32>, vector<128x128xf32>, vector<1024x128xf32> -> vector<1024x128xf32>
    %add3A_71 = arith.addf %add3A_62, %dot_general3A_70 : vector<1024x128xf32>
    %swap3A = arith.constant 0 : index
    %swap3A_72 = arith.constant 0 : index
    %swap3A_73 = vector.load %arg7[%swap3A, %swap3A_72] : memref<1024x128xf32, #tpu.memory_space<vmem>>, vector<1024x128xf32>
    tpu.vector_store %arg7[%swap3A, %swap3A_72], %add3A_71 {strides = array<i32>} : memref<1024x128xf32, #tpu.memory_space<vmem>>, vector<1024x128xf32>,
    return
  }
  func.func @transform_0(%arg0: i32) -> (i32, i32, i32) {
    %c0_i32 = arith.constant 0 : i32
    %c0_i32_0 = arith.constant 0 : i32
    %c0_i32_1 = arith.constant 0 : i32
    return %c0_i32, %arg0, %c0_i32_0 : i32, i32, i32
  }
  func.func @transform_1(%arg0: i32) -> (i32, i32, i32) {
    %c0_i32 = arith.constant 0 : i32
    %c0_i32_0 = arith.constant 0 : i32
    %c0_i32_1 = arith.constant 0 : i32
    return %c0_i32, %arg0, %c0_i32_0 : i32, i32, i32
  }
  func.func @transform_2(%arg0: i32) -> (i32, i32) {
    %c0_i32 = arith.constant 0 : i32
    %c0_i32_0 = arith.constant 0 : i32
    return %arg0, %c0_i32 : i32, i32
  }
  func.func @transform_3(%arg0: i32) -> (i32, i32) {
    %c0_i32 = arith.constant 0 : i32
    %c0_i32_0 = arith.constant 0 : i32
    %c0_i32_1 = arith.constant 0 : i32
    return %c0_i32, %c0_i32_0 : i32, i32
  }
  func.func @transform_4(%arg0: i32) -> (i32, i32) {
    %c0_i32 = arith.constant 0 : i32
    %c0_i32_0 = arith.constant 0 : i32
    %c0_i32_1 = arith.constant 0 : i32
    return %c0_i32, %c0_i32_0 : i32, i32
  }
  func.func @transform_5(%arg0: i32) -> (i32, i32) {
    %c0_i32 = arith.constant 0 : i32
    %c0_i32_0 = arith.constant 0 : i32
    %c0_i32_1 = arith.constant 0 : i32
    return %c0_i32, %c0_i32_0 : i32, i32
  }
  func.func @transform_6(%arg0: i32) -> (i32, i32) {
    %c0_i32 = arith.constant 0 : i32
    %c0_i32_0 = arith.constant 0 : i32
    return %arg0, %c0_i32 : i32, i32
  }
}

</mosaic_0001>

<sc_bundles>
// kernel: kernel.12.cloned.1.call-start
scs
__scs_entry_jumppad:
0x0: {  	(pc) =	sbr.rel $0x88, $3  }
0x1: {  	(tag) =	ssettag $0x0;
	lr =	simm.s32 $0x1  }
0x2: {  	[smem:$0x3F96] =	sst lr;
	_ =	strace $0xD0000000  }
0x3: {  	_ = 	snop  }
0x4: {  	_ = 	snop  }
0x5: {  	_ = 	snop  }
0x6: {  	_ = 	snop  }
0x7: {  	_ = 	snop  }
__scs_overlays_trampoline_lowered:
0x8: {  	[smem:$0x3FA5] =	sst s0  }
0x9: {  	[smem:$0x3FA6] =	sst s1  }
0xa: {  	[smem:$0x3FA7] =	sst s2  }
0xb: {  	[smem:$0x3FA8] =	sst s3  }
0xc: {  	[smem:$0x3FA9] =	sst s4  }
0xd: {  	[smem:$0x3FAA] =	sst s5  }
0xe: {  	[smem:$0x3FAB] =	sst s6  }
0xf: {  	[smem:$0x3FAC] =	sst s7  }
0x10: {  	[smem:$0x3FAD] =	sst s8  }
0x11: {  	[smem:$0x3FAE] =	sst s9;
	s0 =	simm.s32 @!p0 $0x0  }
0x12: {  	s1 =	sld [smem:$0x3F94];
	s0 =	simm.s32 @p0 $0x1  }
0x13: {  	[smem:$0x3FAF] =	sst s0;
	s0 =	simm.s32 @!p1 $0x0  }
0x14: {  	s2 =	sld [smem:$0x3F93];
	s0 =	simm.s32 @p1 $0x1  }
0x15: {  	[smem:$0x3FB0] =	sst s0;
	s0 =	simm.s32 @!p2 $0x0  }
0x16: {  	s3 =	sld [smem:$0x3FDB];
	s0 =	simm.s32 @p2 $0x1  }
0x17: {  	s4 =	simm.s32 $0x1BF5;
	[smem:$0x3FB2] =	sst s0  }
0x18: {  	s0 =	sld [smem:$0x3F95];
	_ =	swait.ge [sflag:s4], $0x0  }
0x19: {  	s7 =	sld [smem:$0x3F96]  }
0x1a: {  	s8 =	sadd.s32 $0xFFFFE003, lr  }
0x1b: {  	s9 =	sadd.s32 $0xFFFFFEF7, lr;
	s5 =	simm.s32 $0xFFFFFFFF;
	p2 =	slt.u32 s8, $0xFFFFF086  }
0x1c: {  	p1 =	slt.u32 s9, $0xF7A;
	s5 =	simm.s32 @!p2 $0x0  }
0x1d: {  	s5 =	simm.s32 @p1 $0x1;
	p0 =	seq.s32 s7, s2  }
0x1e: {  	s7 =	smul.u32 @!p0 $0xF7A, s2;
	p2 =	seq.s32 @!p0 s5, $0x0  }
0x1f: {  	s9 =	smul.u32 $0xF7A, s1;
	s8 =	simm.s32 @!p0 $0x1BF5;
	p2 =	por !p2, p0  }
0x20: {  	[sflag:s8] =	ssyncset.s32 @!p0 $0xFFFFF086;
	s6 =	sadd.s32 @!p0 s3, s7;
	s7 =	simm.s32 @!p0 $0x108  }
0x21: {  	s3 =	sadd.s32 s3, s9;
	s6 =	sadd.s32 @!p0 $0x88, s6;
	s7 =	simm.s32 @p2 $0x1082  }
0x22: {  	[simem:s7], [sflag:s8] =	dma.local @!p0 [hbm:s6], $0xF7A  }
0x23: {  	s9 =	sor.u32 $0xD0000000, s2;
	s6 =	simm.s32 $0x108;
	_ =	swait.ge @!p0 [sflag:s8], $0x0  }
0x24: {  	s3 =	sadd.s32 $0x88, s3;
	s6 =	simm.s32 @!p1 $0x1082;
	[sflag:s4] =	ssyncset.s32 $0xFFFFF086  }
0x25: {  	[simem:s6], [sflag:s4] =	dma.local [hbm:s3], $0xF7A  }
0x26: {  	[smem:$0x3F96] =	sst s1;
	(tag) =	ssettag s2;
	_ =	strace s9  }
0x27: {  	s1 =	sld [smem:$0x3FA6]  }
0x28: {  	s2 =	sld [smem:$0x3FA7]  }
0x29: {  	s4 =	sld [smem:$0x3FA9]  }
0x2a: {  	p0 =	seq.s32 s5, $0x0;
	s5 =	sld [smem:$0x3FAA]  }
0x2b: {  	s6 =	sld [smem:$0x3FAB]  }
0x2c: {  	s7 =	sld [smem:$0x3FAC]  }
0x2d: {  	s3 =	simm.s32 $0x108;
	s8 =	sld [smem:$0x3FAD]  }
0x2e: {  	s3 =	simm.s32 @!p0 $0x1082;
	s9 =	sld [smem:$0x3FAE]  }
0x2f: {  	lr =	sadd.s32 s0, s3;
	s0 =	sld [smem:$0x3FA5]  }
0x30: {  	s3 =	sld [smem:$0x3FA8]  }
0x31: {  	[smem:$0x3FB1] =	sst s10  }
0x32: {  	s10 =	sld [smem:$0x3FAF];
	_ =	sdelay $0x3  }
0x33: {  	p0 =	seq.s32 s10, $0x1;
	s10 =	sld [smem:$0x3FB1];
	_ =	sdelay $0x3  }
0x34: {  	[smem:$0x3FB1] =	sst s10  }
0x35: {  	s10 =	sld [smem:$0x3FB0];
	_ =	sdelay $0x3  }
0x36: {  	p1 =	seq.s32 s10, $0x1;
	s10 =	sld [smem:$0x3FB1];
	_ =	sdelay $0x3  }
0x37: {  	[smem:$0x3FB1] =	sst s10  }
0x38: {  	s10 =	sld [smem:$0x3FB2]  }
0x39: {  	_ = 	snop;
	(pc) =	sbr.ind lr, $3  }
0x3a: {  	_ = 	snop  }
0x3b: {  	_ = 	snop  }
0x3c: {  	p2 =	seq.s32 s10, $0x1;
	s10 =	sld [smem:$0x3FB1]  }
0x3d: {  	_ =	shalt  }
0x3e: {  	_ =	shalt  }
0x3f: {  	_ =	shalt  }
0x40: {  	_ =	shalt  }
0x41: {  	_ =	shalt  }
0x42: {  	_ =	shalt  }
0x43: {  	_ =	shalt  }
0x44: {  	_ =	shalt  }
0x45: {  	_ =	shalt  }
0x46: {  	_ =	shalt  }
0x47: {  	_ =	shalt  }
0x48: {  	_ =	shalt  }
0x49: {  	_ =	shalt  }
0x4a: {  	_ =	shalt  }
0x4b: {  	_ =	shalt  }
0x4c: {  	_ =	shalt  }
0x4d: {  	_ =	shalt  }
0x4e: {  	_ =	shalt  }
0x4f: {  	_ =	shalt  }
0x50: {  	_ =	shalt  }
0x51: {  	_ =	shalt  }
0x52: {  	_ =	shalt  }
0x53: {  	_ =	shalt  }
0x54: {  	_ =	shalt  }
0x55: {  	_ =	shalt  }
0x56: {  	_ =	shalt  }
0x57: {  	_ =	shalt  }
0x58: {  	_ =	shalt  }
0x59: {  	_ =	shalt  }
0x5a: {  	_ =	shalt  }
0x5b: {  	_ =	shalt  }
0x5c: {  	_ =	shalt  }
0x5d: {  	_ =	shalt  }
0x5e: {  	_ =	shalt  }
0x5f: {  	_ =	shalt  }
0x60: {  	_ =	shalt  }
0x61: {  	_ =	shalt  }
0x62: {  	_ =	shalt  }
0x63: {  	_ =	shalt  }
0x64: {  	_ =	shalt  }
0x65: {  	_ =	shalt  }
0x66: {  	_ =	shalt  }
0x67: {  	_ =	shalt  }
0x68: {  	_ =	shalt  }
0x69: {  	_ =	shalt  }
0x6a: {  	_ =	shalt  }
0x6b: {  	_ =	shalt  }
0x6c: {  	_ =	shalt  }
0x6d: {  	_ =	shalt  }
0x6e: {  	_ =	shalt  }
0x6f: {  	_ =	shalt  }
0x70: {  	_ =	shalt  }
0x71: {  	_ =	shalt  }
0x72: {  	_ =	shalt  }
0x73: {  	_ =	shalt  }
0x74: {  	_ =	shalt  }
0x75: {  	_ =	shalt  }
0x76: {  	_ =	shalt  }
0x77: {  	_ =	shalt  }
0x78: {  	_ =	shalt  }
0x79: {  	_ =	shalt  }
0x7a: {  	_ =	shalt  }
0x7b: {  	_ =	shalt  }
0x7c: {  	_ =	shalt  }
0x7d: {  	_ =	shalt  }
0x7e: {  	_ =	shalt  }
0x7f: {  	_ =	shalt  }
0x80: {  	_ =	shalt  }
0x81: {  	_ =	shalt  }
0x82: {  	_ =	shalt  }
0x83: {  	_ =	shalt  }
0x84: {  	_ =	shalt  }
0x85: {  	_ =	shalt  }
0x86: {  	_ =	shalt  }
0x87: {  	_ =	shalt  }
.Lfunc_end0:
.L_simem_size_0:
called_computation.1_lowered:
.L_overlay_start_0:
0x88: {  	s2 =	sld [smem:$0x3FD9]  }
0x89: {  	s3 =	sld [smem:$0x3FFE];
	_ =	sdelay $0x1  }
0x8a: {  	s1 =	srdreg.scid  }
0x8b: {  	s0 =	sand.u32 $0x1, s1  }
0x8c: {  	s17 =	sshll.u32 s0, $0xA;
	s2 =	sadd.s32 s3, s2  }
0x8d: {  	s2 =	sadd.s32 s2, s17  }
0x8e: {  	[smem:$0x3FBD] =	sst s2  }
0x8f: {  	_ = 	snop  }
0x90: {  	s18 =	sld [smem:$0x3FC9]  }
0x91: {  	s4 =	sld [smem:$0x3FD0];
	(tm) =	ssettm $0x1  }
0x92: {  	s19 =	sld [smem:$0x3FFB];
	_ =	sdelay $0x3  }
0x93: {  	_ =	strace s19  }
0x94: {  	s2 =	sld [smem:$0x3FFC];
	_ =	sdelay $0x3  }
0x95: {  	_ =	strace s2  }
0x96: {  	s2 =	sld [smem:$0x3FFD];
	_ =	sdelay $0x3  }
0x97: {  	_ =	strace s2  }
0x98: {  	_ =	strace $0x8FFFFFFF  }
0x99: {  	s20 =	sld [smem:$0x3FDB];
	_ =	sdelay $0x1  }
0x9a: {  	s5 =	simm.s32 $_scs_section_size  }
0x9b: {  	s6 =	simm.s32 $_size__tile_overlayer_lowered;
	s7 =	simm.s32 $_tile_overlayer_lowered  }
0x9c: {  	s8 =	simm.s32 $0x1BFF;
	s21 =	sshll.u32 s7, $0x1;
	s5 =	sadd.s32 s5, s20  }
0x9d: {  	s22 =	simm.s32 $0x0;
	s6 =	sshll.u32 s6, $0x1;
	s7 =	sadd.s32 s21, s5  }
0x9e: {  	[timem:s22], [sflag:s8] =	dma.local [hbm:s7], s6  }
0x9f: {  	_ =	swait.ge [sflag:s8], s6  }
0xa0: {  	s6 =	ssub.s32 $0x0, s6;
	[sflag:s8] =	ssyncset.done $0x0  }
0xa1: {  	[sflag:s8] =	ssyncadd.s32 s6;
	_ =	sdelay $0x1  }
0xa2: {  	s23 =	simm.s32 $0x1B8B  }
0xa3: {  	_ =	swait.ge [sflag:s23], $0x1  }
0xa4: {  	[sflag:s23] =	ssyncset.done $0x0  }
0xa5: {  	[sflag:s23] =	ssyncadd.s32 $0xFFFFFFFF  }
0xa6: {  	s6 =	sld [smem:$0x0]  }
0xa7: {  	s7 =	sand.u32 $0xFFFFFFFE, s1  }
0xa8: {  	p0 =	sne.s32 s1, s7  }
0xa9: {  	s7 =	sshll.u32 @p0 s7, $0xE  }
0xaa: {  	s7 =	sadd.s32 @p0 $0x11B8D, s7;
	s8 =	sshll.u32 @p0 s6, $0x11  }
0xab: {  	s7 =	sor.u32 @p0 s8, s7  }
0xac: {  	[sflag:s7] =	ssyncadd.remote.s32 @p0 $0x1;
	_ =	sdelay $0x1  }
0xad: {  	s7 =	simm.s32 @p0 $0x1B8D  }
0xae: {  	_ =	swait.eq @p0 [sflag:s7], $0x1  }
0xaf: {  	[sflag:s7] =	ssyncadd.s32 @p0 $0xFFFFFFFF  }
0xb0: {  	s8 =	sshll.u32 @!p0 s1, $0xE  }
0xb1: {  	s8 =	sor.u32 @!p0 $0x4000, s8;
	s7 =	simm.s32 @!p0 $0x1B8D  }
0xb2: {  	s6 =	sshll.u32 @!p0 s6, $0x11;
	s8 =	sadd.s32 @!p0 $0x11B8D, s8;
	_ =	swait.eq @!p0 [sflag:s7], $0x1  }
0xb3: {  	s6 =	sor.u32 @!p0 s6, s8;
	[sflag:s7] =	ssyncadd.s32 @!p0 $0xFFFFFFFF  }
0xb4: {  	s25 =	simm.s32 $0x1B8E;
	s24 =	sld [smem:$0x3FFE];
	[sflag:s6] =	ssyncadd.remote.s32 @!p0 $0x1  }
0xb5: {  	s26 =	simm.s32 $execute0_lowered;
	[smem:$0x3FD2] =	sst s25  }
0xb6: {  	s7 =	sshll.u32 s26, $0x1;
	_ =	strace $0x80000049;
	[dreg:$0x1] =	wrdreg $0xFFFFFFFF  }
0xb7: {  	s28 =	simm.s32 $_size_execute0_lowered;
	s5 =	sadd.s32 s5, s7;
	[dreg:$0x0] =	wrdreg $0x0  }
0xb8: {  	s7 =	sshll.u32 s28, $0x1;
	[dreg:$0x2] =	wrdreg s5  }
0xb9: {  	[dreg:$0x3] =	wrdreg s7  }
0xba: {  	[dreg:$0x4] =	wrdreg $0xC0  }
0xbb: {  	_ =	task [dreg:s22], $0x5FFFF  }
0xbc: {  	[dreg:$0x1] =	wrdreg $0xFFFFFFFF  }
0xbd: {  	[dreg:$0x0] =	wrdreg $0x60  }
0xbe: {  	[dreg:$0x2] =	wrdreg s18  }
0xbf: {  	[dreg:$0x3] =	wrdreg s4  }
0xc0: {  	[dreg:$0x4] =	wrdreg s24  }
0xc1: {  	[dreg:$0x5] =	wrdreg $0x9F000  }
0xc2: {  	[dreg:$0x6] =	wrdreg $0xA  }
0xc3: {  	_ =	task.clear_ibuf [dreg:s22], $0x7FFFF;
	_ =	strace $0x90000049  }
0xc4: {  	s29 =	simm.s32 $0xA;
	_ =	strace $0x8000004B  }
0xc5: {  	_ =	swait.ge [sflag:s29], $0x1  }
0xc6: {  	[sflag:s29] =	ssyncadd.s32 $0xFFFFFFFF  }
0xc7: {  	_ =	strace $0x9000004B  }
0xc8: {  	_ =	sfence  }
0xc9: {  	s30 =	sld [smem:$0x0];
	_ =	sdelay $0x2  }
0xca: {  	s31 =	sshll.u32 s1, $0xD;
	s1 =	sshrl.u32 s1, $0x2  }
0xcb: {  	s4 =	sand.u32 $0x4000, s31;
	s1 =	sadd.s32 s1, s30  }
0xcc: {  	s0 =	sor.u32 s4, s0;
	s1 =	sshll.u32 s1, $0x11  }
0xcd: {  	s0 =	sor.u32 s1, s0  }
0xce: {  	s0 =	sadd.s32 $0x8F2B, s0  }
0xcf: {  	[sflag:s0] =	ssyncadd.remote.s32 $0x1  }
0xd0: {  	_ =	sfence.sel $0xFFFF  }
0xd1: {  	[dreg:$0x0] =	wrdreg $0xFFFFFFFF;
	(pc) =	sbr.abs _section_cstart, $3  }
0xd2: {  	[dreg:$0x1] =	wrdreg $0xFFFFFFFF  }
0xd3: {  	_ =	task.clear_ibuf [dreg:s22], $0x2FFFF;
	_ =	strace $0x9FFFFFFF  }
0xd4: {  	(tm) =	ssettm $0x7FFFFFFF  }
0xd5: {  	_ =	shalt  }
tec
execute0_lowered:
.L_overlay_start_1:
0x0: {  	(tag) =	ssettag $0x1  }
0x1: {  	s1 =	rddreg [dreg:$0x0]  }
0x2: {  	s0 =	rddreg [dreg:$0x1]  }
0x3: {  	s3 =	rddreg [dreg:$0x2]  }
0x4: {  	s2 =	rddreg [dreg:$0x3]  }
0x5: {  	s4 =	srdreg.scid;
	s16 =	stileid.u32  }
0x6: {  	s13 =	simm.s32 $0x400;
	s14 =	simm.s32 $0x5;
	s19 =	simm.s32 $0x28  }
0x7: {  	s20 =	simm.s32 $0x4F00;
	s21 =	simm.s32 $0x6300;
	s22 =	simm.s32 $0x50  }
0x8: {  	s28 =	simm.s32 $0x2;
	s29 =	simm.s32 $0x3;
	s30 =	simm.s32 $0x4  }
0x9: {  	s31 =	simm.s32 $0x0;
	s6 =	sand.u32 $0x1, s4;
	s5 =	smul.u32 $0x2780, s16  }
0xa: {  	s4 =	simm.s32 $0x0;
	s10 =	sshll.u32 s16, $0x7;
	s25 =	smul.u32 $0x4F000, s16  }
0xb: {  	s15 =	sadd.s32 $0x128400, s2;
	p0 =	seq.s32 s16, $0xF;
	s7 =	sshll.u32 s6, $0x4  }
0xc: {  	[smem:$0x7FF] =	sst s4;
	s8 =	smul.u32 $0x28000, s6;
	s6 =	ssub.s32 $0x2, s6  }
0xd: {  	s23 =	sand.u32 $0x380, s10;
	s7 =	sor.u32 s16, s7;
	_ =	strace $0x8000004A  }
0xe: {  	s9 =	sadd.s32 s5, s3;
	s24 =	sshrl.u32 s6, $0x1;
	s7 =	sshrl.u32 s7, $0x3  }
0xf: {  	s11 =	sadd.s32 s8, s3;
	s12 =	ssub.s32 s6, s24;
	s7 =	smul.u32 $0x13C00, s7  }
0x10: {  	s8 =	sshrl.u32 s25, $0x2;
	s25 =	simm.s32 $0x8B00;
	s24 =	simm.s32 $0x4E40  }
0x11: {  	s10 =	sadd.s32 $0x2C400, s11;
	s11 =	smax.u32 s12, $0x1;
	s7 =	sor.u32 s23, s7  }
0x12: {  	s12 =	simm.s32 $0x80;
	s26 =	sshrl.u32 s7, $0x3;
	s7 =	sadd.s32 $0x4F000, s7  }
0x13: {  	s23 =	simm.s32 $0x7700;
	s6 =	sadd.s32 s0, s26;
	s7 =	sshrl.u32 s7, $0x3  }
0x14: {  	s26 =	simm.s32 $0x1;
	s7 =	sadd.s32 s0, s7;
	s0 =	sadd.s32 s8, s2  }
0x15: {  	s8 =	sadd.s32 $0x3A00, s9;
	s9 =	sadd.s32 $0x28A80, s3;
	s3 =	sshll.u32 @!p0 s16, $0x6  }
0x16: {  	s16 =	sshrl.u32 @p0 s15, $0x3;
	s17 =	sor.u32 @!p0 $0x1C05, s3;
	s18 =	sshrl.u32 @!p0 s0, $0x3  }
.LBB2_1:
0x17: {  	[tilespmem:s4], [sflag:$0x5] =	stream.strided.gather [hbm4b:s6+s12], $0x2780, s13, s12, $0x38;
	[tilespmem:$0x1DF00] =	vst v63  }
0x18: {  	_ =	swait.ge [sflag:s14], $0x2780  }
0x19: {  	[sflag:s14] =	ssyncset.done $0x0  }
0x1a: {  	s0 =	simm.s32 $0x2780;
	[sflag:s14] =	ssyncadd.s32 $0xFFFFD880  }
0x1b: {  	[tilespmem:s0], [sflag:$0x5] =	stream.strided.gather [hbm4b:s7+s12], $0x2780, s13, s12, $0x38;
	[tilespmem:$0x1DF00] =	vst v63  }
0x1c: {  	_ =	swait.ge [sflag:s14], $0x2780  }
0x1d: {  	[sflag:s14] =	ssyncset.done $0x0  }
0x1e: {  	s0 =	simm.s32 @p0 $0x1FC5;
	[sflag:s14] =	ssyncadd.s32 $0xFFFFD880  }
0x1f: {  	[spmem:s16], [sflag:s0] =	dma.local @p0 [hbm:s9], $0x2080  }
0x20: {  	s0 =	simm.s32 @p0 $0x5  }
0x21: {  	_ =	swait.ge @p0 [sflag:s0], $0x2080  }
0x22: {  	[sflag:s0] =	ssyncset.done @p0 $0x0  }
0x23: {  	[sflag:s0] =	ssyncadd.s32 @p0 $0xFFFFDF80;
	s0 =	simm.s32 @!p0 $0x5  }
0x24: {  	[spmem:s18], [sflag:s17] =	dma.local @!p0 [hbm:s8], $0x2780  }
0x25: {  	_ =	swait.ge @!p0 [sflag:s0], $0x2780  }
0x26: {  	[sflag:s0] =	ssyncset.done @!p0 $0x0  }
0x27: {  	[sflag:s0] =	ssyncadd.s32 @!p0 $0xFFFFD880  }
0x28: {  	[bflag:$0x0] =	sbarrier.arrive $0xFFFF  }
0x29: {  	[tilespmem:s20], [sflag:$0x1] =	stream.indirect.gather [hbm4b:s1+s19], $0x80, s4, s19, $0xb8;
	[tilespmem:$0x1DF00] =	vst v63  }
0x2a: {  	_ = 	snop  }
0x2b: {  	[tilespmem:s21], [sflag:$0x1] =	stream.indirect.gather [hbm4b:s1+s19], $0x80, s19, s19, $0xb8;
	[tilespmem:$0x1DF00] =	vst v63  }
0x2c: {  	_ = 	snop  }
0x2d: {  	[tilespmem:s23], [sflag:$0x2] =	stream.indirect.gather [hbm4b:s1+s19], $0x80, s22, s19, $0xb8;
	[tilespmem:$0x1DF00] =	vst v63  }
0x2e: {  	s3 =	simm.s32 $0x78  }
0x2f: {  	[tilespmem:s25], [sflag:$0x2] =	stream.indirect.gather [hbm4b:s1+s19], $0x80, s3, s19, $0xb8;
	[tilespmem:$0x1DF00] =	vst v63  }
0x30: {  	_ =	swait.ge [sflag:s26], $0x1400  }
0x31: {  	[sflag:s26] =	ssyncset.done $0x0  }
0x32: {  	[sflag:s26] =	ssyncadd.s32 $0xFFFFEC00  }
0x33: {  	_ =	swait.ge [sflag:s26], $0x1400  }
0x34: {  	[sflag:s26] =	ssyncset.done $0x0  }
0x35: {  	s15 =	simm.s32 $0x2780;
	[sflag:s26] =	ssyncadd.s32 $0xFFFFEC00  }
0x36: {  	[spmem:s2] =	stream.indirect.scatter.add.f32 [tilespmem:s20], [sflag:$0x3], $0x80, s15, s22, $0xb8;
	[tilespmem:$0x1DF00] =	vst v63  }
0x37: {  	_ =	swait.ge [sflag:s28], $0x1400  }
0x38: {  	[sflag:s28] =	ssyncset.done $0x0  }
0x39: {  	[sflag:s28] =	ssyncadd.s32 $0xFFFFEC00  }
0x3a: {  	_ =	swait.ge [sflag:s28], $0x1400  }
0x3b: {  	[sflag:s28] =	ssyncset.done $0x0  }
0x3c: {  	s3 =	simm.s32 $0x27D0;
	[sflag:s28] =	ssyncadd.s32 $0xFFFFEC00  }
0x3d: {  	[spmem:s2] =	stream.indirect.scatter.add.f32 [tilespmem:s23], [sflag:$0x4], $0x80, s3, s22, $0xb8;
	[tilespmem:$0x1DF00] =	vst v63  }
0x3e: {  	_ =	swait.ge [sflag:s29], $0x2800  }
0x3f: {  	[sflag:s29] =	ssyncset.done $0x0  }
0x40: {  	s15 =	simm.s32 $0xA0;
	[sflag:s29] =	ssyncadd.s32 $0xFFFFD800  }
0x41: {  	[tilespmem:s20], [sflag:$0x1] =	stream.indirect.gather [hbm4b:s1+s19], $0x80, s15, s19, $0xb8;
	[tilespmem:$0x1DF00] =	vst v63  }
0x42: {  	s3 =	simm.s32 $0xC8  }
0x43: {  	[tilespmem:s21], [sflag:$0x1] =	stream.indirect.gather [hbm4b:s1+s19], $0x80, s3, s19, $0xb8;
	[tilespmem:$0x1DF00] =	vst v63  }
0x44: {  	_ =	swait.ge [sflag:s30], $0x2800  }
0x45: {  	s0 =	simm.s32 $0x280;
	[sflag:s30] =	ssyncset.done $0x0  }
0x46: {  	s15 =	simm.s32 $0xF0;
	s3 =	simm.s32 $0x118;
	[sflag:s30] =	ssyncadd.s32 $0xFFFFD800  }
0x47: {  	[tilespmem:s23], [sflag:$0x2] =	stream.indirect.gather [hbm4b:s1+s19], $0x80, s15, s19, $0xb8;
	[tilespmem:$0x1DF00] =	vst v63  }
.LBB2_2:
0x48: {  	[tilespmem:s25], [sflag:$0x2] =	stream.indirect.gather [hbm4b:s1+s19], $0x80, s3, s19, $0xb8;
	[tilespmem:$0x1DF00] =	vst v63  }
0x49: {  	s3 =	smov.u32 s0  }
0x4a: {  	p1 =	sne.s32 s0, $0x9600;
	s0 =	sadd.s32 $0x280, s0;
	_ =	swait.ge [sflag:s26], $0x1400  }
0x4b: {  	[sflag:s26] =	ssyncset.done $0x0  }
0x4c: {  	[sflag:s26] =	ssyncadd.s32 $0xFFFFEC00  }
0x4d: {  	_ =	swait.ge [sflag:s26], $0x1400  }
0x4e: {  	s3 =	sshra.s32 s3, $0x2;
	[sflag:s26] =	ssyncset.done $0x0  }
0x4f: {  	s15 =	sadd.s32 $0x2780, s3;
	[sflag:s26] =	ssyncadd.s32 $0xFFFFEC00  }
0x50: {  	[spmem:s2] =	stream.indirect.scatter.add.f32 [tilespmem:s20], [sflag:$0x3], $0x80, s15, s22, $0xb8;
	[tilespmem:$0x1DF00] =	vst v63  }
0x51: {  	_ =	swait.ge [sflag:s28], $0x1400  }
0x52: {  	[sflag:s28] =	ssyncset.done $0x0  }
0x53: {  	[sflag:s28] =	ssyncadd.s32 $0xFFFFEC00  }
0x54: {  	_ =	swait.ge [sflag:s28], $0x1400  }
0x55: {  	[sflag:s28] =	ssyncset.done $0x0  }
0x56: {  	s15 =	sadd.s32 $0x27D0, s3;
	[sflag:s28] =	ssyncadd.s32 $0xFFFFEC00  }
0x57: {  	[spmem:s2] =	stream.indirect.scatter.add.f32 [tilespmem:s23], [sflag:$0x4], $0x80, s15, s22, $0xb8;
	[tilespmem:$0x1DF00] =	vst v63  }
0x58: {  	_ =	swait.ge [sflag:s29], $0x2800  }
0x59: {  	[sflag:s29] =	ssyncset.done $0x0  }
0x5a: {  	s15 =	sadd.s32 $0xA0, s3;
	[sflag:s29] =	ssyncadd.s32 $0xFFFFD800  }
0x5b: {  	[tilespmem:s20], [sflag:$0x1] =	stream.indirect.gather [hbm4b:s1+s19], $0x80, s15, s19, $0xb8;
	[tilespmem:$0x1DF00] =	vst v63  }
0x5c: {  	s15 =	sadd.s32 $0xC8, s3  }
0x5d: {  	[tilespmem:s21], [sflag:$0x1] =	stream.indirect.gather [hbm4b:s1+s19], $0x80, s15, s19, $0xb8;
	[tilespmem:$0x1DF00] =	vst v63  }
.Ltmp0:
0x5e: {  	_ =	swait.ge [sflag:s30], $0x2800;
	(pc) =	sbr.rel @p1 .LBB2_2-.Ltmp0, $4  }
0x5f: {  	[sflag:s30] =	ssyncset.done $0x0  }
0x60: {  	s15 =	sadd.s32 $0xF0, s3;
	[sflag:s30] =	ssyncadd.s32 $0xFFFFD800  }
0x61: {  	[tilespmem:s23], [sflag:$0x2] =	stream.indirect.gather [hbm4b:s1+s19], $0x80, s15, s19, $0xb8;
	[tilespmem:$0x1DF00] =	vst v63  }
0x62: {  	s3 =	sadd.s32 $0x118, s3  }
0x63: {  	[tilespmem:s25], [sflag:$0x2] =	stream.indirect.gather [hbm4b:s1+s19], $0x80, s3, s19, $0xb8;
	[tilespmem:$0x1DF00] =	vst v63  }
0x64: {  	_ =	swait.ge [sflag:s26], $0x1400  }
0x65: {  	[sflag:s26] =	ssyncset.done $0x0  }
0x66: {  	[sflag:s26] =	ssyncadd.s32 $0xFFFFEC00  }
0x67: {  	_ =	swait.ge [sflag:s26], $0x1400  }
0x68: {  	[sflag:s26] =	ssyncset.done $0x0  }
0x69: {  	s0 =	simm.s32 $0x4DA0;
	[sflag:s26] =	ssyncadd.s32 $0xFFFFEC00  }
0x6a: {  	[spmem:s2] =	stream.indirect.scatter.add.f32 [tilespmem:s20], [sflag:$0x3], $0x80, s0, s22, $0xb8;
	[tilespmem:$0x1DF00] =	vst v63  }
0x6b: {  	_ =	swait.ge [sflag:s28], $0x1400  }
0x6c: {  	[sflag:s28] =	ssyncset.done $0x0  }
0x6d: {  	[sflag:s28] =	ssyncadd.s32 $0xFFFFEC00  }
0x6e: {  	_ =	swait.ge [sflag:s28], $0x1400  }
0x6f: {  	[sflag:s28] =	ssyncset.done $0x0  }
0x70: {  	s15 =	simm.s32 $0x4DF0;
	[sflag:s28] =	ssyncadd.s32 $0xFFFFEC00  }
0x71: {  	[spmem:s2] =	stream.indirect.scatter.add.f32 [tilespmem:s23], [sflag:$0x4], $0x80, s15, s22, $0xb8;
	[tilespmem:$0x1DF00] =	vst v63  }
0x72: {  	_ =	swait.ge [sflag:s29], $0x2800  }
0x73: {  	[sflag:s29] =	ssyncset.done $0x0  }
0x74: {  	s3 =	simm.s32 $0x26C0;
	[sflag:s29] =	ssyncadd.s32 $0xFFFFD800  }
0x75: {  	[tilespmem:s20], [sflag:$0x1] =	stream.indirect.gather [hbm4b:s1+s19], $0x80, s3, s19, $0xb8;
	[tilespmem:$0x1DF00] =	vst v63  }
0x76: {  	s15 =	simm.s32 $0x26E8  }
0x77: {  	[tilespmem:s21], [sflag:$0x1] =	stream.indirect.gather [hbm4b:s1+s19], $0x80, s15, s19, $0xb8;
	[tilespmem:$0x1DF00] =	vst v63  }
0x78: {  	_ =	swait.ge [sflag:s26], $0x1400  }
0x79: {  	[sflag:s26] =	ssyncset.done $0x0  }
0x7a: {  	[sflag:s26] =	ssyncadd.s32 $0xFFFFEC00  }
0x7b: {  	_ =	swait.ge [sflag:s26], $0x1400  }
0x7c: {  	[sflag:s26] =	ssyncset.done $0x0  }
0x7d: {  	[sflag:s26] =	ssyncadd.s32 $0xFFFFEC00  }
0x7e: {  	[spmem:s2] =	stream.indirect.scatter.add.f32 [tilespmem:s20], [sflag:$0x3], $0x80, s24, s22, $0xb8;
	[tilespmem:$0x1DF00] =	vst v63  }
0x7f: {  	_ =	swait.ge [sflag:s29], $0x2800  }
0x80: {  	[sflag:s29] =	ssyncset.done $0x0  }
0x81: {  	[sflag:s29] =	ssyncadd.s32 $0xFFFFD800  }
0x82: {  	_ =	swait.ge [sflag:s30], $0x2800  }
0x83: {  	[sflag:s30] =	ssyncset.done $0x0  }
0x84: {  	[sflag:s30] =	ssyncadd.s32 $0xFFFFD800  }
0x85: {  	s0 =	sadd.s32 @p0 $0x25080, s10;
	s3 =	simm.s32 @p0 $0x1FC5;
	[bflag:$0x0] =	sbarrier.arrive $0xFFFF  }
0x86: {  	[hbm:s0], [sflag:s3] =	dma.local @p0 [spmem:s16], $0x2080  }
0x87: {  	s0 =	simm.s32 @p0 $0x5  }
0x88: {  	_ =	swait.ge @p0 [sflag:s0], $0x2080  }
0x89: {  	s31 =	sadd.s32 $0x1, s31;
	[sflag:s0] =	ssyncset.done @p0 $0x0  }
0x8a: {  	p1 =	sne.s32 s31, s11;
	[sflag:s0] =	ssyncadd.s32 @p0 $0xFFFFDF80;
	s0 =	sadd.s32 @!p0 s5, s10  }
0x8b: {  	[hbm:s0], [sflag:s17] =	dma.local @!p0 [spmem:s18], $0x2780  }
.Ltmp1:
0x8c: {  	_ = 	snop;
	(pc) =	sbr.rel @p1 .LBB2_1-.Ltmp1, $4  }
0x8d: {  	s0 =	simm.s32 @!p0 $0x5  }
0x8e: {  	_ =	swait.ge @!p0 [sflag:s0], $0x2780  }
0x8f: {  	[sflag:s0] =	ssyncset.done @!p0 $0x0  }
0x90: {  	[sflag:s0] =	ssyncadd.s32 @!p0 $0xFFFFD880  }
0x91: {  	_ =	sfence.sel $0x180000  }
0x92: {  	[bflag:$0x0] =	sbarrier.arrive $0xFFFF  }
0x93: {  	_ =	strace $0x9000004A  }
0x94: {  	s0 =	stileid.u32;
	[bflag:$0x2] =	sbarrier.arrive $0xFFFF  }
0x95: {  	p0 =	sne.s32 s0, $0x0;
	s0 =	rddreg [dreg:$0x4]  }
0x96: {  	s0 =	sadd.s32 @!p0 $0x100000, s0  }
0x97: {  	[sflag:s0] =	ssyncadd.tile.s32 @!p0 $0x1;
	_ =	shalt  }
.Lfunc_end2:
_tile_overlayer_lowered:
.L_overlay_start_2:
0x98: {  	(tag) =	ssettag $0x2  }
0x99: {  	s0 =	rddreg [dreg:$0x0];
	s2 =	stileid.u32  }
0x9a: {  	s1 =	rddreg [dreg:$0x1];
	p0 =	sne.s32 s2, $0x0  }
0x9b: {  	s3 =	rddreg [dreg:$0x2];
	[bflag:$0x3] =	sbarrier.arrive $0xFFFF;
	s2 =	simm.s32 @!p0 $0x1C05  }
0x9c: {  	[timem:s3], [sflag:s2] =	dma.local @!p0 [hbm:s0], s1  }
0x9d: {  	s0 =	simm.s32 @!p0 $0x5  }
0x9e: {  	_ =	swait.ge @!p0 [sflag:s0], s1  }
0x9f: {  	s1 =	ssub.s32 @!p0 $0x0, s1;
	[sflag:s0] =	ssyncset.done @!p0 $0x0  }
0xa0: {  	[sflag:s0] =	ssyncadd.s32 @!p0 s1  }
0xa1: {  	[bflag:$0x3] =	sbarrier.arrive $0xFFFF  }
0xa2: {  	_ =	shalt  }

// kernel: kernel.15.cloned.1.call-start
scs
__scs_entry_jumppad:
0x0: {  	(pc) =	sbr.rel $0x88, $3  }
0x1: {  	(tag) =	ssettag $0x0;
	lr =	simm.s32 $0x1  }
0x2: {  	[smem:$0x3F96] =	sst lr;
	_ =	strace $0xD0000000  }
0x3: {  	_ = 	snop  }
0x4: {  	_ = 	snop  }
0x5: {  	_ = 	snop  }
0x6: {  	_ = 	snop  }
0x7: {  	_ = 	snop  }
__scs_overlays_trampoline_lowered:
0x8: {  	[smem:$0x3FA5] =	sst s0  }
0x9: {  	[smem:$0x3FA6] =	sst s1  }
0xa: {  	[smem:$0x3FA7] =	sst s2  }
0xb: {  	[smem:$0x3FA8] =	sst s3  }
0xc: {  	[smem:$0x3FA9] =	sst s4  }
0xd: {  	[smem:$0x3FAA] =	sst s5  }
0xe: {  	[smem:$0x3FAB] =	sst s6  }
0xf: {  	[smem:$0x3FAC] =	sst s7  }
0x10: {  	[smem:$0x3FAD] =	sst s8  }
0x11: {  	[smem:$0x3FAE] =	sst s9;
	s0 =	simm.s32 @!p0 $0x0  }
0x12: {  	s1 =	sld [smem:$0x3F94];
	s0 =	simm.s32 @p0 $0x1  }
0x13: {  	[smem:$0x3FAF] =	sst s0;
	s0 =	simm.s32 @!p1 $0x0  }
0x14: {  	s2 =	sld [smem:$0x3F93];
	s0 =	simm.s32 @p1 $0x1  }
0x15: {  	[smem:$0x3FB0] =	sst s0;
	s0 =	simm.s32 @!p2 $0x0  }
0x16: {  	s3 =	sld [smem:$0x3FDB];
	s0 =	simm.s32 @p2 $0x1  }
0x17: {  	s4 =	simm.s32 $0x1BF5;
	[smem:$0x3FB2] =	sst s0  }
0x18: {  	s0 =	sld [smem:$0x3F95];
	_ =	swait.ge [sflag:s4], $0x0  }
0x19: {  	s7 =	sld [smem:$0x3F96]  }
0x1a: {  	s8 =	sadd.s32 $0xFFFFE003, lr  }
0x1b: {  	s9 =	sadd.s32 $0xFFFFFEF7, lr;
	s5 =	simm.s32 $0xFFFFFFFF;
	p2 =	slt.u32 s8, $0xFFFFF086  }
0x1c: {  	p1 =	slt.u32 s9, $0xF7A;
	s5 =	simm.s32 @!p2 $0x0  }
0x1d: {  	s5 =	simm.s32 @p1 $0x1;
	p0 =	seq.s32 s7, s2  }
0x1e: {  	s7 =	smul.u32 @!p0 $0xF7A, s2;
	p2 =	seq.s32 @!p0 s5, $0x0  }
0x1f: {  	s9 =	smul.u32 $0xF7A, s1;
	s8 =	simm.s32 @!p0 $0x1BF5;
	p2 =	por !p2, p0  }
0x20: {  	[sflag:s8] =	ssyncset.s32 @!p0 $0xFFFFF086;
	s6 =	sadd.s32 @!p0 s3, s7;
	s7 =	simm.s32 @!p0 $0x108  }
0x21: {  	s3 =	sadd.s32 s3, s9;
	s6 =	sadd.s32 @!p0 $0x88, s6;
	s7 =	simm.s32 @p2 $0x1082  }
0x22: {  	[simem:s7], [sflag:s8] =	dma.local @!p0 [hbm:s6], $0xF7A  }
0x23: {  	s9 =	sor.u32 $0xD0000000, s2;
	s6 =	simm.s32 $0x108;
	_ =	swait.ge @!p0 [sflag:s8], $0x0  }
0x24: {  	s3 =	sadd.s32 $0x88, s3;
	s6 =	simm.s32 @!p1 $0x1082;
	[sflag:s4] =	ssyncset.s32 $0xFFFFF086  }
0x25: {  	[simem:s6], [sflag:s4] =	dma.local [hbm:s3], $0xF7A  }
0x26: {  	[smem:$0x3F96] =	sst s1;
	(tag) =	ssettag s2;
	_ =	strace s9  }
0x27: {  	s1 =	sld [smem:$0x3FA6]  }
0x28: {  	s2 =	sld [smem:$0x3FA7]  }
0x29: {  	s4 =	sld [smem:$0x3FA9]  }
0x2a: {  	p0 =	seq.s32 s5, $0x0;
	s5 =	sld [smem:$0x3FAA]  }
0x2b: {  	s6 =	sld [smem:$0x3FAB]  }
0x2c: {  	s7 =	sld [smem:$0x3FAC]  }
0x2d: {  	s3 =	simm.s32 $0x108;
	s8 =	sld [smem:$0x3FAD]  }
0x2e: {  	s3 =	simm.s32 @!p0 $0x1082;
	s9 =	sld [smem:$0x3FAE]  }
0x2f: {  	lr =	sadd.s32 s0, s3;
	s0 =	sld [smem:$0x3FA5]  }
0x30: {  	s3 =	sld [smem:$0x3FA8]  }
0x31: {  	[smem:$0x3FB1] =	sst s10  }
0x32: {  	s10 =	sld [smem:$0x3FAF];
	_ =	sdelay $0x3  }
0x33: {  	p0 =	seq.s32 s10, $0x1;
	s10 =	sld [smem:$0x3FB1];
	_ =	sdelay $0x3  }
0x34: {  	[smem:$0x3FB1] =	sst s10  }
0x35: {  	s10 =	sld [smem:$0x3FB0];
	_ =	sdelay $0x3  }
0x36: {  	p1 =	seq.s32 s10, $0x1;
	s10 =	sld [smem:$0x3FB1];
	_ =	sdelay $0x3  }
0x37: {  	[smem:$0x3FB1] =	sst s10  }
0x38: {  	s10 =	sld [smem:$0x3FB2]  }
0x39: {  	_ = 	snop;
	(pc) =	sbr.ind lr, $3  }
0x3a: {  	_ = 	snop  }
0x3b: {  	_ = 	snop  }
0x3c: {  	p2 =	seq.s32 s10, $0x1;
	s10 =	sld [smem:$0x3FB1]  }
0x3d: {  	_ =	shalt  }
0x3e: {  	_ =	shalt  }
0x3f: {  	_ =	shalt  }
0x40: {  	_ =	shalt  }
0x41: {  	_ =	shalt  }
0x42: {  	_ =	shalt  }
0x43: {  	_ =	shalt  }
0x44: {  	_ =	shalt  }
0x45: {  	_ =	shalt  }
0x46: {  	_ =	shalt  }
0x47: {  	_ =	shalt  }
0x48: {  	_ =	shalt  }
0x49: {  	_ =	shalt  }
0x4a: {  	_ =	shalt  }
0x4b: {  	_ =	shalt  }
0x4c: {  	_ =	shalt  }
0x4d: {  	_ =	shalt  }
0x4e: {  	_ =	shalt  }
0x4f: {  	_ =	shalt  }
0x50: {  	_ =	shalt  }
0x51: {  	_ =	shalt  }
0x52: {  	_ =	shalt  }
0x53: {  	_ =	shalt  }
0x54: {  	_ =	shalt  }
0x55: {  	_ =	shalt  }
0x56: {  	_ =	shalt  }
0x57: {  	_ =	shalt  }
0x58: {  	_ =	shalt  }
0x59: {  	_ =	shalt  }
0x5a: {  	_ =	shalt  }
0x5b: {  	_ =	shalt  }
0x5c: {  	_ =	shalt  }
0x5d: {  	_ =	shalt  }
0x5e: {  	_ =	shalt  }
0x5f: {  	_ =	shalt  }
0x60: {  	_ =	shalt  }
0x61: {  	_ =	shalt  }
0x62: {  	_ =	shalt  }
0x63: {  	_ =	shalt  }
0x64: {  	_ =	shalt  }
0x65: {  	_ =	shalt  }
0x66: {  	_ =	shalt  }
0x67: {  	_ =	shalt  }
0x68: {  	_ =	shalt  }
0x69: {  	_ =	shalt  }
0x6a: {  	_ =	shalt  }
0x6b: {  	_ =	shalt  }
0x6c: {  	_ =	shalt  }
0x6d: {  	_ =	shalt  }
0x6e: {  	_ =	shalt  }
0x6f: {  	_ =	shalt  }
0x70: {  	_ =	shalt  }
0x71: {  	_ =	shalt  }
0x72: {  	_ =	shalt  }
0x73: {  	_ =	shalt  }
0x74: {  	_ =	shalt  }
0x75: {  	_ =	shalt  }
0x76: {  	_ =	shalt  }
0x77: {  	_ =	shalt  }
0x78: {  	_ =	shalt  }
0x79: {  	_ =	shalt  }
0x7a: {  	_ =	shalt  }
0x7b: {  	_ =	shalt  }
0x7c: {  	_ =	shalt  }
0x7d: {  	_ =	shalt  }
0x7e: {  	_ =	shalt  }
0x7f: {  	_ =	shalt  }
0x80: {  	_ =	shalt  }
0x81: {  	_ =	shalt  }
0x82: {  	_ =	shalt  }
0x83: {  	_ =	shalt  }
0x84: {  	_ =	shalt  }
0x85: {  	_ =	shalt  }
0x86: {  	_ =	shalt  }
0x87: {  	_ =	shalt  }
.Lfunc_end0:
.L_simem_size_0:
called_computation.2_lowered:
.L_overlay_start_0:
0x88: {  	s2 =	sld [smem:$0x3FD9]  }
0x89: {  	s3 =	sld [smem:$0x3FFE];
	_ =	sdelay $0x1  }
0x8a: {  	s1 =	srdreg.scid  }
0x8b: {  	s0 =	sand.u32 $0x1, s1  }
0x8c: {  	s17 =	sshll.u32 s0, $0xA;
	s2 =	sadd.s32 s3, s2  }
0x8d: {  	s2 =	sadd.s32 s2, s17  }
0x8e: {  	[smem:$0x3FBD] =	sst s2  }
0x8f: {  	_ = 	snop  }
0x90: {  	s2 =	sld [smem:$0x3FD0];
	(tm) =	ssettm $0x1  }
0x91: {  	s18 =	sld [smem:$0x3FFB];
	_ =	sdelay $0x3  }
0x92: {  	_ =	strace s18  }
0x93: {  	s3 =	sld [smem:$0x3FFC];
	_ =	sdelay $0x3  }
0x94: {  	_ =	strace s3  }
0x95: {  	s3 =	sld [smem:$0x3FFD];
	_ =	sdelay $0x3  }
0x96: {  	_ =	strace s3  }
0x97: {  	_ =	strace $0x8FFFFFFF  }
0x98: {  	s19 =	sld [smem:$0x3FDB];
	_ =	sdelay $0x1  }
0x99: {  	s4 =	simm.s32 $_scs_section_size  }
0x9a: {  	s5 =	simm.s32 $_size__tile_overlayer_lowered;
	s6 =	simm.s32 $_tile_overlayer_lowered  }
0x9b: {  	s22 =	simm.s32 $0x1BFF;
	s21 =	sshll.u32 s6, $0x1;
	s3 =	sadd.s32 s4, s19  }
0x9c: {  	s7 =	simm.s32 $0x0;
	s20 =	sshll.u32 s5, $0x1;
	s5 =	sadd.s32 s21, s3  }
0x9d: {  	[timem:s7], [sflag:s22] =	dma.local [hbm:s5], s20  }
0x9e: {  	_ =	swait.ge [sflag:s22], s20  }
0x9f: {  	s4 =	ssub.s32 $0x0, s20;
	[sflag:s22] =	ssyncset.done $0x0  }
0xa0: {  	[sflag:s22] =	ssyncadd.s32 s4;
	_ =	sdelay $0x1  }
0xa1: {  	s23 =	simm.s32 $0x1B8B  }
0xa2: {  	_ =	swait.ge [sflag:s23], $0x1  }
0xa3: {  	[sflag:s23] =	ssyncset.done $0x0  }
0xa4: {  	s25 =	simm.s32 $0x1B8E;
	s24 =	sld [smem:$0x3FFE];
	[sflag:s23] =	ssyncadd.s32 $0xFFFFFFFF  }
0xa5: {  	s26 =	simm.s32 $execute0_lowered;
	[smem:$0x3FD2] =	sst s25  }
0xa6: {  	s5 =	sshll.u32 s26, $0x1;
	_ =	strace $0x8000004C;
	[dreg:$0x1] =	wrdreg $0xFFFFFFFF  }
0xa7: {  	s28 =	simm.s32 $_size_execute0_lowered;
	s3 =	sadd.s32 s3, s5;
	[dreg:$0x0] =	wrdreg $0x0  }
0xa8: {  	s5 =	sshll.u32 s28, $0x1;
	[dreg:$0x2] =	wrdreg s3  }
0xa9: {  	[dreg:$0x3] =	wrdreg s5  }
0xaa: {  	[dreg:$0x4] =	wrdreg $0xC0  }
0xab: {  	_ =	task [dreg:s7], $0x5FFFF  }
0xac: {  	[dreg:$0x1] =	wrdreg $0xFFFFFFFF  }
0xad: {  	[dreg:$0x0] =	wrdreg $0x60  }
0xae: {  	[dreg:$0x2] =	wrdreg s24  }
0xaf: {  	[dreg:$0x3] =	wrdreg s2  }
0xb0: {  	[dreg:$0x4] =	wrdreg $0x9F000  }
0xb1: {  	[dreg:$0x5] =	wrdreg $0x9  }
0xb2: {  	_ =	task.clear_ibuf [dreg:s7], $0x6FFFF;
	_ =	strace $0x9000004C  }
0xb3: {  	s29 =	simm.s32 $0x9;
	_ =	strace $0x8000004E  }
0xb4: {  	_ =	swait.ge [sflag:s29], $0x1  }
0xb5: {  	[sflag:s29] =	ssyncadd.s32 $0xFFFFFFFF  }
0xb6: {  	_ =	strace $0x9000004E  }
0xb7: {  	_ =	sfence  }
0xb8: {  	s30 =	sld [smem:$0x0];
	_ =	sdelay $0x2  }
0xb9: {  	s31 =	sshll.u32 s1, $0xD;
	s1 =	sshrl.u32 s1, $0x2  }
0xba: {  	s3 =	sand.u32 $0x4000, s31;
	s1 =	sadd.s32 s1, s30  }
0xbb: {  	s0 =	sor.u32 s3, s0;
	s1 =	sshll.u32 s1, $0x11  }
0xbc: {  	s0 =	sor.u32 s1, s0  }
0xbd: {  	s0 =	sadd.s32 $0x8F2B, s0  }
0xbe: {  	[sflag:s0] =	ssyncadd.remote.s32 $0x1  }
0xbf: {  	_ =	sfence.sel $0xFFFF  }
0xc0: {  	[dreg:$0x0] =	wrdreg $0xFFFFFFFF;
	(pc) =	sbr.abs _section_cstart, $3  }
0xc1: {  	[dreg:$0x1] =	wrdreg $0xFFFFFFFF  }
0xc2: {  	_ =	task.clear_ibuf [dreg:s7], $0x2FFFF;
	_ =	strace $0x9FFFFFFF  }
0xc3: {  	(tm) =	ssettm $0x7FFFFFFF  }
tec
execute0_lowered:
.L_overlay_start_1:
0x0: {  	(tag) =	ssettag $0x1  }
0x1: {  	s0 =	rddreg [dreg:$0x0]  }
0x2: {  	s2 =	rddreg [dreg:$0x1]  }
0x3: {  	s1 =	rddreg [dreg:$0x2]  }
0x4: {  	s4 =	srdreg.scid;
	s3 =	simm.s32 $0x0;
	s16 =	stileid.u32  }
0x5: {  	s13 =	simm.s32 $0x400;
	s14 =	simm.s32 $0x5;
	s19 =	simm.s32 $0x28  }
0x6: {  	s20 =	simm.s32 $0x4F00;
	s21 =	simm.s32 $0x6300;
	s22 =	simm.s32 $0x50  }
0x7: {  	s28 =	simm.s32 $0x2;
	s29 =	simm.s32 $0x3;
	s30 =	simm.s32 $0x4  }
0x8: {  	s31 =	simm.s32 $0x0;
	s6 =	sand.u32 $0x1, s4;
	s4 =	smul.u32 $0x2780, s16  }
0x9: {  	[smem:$0x7FF] =	sst s3;
	s10 =	sshll.u32 s16, $0x7;
	s25 =	smul.u32 $0x4F000, s16  }
0xa: {  	s15 =	sadd.s32 $0x128400, s1;
	p0 =	seq.s32 s16, $0xF;
	s5 =	sshll.u32 s6, $0x4  }
0xb: {  	_ =	strace $0x8000004D;
	s8 =	smul.u32 $0x28000, s6;
	s6 =	ssub.s32 $0x2, s6  }
0xc: {  	s23 =	sand.u32 $0x380, s10;
	s7 =	sor.u32 s16, s5;
	s5 =	sadd.s32 $0x2BA00, s0  }
0xd: {  	s9 =	sadd.s32 s4, s0;
	s24 =	sshrl.u32 s6, $0x1;
	s7 =	sshrl.u32 s7, $0x3  }
0xe: {  	s11 =	sadd.s32 s8, s0;
	s12 =	ssub.s32 s6, s24;
	s7 =	smul.u32 $0x13C00, s7  }
0xf: {  	s8 =	sshrl.u32 s25, $0x2;
	s25 =	simm.s32 $0x8B00;
	s24 =	simm.s32 $0x4E40  }
0x10: {  	s10 =	sadd.s32 $0x53A00, s11;
	s11 =	smax.u32 s12, $0x1;
	s7 =	sor.u32 s23, s7  }
0x11: {  	s12 =	simm.s32 $0x80;
	s26 =	sshrl.u32 s7, $0x3;
	s7 =	sadd.s32 $0x4F000, s7  }
0x12: {  	s23 =	simm.s32 $0x7700;
	s6 =	sadd.s32 s2, s26;
	s7 =	sshrl.u32 s7, $0x3  }
0x13: {  	s26 =	simm.s32 $0x1;
	s7 =	sadd.s32 s2, s7;
	s2 =	sadd.s32 s8, s1  }
0x14: {  	s8 =	sadd.s32 $0x3A00, s9;
	s9 =	sadd.s32 $0x28A80, s0;
	s0 =	sshll.u32 @!p0 s16, $0x6  }
0x15: {  	s16 =	sshrl.u32 @p0 s15, $0x3;
	s17 =	sor.u32 @!p0 $0x1C05, s0;
	s18 =	sshrl.u32 @!p0 s2, $0x3  }
.LBB2_1:
0x16: {  	[tilespmem:s3], [sflag:$0x5] =	stream.strided.gather [hbm4b:s6+s12], $0x2780, s13, s12, $0x38;
	[tilespmem:$0x1DF00] =	vst v63  }
0x17: {  	_ =	swait.ge [sflag:s14], $0x2780  }
0x18: {  	[sflag:s14] =	ssyncset.done $0x0  }
0x19: {  	s0 =	simm.s32 $0x2780;
	[sflag:s14] =	ssyncadd.s32 $0xFFFFD880  }
0x1a: {  	[tilespmem:s0], [sflag:$0x5] =	stream.strided.gather [hbm4b:s7+s12], $0x2780, s13, s12, $0x38;
	[tilespmem:$0x1DF00] =	vst v63  }
0x1b: {  	_ =	swait.ge [sflag:s14], $0x2780  }
0x1c: {  	[sflag:s14] =	ssyncset.done $0x0  }
0x1d: {  	s0 =	simm.s32 @p0 $0x1FC5;
	[sflag:s14] =	ssyncadd.s32 $0xFFFFD880  }
0x1e: {  	[spmem:s16], [sflag:s0] =	dma.local @p0 [hbm:s9], $0x2080  }
0x1f: {  	s0 =	simm.s32 @p0 $0x5  }
0x20: {  	_ =	swait.ge @p0 [sflag:s0], $0x2080  }
0x21: {  	[sflag:s0] =	ssyncset.done @p0 $0x0  }
0x22: {  	[sflag:s0] =	ssyncadd.s32 @p0 $0xFFFFDF80;
	s0 =	simm.s32 @!p0 $0x5  }
0x23: {  	[spmem:s18], [sflag:s17] =	dma.local @!p0 [hbm:s8], $0x2780  }
0x24: {  	_ =	swait.ge @!p0 [sflag:s0], $0x2780  }
0x25: {  	[sflag:s0] =	ssyncset.done @!p0 $0x0  }
0x26: {  	[sflag:s0] =	ssyncadd.s32 @!p0 $0xFFFFD880  }
0x27: {  	[bflag:$0x0] =	sbarrier.arrive $0xFFFF  }
0x28: {  	[tilespmem:s20], [sflag:$0x1] =	stream.indirect.gather [hbm4b:s5+s19], $0x80, s3, s19, $0xb8;
	[tilespmem:$0x1DF00] =	vst v63  }
0x29: {  	_ = 	snop  }
0x2a: {  	[tilespmem:s21], [sflag:$0x1] =	stream.indirect.gather [hbm4b:s5+s19], $0x80, s19, s19, $0xb8;
	[tilespmem:$0x1DF00] =	vst v63  }
0x2b: {  	_ = 	snop  }
0x2c: {  	[tilespmem:s23], [sflag:$0x2] =	stream.indirect.gather [hbm4b:s5+s19], $0x80, s22, s19, $0xb8;
	[tilespmem:$0x1DF00] =	vst v63  }
0x2d: {  	s2 =	simm.s32 $0x78  }
0x2e: {  	[tilespmem:s25], [sflag:$0x2] =	stream.indirect.gather [hbm4b:s5+s19], $0x80, s2, s19, $0xb8;
	[tilespmem:$0x1DF00] =	vst v63  }
0x2f: {  	_ =	swait.ge [sflag:s26], $0x1400  }
0x30: {  	[sflag:s26] =	ssyncset.done $0x0  }
0x31: {  	[sflag:s26] =	ssyncadd.s32 $0xFFFFEC00  }
0x32: {  	_ =	swait.ge [sflag:s26], $0x1400  }
0x33: {  	[sflag:s26] =	ssyncset.done $0x0  }
0x34: {  	s15 =	simm.s32 $0x2780;
	[sflag:s26] =	ssyncadd.s32 $0xFFFFEC00  }
0x35: {  	[spmem:s1] =	stream.indirect.scatter.add.f32 [tilespmem:s20], [sflag:$0x3], $0x80, s15, s22, $0xb8;
	[tilespmem:$0x1DF00] =	vst v63  }
0x36: {  	_ =	swait.ge [sflag:s28], $0x1400  }
0x37: {  	[sflag:s28] =	ssyncset.done $0x0  }
0x38: {  	[sflag:s28] =	ssyncadd.s32 $0xFFFFEC00  }
0x39: {  	_ =	swait.ge [sflag:s28], $0x1400  }
0x3a: {  	[sflag:s28] =	ssyncset.done $0x0  }
0x3b: {  	s2 =	simm.s32 $0x27D0;
	[sflag:s28] =	ssyncadd.s32 $0xFFFFEC00  }
0x3c: {  	[spmem:s1] =	stream.indirect.scatter.add.f32 [tilespmem:s23], [sflag:$0x4], $0x80, s2, s22, $0xb8;
	[tilespmem:$0x1DF00] =	vst v63  }
0x3d: {  	_ =	swait.ge [sflag:s29], $0x2800  }
0x3e: {  	[sflag:s29] =	ssyncset.done $0x0  }
0x3f: {  	s15 =	simm.s32 $0xA0;
	[sflag:s29] =	ssyncadd.s32 $0xFFFFD800  }
0x40: {  	[tilespmem:s20], [sflag:$0x1] =	stream.indirect.gather [hbm4b:s5+s19], $0x80, s15, s19, $0xb8;
	[tilespmem:$0x1DF00] =	vst v63  }
0x41: {  	s2 =	simm.s32 $0xC8  }
0x42: {  	[tilespmem:s21], [sflag:$0x1] =	stream.indirect.gather [hbm4b:s5+s19], $0x80, s2, s19, $0xb8;
	[tilespmem:$0x1DF00] =	vst v63  }
0x43: {  	_ =	swait.ge [sflag:s30], $0x2800  }
0x44: {  	s0 =	simm.s32 $0x280;
	[sflag:s30] =	ssyncset.done $0x0  }
0x45: {  	s15 =	simm.s32 $0xF0;
	s2 =	simm.s32 $0x118;
	[sflag:s30] =	ssyncadd.s32 $0xFFFFD800  }
0x46: {  	[tilespmem:s23], [sflag:$0x2] =	stream.indirect.gather [hbm4b:s5+s19], $0x80, s15, s19, $0xb8;
	[tilespmem:$0x1DF00] =	vst v63  }
.LBB2_2:
0x47: {  	[tilespmem:s25], [sflag:$0x2] =	stream.indirect.gather [hbm4b:s5+s19], $0x80, s2, s19, $0xb8;
	[tilespmem:$0x1DF00] =	vst v63  }
0x48: {  	s2 =	smov.u32 s0  }
0x49: {  	p1 =	sne.s32 s0, $0x9600;
	s0 =	sadd.s32 $0x280, s0;
	_ =	swait.ge [sflag:s26], $0x1400  }
0x4a: {  	[sflag:s26] =	ssyncset.done $0x0  }
0x4b: {  	[sflag:s26] =	ssyncadd.s32 $0xFFFFEC00  }
0x4c: {  	_ =	swait.ge [sflag:s26], $0x1400  }
0x4d: {  	s2 =	sshra.s32 s2, $0x2;
	[sflag:s26] =	ssyncset.done $0x0  }
0x4e: {  	s15 =	sadd.s32 $0x2780, s2;
	[sflag:s26] =	ssyncadd.s32 $0xFFFFEC00  }
0x4f: {  	[spmem:s1] =	stream.indirect.scatter.add.f32 [tilespmem:s20], [sflag:$0x3], $0x80, s15, s22, $0xb8;
	[tilespmem:$0x1DF00] =	vst v63  }
0x50: {  	_ =	swait.ge [sflag:s28], $0x1400  }
0x51: {  	[sflag:s28] =	ssyncset.done $0x0  }
0x52: {  	[sflag:s28] =	ssyncadd.s32 $0xFFFFEC00  }
0x53: {  	_ =	swait.ge [sflag:s28], $0x1400  }
0x54: {  	[sflag:s28] =	ssyncset.done $0x0  }
0x55: {  	s15 =	sadd.s32 $0x27D0, s2;
	[sflag:s28] =	ssyncadd.s32 $0xFFFFEC00  }
0x56: {  	[spmem:s1] =	stream.indirect.scatter.add.f32 [tilespmem:s23], [sflag:$0x4], $0x80, s15, s22, $0xb8;
	[tilespmem:$0x1DF00] =	vst v63  }
0x57: {  	_ =	swait.ge [sflag:s29], $0x2800  }
0x58: {  	[sflag:s29] =	ssyncset.done $0x0  }
0x59: {  	s15 =	sadd.s32 $0xA0, s2;
	[sflag:s29] =	ssyncadd.s32 $0xFFFFD800  }
0x5a: {  	[tilespmem:s20], [sflag:$0x1] =	stream.indirect.gather [hbm4b:s5+s19], $0x80, s15, s19, $0xb8;
	[tilespmem:$0x1DF00] =	vst v63  }
0x5b: {  	s15 =	sadd.s32 $0xC8, s2  }
0x5c: {  	[tilespmem:s21], [sflag:$0x1] =	stream.indirect.gather [hbm4b:s5+s19], $0x80, s15, s19, $0xb8;
	[tilespmem:$0x1DF00] =	vst v63  }
.Ltmp0:
0x5d: {  	_ =	swait.ge [sflag:s30], $0x2800;
	(pc) =	sbr.rel @p1 .LBB2_2-.Ltmp0, $4  }
0x5e: {  	[sflag:s30] =	ssyncset.done $0x0  }
0x5f: {  	s15 =	sadd.s32 $0xF0, s2;
	[sflag:s30] =	ssyncadd.s32 $0xFFFFD800  }
0x60: {  	[tilespmem:s23], [sflag:$0x2] =	stream.indirect.gather [hbm4b:s5+s19], $0x80, s15, s19, $0xb8;
	[tilespmem:$0x1DF00] =	vst v63  }
0x61: {  	s2 =	sadd.s32 $0x118, s2  }
0x62: {  	[tilespmem:s25], [sflag:$0x2] =	stream.indirect.gather [hbm4b:s5+s19], $0x80, s2, s19, $0xb8;
	[tilespmem:$0x1DF00] =	vst v63  }
0x63: {  	_ =	swait.ge [sflag:s26], $0x1400  }
0x64: {  	[sflag:s26] =	ssyncset.done $0x0  }
0x65: {  	[sflag:s26] =	ssyncadd.s32 $0xFFFFEC00  }
0x66: {  	_ =	swait.ge [sflag:s26], $0x1400  }
0x67: {  	[sflag:s26] =	ssyncset.done $0x0  }
0x68: {  	s0 =	simm.s32 $0x4DA0;
	[sflag:s26] =	ssyncadd.s32 $0xFFFFEC00  }
0x69: {  	[spmem:s1] =	stream.indirect.scatter.add.f32 [tilespmem:s20], [sflag:$0x3], $0x80, s0, s22, $0xb8;
	[tilespmem:$0x1DF00] =	vst v63  }
0x6a: {  	_ =	swait.ge [sflag:s28], $0x1400  }
0x6b: {  	[sflag:s28] =	ssyncset.done $0x0  }
0x6c: {  	[sflag:s28] =	ssyncadd.s32 $0xFFFFEC00  }
0x6d: {  	_ =	swait.ge [sflag:s28], $0x1400  }
0x6e: {  	[sflag:s28] =	ssyncset.done $0x0  }
0x6f: {  	s15 =	simm.s32 $0x4DF0;
	[sflag:s28] =	ssyncadd.s32 $0xFFFFEC00  }
0x70: {  	[spmem:s1] =	stream.indirect.scatter.add.f32 [tilespmem:s23], [sflag:$0x4], $0x80, s15, s22, $0xb8;
	[tilespmem:$0x1DF00] =	vst v63  }
0x71: {  	_ =	swait.ge [sflag:s29], $0x2800  }
0x72: {  	[sflag:s29] =	ssyncset.done $0x0  }
0x73: {  	s2 =	simm.s32 $0x26C0;
	[sflag:s29] =	ssyncadd.s32 $0xFFFFD800  }
0x74: {  	[tilespmem:s20], [sflag:$0x1] =	stream.indirect.gather [hbm4b:s5+s19], $0x80, s2, s19, $0xb8;
	[tilespmem:$0x1DF00] =	vst v63  }
0x75: {  	s15 =	simm.s32 $0x26E8  }
0x76: {  	[tilespmem:s21], [sflag:$0x1] =	stream.indirect.gather [hbm4b:s5+s19], $0x80, s15, s19, $0xb8;
	[tilespmem:$0x1DF00] =	vst v63  }
0x77: {  	_ =	swait.ge [sflag:s26], $0x1400  }
0x78: {  	[sflag:s26] =	ssyncset.done $0x0  }
0x79: {  	[sflag:s26] =	ssyncadd.s32 $0xFFFFEC00  }
0x7a: {  	_ =	swait.ge [sflag:s26], $0x1400  }
0x7b: {  	[sflag:s26] =	ssyncset.done $0x0  }
0x7c: {  	[sflag:s26] =	ssyncadd.s32 $0xFFFFEC00  }
0x7d: {  	[spmem:s1] =	stream.indirect.scatter.add.f32 [tilespmem:s20], [sflag:$0x3], $0x80, s24, s22, $0xb8;
	[tilespmem:$0x1DF00] =	vst v63  }
0x7e: {  	_ =	swait.ge [sflag:s29], $0x2800  }
0x7f: {  	[sflag:s29] =	ssyncset.done $0x0  }
0x80: {  	[sflag:s29] =	ssyncadd.s32 $0xFFFFD800  }
0x81: {  	_ =	swait.ge [sflag:s30], $0x2800  }
0x82: {  	[sflag:s30] =	ssyncset.done $0x0  }
0x83: {  	[sflag:s30] =	ssyncadd.s32 $0xFFFFD800  }
0x84: {  	s0 =	sadd.s32 @p0 $0x25080, s10;
	s2 =	simm.s32 @p0 $0x1FC5;
	[bflag:$0x0] =	sbarrier.arrive $0xFFFF  }
0x85: {  	[hbm:s0], [sflag:s2] =	dma.local @p0 [spmem:s16], $0x2080  }
0x86: {  	s0 =	simm.s32 @p0 $0x5  }
0x87: {  	_ =	swait.ge @p0 [sflag:s0], $0x2080  }
0x88: {  	s31 =	sadd.s32 $0x1, s31;
	[sflag:s0] =	ssyncset.done @p0 $0x0  }
0x89: {  	p1 =	sne.s32 s31, s11;
	[sflag:s0] =	ssyncadd.s32 @p0 $0xFFFFDF80;
	s0 =	sadd.s32 @!p0 s4, s10  }
0x8a: {  	[hbm:s0], [sflag:s17] =	dma.local @!p0 [spmem:s18], $0x2780  }
.Ltmp1:
0x8b: {  	_ = 	snop;
	(pc) =	sbr.rel @p1 .LBB2_1-.Ltmp1, $4  }
0x8c: {  	s0 =	simm.s32 @!p0 $0x5  }
0x8d: {  	_ =	swait.ge @!p0 [sflag:s0], $0x2780  }
0x8e: {  	[sflag:s0] =	ssyncset.done @!p0 $0x0  }
0x8f: {  	[sflag:s0] =	ssyncadd.s32 @!p0 $0xFFFFD880  }
0x90: {  	_ =	sfence.sel $0x180000  }
0x91: {  	[bflag:$0x0] =	sbarrier.arrive $0xFFFF  }
0x92: {  	_ =	strace $0x9000004D  }
0x93: {  	s0 =	stileid.u32;
	[bflag:$0x2] =	sbarrier.arrive $0xFFFF  }
0x94: {  	p0 =	sne.s32 s0, $0x0;
	s0 =	rddreg [dreg:$0x3]  }
0x95: {  	s0 =	sadd.s32 @!p0 $0x100000, s0  }
0x96: {  	[sflag:s0] =	ssyncadd.tile.s32 @!p0 $0x1;
	_ =	shalt  }
.Lfunc_end2:
_tile_overlayer_lowered:
.L_overlay_start_2:
0x97: {  	(tag) =	ssettag $0x2  }
0x98: {  	s0 =	rddreg [dreg:$0x0];
	s2 =	stileid.u32  }
0x99: {  	s1 =	rddreg [dreg:$0x1];
	p0 =	sne.s32 s2, $0x0  }
0x9a: {  	s3 =	rddreg [dreg:$0x2];
	[bflag:$0x3] =	sbarrier.arrive $0xFFFF;
	s2 =	simm.s32 @!p0 $0x1C05  }
0x9b: {  	[timem:s3], [sflag:s2] =	dma.local @!p0 [hbm:s0], s1  }
0x9c: {  	s0 =	simm.s32 @!p0 $0x5  }
0x9d: {  	_ =	swait.ge @!p0 [sflag:s0], s1  }
0x9e: {  	s1 =	ssub.s32 @!p0 $0x0, s1;
	[sflag:s0] =	ssyncset.done @!p0 $0x0  }
0x9f: {  	[sflag:s0] =	ssyncadd.s32 @!p0 s1  }
0xa0: {  	[bflag:$0x3] =	sbarrier.arrive $0xFFFF  }
0xa1: {  	_ =	shalt  }

// kernel: kernel.18.cloned.1.call-start
scs
__scs_entry_jumppad:
0x0: {  	(pc) =	sbr.rel $0x88, $3  }
0x1: {  	(tag) =	ssettag $0x0;
	lr =	simm.s32 $0x1  }
0x2: {  	[smem:$0x3F96] =	sst lr;
	_ =	strace $0xD0000000  }
0x3: {  	_ = 	snop  }
0x4: {  	_ = 	snop  }
0x5: {  	_ = 	snop  }
0x6: {  	_ = 	snop  }
0x7: {  	_ = 	snop  }
__scs_overlays_trampoline_lowered:
0x8: {  	[smem:$0x3FA5] =	sst s0  }
0x9: {  	[smem:$0x3FA6] =	sst s1  }
0xa: {  	[smem:$0x3FA7] =	sst s2  }
0xb: {  	[smem:$0x3FA8] =	sst s3  }
0xc: {  	[smem:$0x3FA9] =	sst s4  }
0xd: {  	[smem:$0x3FAA] =	sst s5  }
0xe: {  	[smem:$0x3FAB] =	sst s6  }
0xf: {  	[smem:$0x3FAC] =	sst s7  }
0x10: {  	[smem:$0x3FAD] =	sst s8  }
0x11: {  	[smem:$0x3FAE] =	sst s9;
	s0 =	simm.s32 @!p0 $0x0  }
0x12: {  	s1 =	sld [smem:$0x3F94];
	s0 =	simm.s32 @p0 $0x1  }
0x13: {  	[smem:$0x3FAF] =	sst s0;
	s0 =	simm.s32 @!p1 $0x0  }
0x14: {  	s2 =	sld [smem:$0x3F93];
	s0 =	simm.s32 @p1 $0x1  }
0x15: {  	[smem:$0x3FB0] =	sst s0;
	s0 =	simm.s32 @!p2 $0x0  }
0x16: {  	s3 =	sld [smem:$0x3FDB];
	s0 =	simm.s32 @p2 $0x1  }
0x17: {  	s4 =	simm.s32 $0x1BF5;
	[smem:$0x3FB2] =	sst s0  }
0x18: {  	s0 =	sld [smem:$0x3F95];
	_ =	swait.ge [sflag:s4], $0x0  }
0x19: {  	s7 =	sld [smem:$0x3F96]  }
0x1a: {  	s8 =	sadd.s32 $0xFFFFE003, lr  }
0x1b: {  	s9 =	sadd.s32 $0xFFFFFEF7, lr;
	s5 =	simm.s32 $0xFFFFFFFF;
	p2 =	slt.u32 s8, $0xFFFFF086  }
0x1c: {  	p1 =	slt.u32 s9, $0xF7A;
	s5 =	simm.s32 @!p2 $0x0  }
0x1d: {  	s5 =	simm.s32 @p1 $0x1;
	p0 =	seq.s32 s7, s2  }
0x1e: {  	s7 =	smul.u32 @!p0 $0xF7A, s2;
	p2 =	seq.s32 @!p0 s5, $0x0  }
0x1f: {  	s9 =	smul.u32 $0xF7A, s1;
	s8 =	simm.s32 @!p0 $0x1BF5;
	p2 =	por !p2, p0  }
0x20: {  	[sflag:s8] =	ssyncset.s32 @!p0 $0xFFFFF086;
	s6 =	sadd.s32 @!p0 s3, s7;
	s7 =	simm.s32 @!p0 $0x108  }
0x21: {  	s3 =	sadd.s32 s3, s9;
	s6 =	sadd.s32 @!p0 $0x88, s6;
	s7 =	simm.s32 @p2 $0x1082  }
0x22: {  	[simem:s7], [sflag:s8] =	dma.local @!p0 [hbm:s6], $0xF7A  }
0x23: {  	s9 =	sor.u32 $0xD0000000, s2;
	s6 =	simm.s32 $0x108;
	_ =	swait.ge @!p0 [sflag:s8], $0x0  }
0x24: {  	s3 =	sadd.s32 $0x88, s3;
	s6 =	simm.s32 @!p1 $0x1082;
	[sflag:s4] =	ssyncset.s32 $0xFFFFF086  }
0x25: {  	[simem:s6], [sflag:s4] =	dma.local [hbm:s3], $0xF7A  }
0x26: {  	[smem:$0x3F96] =	sst s1;
	(tag) =	ssettag s2;
	_ =	strace s9  }
0x27: {  	s1 =	sld [smem:$0x3FA6]  }
0x28: {  	s2 =	sld [smem:$0x3FA7]  }
0x29: {  	s4 =	sld [smem:$0x3FA9]  }
0x2a: {  	p0 =	seq.s32 s5, $0x0;
	s5 =	sld [smem:$0x3FAA]  }
0x2b: {  	s6 =	sld [smem:$0x3FAB]  }
0x2c: {  	s7 =	sld [smem:$0x3FAC]  }
0x2d: {  	s3 =	simm.s32 $0x108;
	s8 =	sld [smem:$0x3FAD]  }
0x2e: {  	s3 =	simm.s32 @!p0 $0x1082;
	s9 =	sld [smem:$0x3FAE]  }
0x2f: {  	lr =	sadd.s32 s0, s3;
	s0 =	sld [smem:$0x3FA5]  }
0x30: {  	s3 =	sld [smem:$0x3FA8]  }
0x31: {  	[smem:$0x3FB1] =	sst s10  }
0x32: {  	s10 =	sld [smem:$0x3FAF];
	_ =	sdelay $0x3  }
0x33: {  	p0 =	seq.s32 s10, $0x1;
	s10 =	sld [smem:$0x3FB1];
	_ =	sdelay $0x3  }
0x34: {  	[smem:$0x3FB1] =	sst s10  }
0x35: {  	s10 =	sld [smem:$0x3FB0];
	_ =	sdelay $0x3  }
0x36: {  	p1 =	seq.s32 s10, $0x1;
	s10 =	sld [smem:$0x3FB1];
	_ =	sdelay $0x3  }
0x37: {  	[smem:$0x3FB1] =	sst s10  }
0x38: {  	s10 =	sld [smem:$0x3FB2]  }
0x39: {  	_ = 	snop;
	(pc) =	sbr.ind lr, $3  }
0x3a: {  	_ = 	snop  }
0x3b: {  	_ = 	snop  }
0x3c: {  	p2 =	seq.s32 s10, $0x1;
	s10 =	sld [smem:$0x3FB1]  }
0x3d: {  	_ =	shalt  }
0x3e: {  	_ =	shalt  }
0x3f: {  	_ =	shalt  }
0x40: {  	_ =	shalt  }
0x41: {  	_ =	shalt  }
0x42: {  	_ =	shalt  }
0x43: {  	_ =	shalt  }
0x44: {  	_ =	shalt  }
0x45: {  	_ =	shalt  }
0x46: {  	_ =	shalt  }
0x47: {  	_ =	shalt  }
0x48: {  	_ =	shalt  }
0x49: {  	_ =	shalt  }
0x4a: {  	_ =	shalt  }
0x4b: {  	_ =	shalt  }
0x4c: {  	_ =	shalt  }
0x4d: {  	_ =	shalt  }
0x4e: {  	_ =	shalt  }
0x4f: {  	_ =	shalt  }
0x50: {  	_ =	shalt  }
0x51: {  	_ =	shalt  }
0x52: {  	_ =	shalt  }
0x53: {  	_ =	shalt  }
0x54: {  	_ =	shalt  }
0x55: {  	_ =	shalt  }
0x56: {  	_ =	shalt  }
0x57: {  	_ =	shalt  }
0x58: {  	_ =	shalt  }
0x59: {  	_ =	shalt  }
0x5a: {  	_ =	shalt  }
0x5b: {  	_ =	shalt  }
0x5c: {  	_ =	shalt  }
0x5d: {  	_ =	shalt  }
0x5e: {  	_ =	shalt  }
0x5f: {  	_ =	shalt  }
0x60: {  	_ =	shalt  }
0x61: {  	_ =	shalt  }
0x62: {  	_ =	shalt  }
0x63: {  	_ =	shalt  }
0x64: {  	_ =	shalt  }
0x65: {  	_ =	shalt  }
0x66: {  	_ =	shalt  }
0x67: {  	_ =	shalt  }
0x68: {  	_ =	shalt  }
0x69: {  	_ =	shalt  }
0x6a: {  	_ =	shalt  }
0x6b: {  	_ =	shalt  }
0x6c: {  	_ =	shalt  }
0x6d: {  	_ =	shalt  }
0x6e: {  	_ =	shalt  }
0x6f: {  	_ =	shalt  }
0x70: {  	_ =	shalt  }
0x71: {  	_ =	shalt  }
0x72: {  	_ =	shalt  }
0x73: {  	_ =	shalt  }
0x74: {  	_ =	shalt  }
0x75: {  	_ =	shalt  }
0x76: {  	_ =	shalt  }
0x77: {  	_ =	shalt  }
0x78: {  	_ =	shalt  }
0x79: {  	_ =	shalt  }
0x7a: {  	_ =	shalt  }
0x7b: {  	_ =	shalt  }
0x7c: {  	_ =	shalt  }
0x7d: {  	_ =	shalt  }
0x7e: {  	_ =	shalt  }
0x7f: {  	_ =	shalt  }
0x80: {  	_ =	shalt  }
0x81: {  	_ =	shalt  }
0x82: {  	_ =	shalt  }
0x83: {  	_ =	shalt  }
0x84: {  	_ =	shalt  }
0x85: {  	_ =	shalt  }
0x86: {  	_ =	shalt  }
0x87: {  	_ =	shalt  }
.Lfunc_end0:
.L_simem_size_0:
called_computation.3_lowered:
.L_overlay_start_0:
0x88: {  	s2 =	sld [smem:$0x3FD9]  }
0x89: {  	s3 =	sld [smem:$0x3FFE];
	_ =	sdelay $0x1  }
0x8a: {  	s1 =	srdreg.scid  }
0x8b: {  	s0 =	sand.u32 $0x1, s1  }
0x8c: {  	s17 =	sshll.u32 s0, $0xA;
	s2 =	sadd.s32 s3, s2  }
0x8d: {  	s2 =	sadd.s32 s2, s17  }
0x8e: {  	[smem:$0x3FBD] =	sst s2  }
0x8f: {  	_ = 	snop  }
0x90: {  	s2 =	sld [smem:$0x3FD0];
	(tm) =	ssettm $0x1  }
0x91: {  	s18 =	sld [smem:$0x3FFB];
	_ =	sdelay $0x3  }
0x92: {  	_ =	strace s18  }
0x93: {  	s3 =	sld [smem:$0x3FFC];
	_ =	sdelay $0x3  }
0x94: {  	_ =	strace s3  }
0x95: {  	s3 =	sld [smem:$0x3FFD];
	_ =	sdelay $0x3  }
0x96: {  	_ =	strace s3  }
0x97: {  	_ =	strace $0x8FFFFFFF  }
0x98: {  	s19 =	sld [smem:$0x3FDB];
	_ =	sdelay $0x1  }
0x99: {  	s4 =	simm.s32 $_scs_section_size  }
0x9a: {  	s5 =	simm.s32 $_size__tile_overlayer_lowered;
	s6 =	simm.s32 $_tile_overlayer_lowered  }
0x9b: {  	s22 =	simm.s32 $0x1BFF;
	s21 =	sshll.u32 s6, $0x1;
	s3 =	sadd.s32 s4, s19  }
0x9c: {  	s7 =	simm.s32 $0x0;
	s20 =	sshll.u32 s5, $0x1;
	s5 =	sadd.s32 s21, s3  }
0x9d: {  	[timem:s7], [sflag:s22] =	dma.local [hbm:s5], s20  }
0x9e: {  	_ =	swait.ge [sflag:s22], s20  }
0x9f: {  	s4 =	ssub.s32 $0x0, s20;
	[sflag:s22] =	ssyncset.done $0x0  }
0xa0: {  	[sflag:s22] =	ssyncadd.s32 s4;
	_ =	sdelay $0x1  }
0xa1: {  	s23 =	simm.s32 $0x1B8B  }
0xa2: {  	_ =	swait.ge [sflag:s23], $0x1  }
0xa3: {  	[sflag:s23] =	ssyncset.done $0x0  }
0xa4: {  	s25 =	simm.s32 $0x1B8E;
	s24 =	sld [smem:$0x3FFE];
	[sflag:s23] =	ssyncadd.s32 $0xFFFFFFFF  }
0xa5: {  	s26 =	simm.s32 $execute0_lowered;
	[smem:$0x3FD2] =	sst s25  }
0xa6: {  	s5 =	sshll.u32 s26, $0x1;
	_ =	strace $0x8000004F;
	[dreg:$0x1] =	wrdreg $0xFFFFFFFF  }
0xa7: {  	s28 =	simm.s32 $_size_execute0_lowered;
	s3 =	sadd.s32 s3, s5;
	[dreg:$0x0] =	wrdreg $0x0  }
0xa8: {  	s5 =	sshll.u32 s28, $0x1;
	[dreg:$0x2] =	wrdreg s3  }
0xa9: {  	[dreg:$0x3] =	wrdreg s5  }
0xaa: {  	[dreg:$0x4] =	wrdreg $0xC0  }
0xab: {  	_ =	task [dreg:s7], $0x5FFFF  }
0xac: {  	[dreg:$0x1] =	wrdreg $0xFFFFFFFF  }
0xad: {  	[dreg:$0x0] =	wrdreg $0x60  }
0xae: {  	[dreg:$0x2] =	wrdreg s24  }
0xaf: {  	[dreg:$0x3] =	wrdreg s2  }
0xb0: {  	[dreg:$0x4] =	wrdreg $0x9F000  }
0xb1: {  	[dreg:$0x5] =	wrdreg $0x9  }
0xb2: {  	_ =	task.clear_ibuf [dreg:s7], $0x6FFFF;
	_ =	strace $0x9000004F  }
0xb3: {  	s29 =	simm.s32 $0x9;
	_ =	strace $0x80000051  }
0xb4: {  	_ =	swait.ge [sflag:s29], $0x1  }
0xb5: {  	[sflag:s29] =	ssyncadd.s32 $0xFFFFFFFF  }
0xb6: {  	_ =	strace $0x90000051  }
0xb7: {  	_ =	sfence  }
0xb8: {  	s30 =	sld [smem:$0x0];
	_ =	sdelay $0x2  }
0xb9: {  	s31 =	sshll.u32 s1, $0xD;
	s1 =	sshrl.u32 s1, $0x2  }
0xba: {  	s3 =	sand.u32 $0x4000, s31;
	s1 =	sadd.s32 s1, s30  }
0xbb: {  	s0 =	sor.u32 s3, s0;
	s1 =	sshll.u32 s1, $0x11  }
0xbc: {  	s0 =	sor.u32 s1, s0  }
0xbd: {  	s0 =	sadd.s32 $0x8F2B, s0  }
0xbe: {  	[sflag:s0] =	ssyncadd.remote.s32 $0x1  }
0xbf: {  	_ =	sfence.sel $0xFFFF  }
0xc0: {  	[dreg:$0x0] =	wrdreg $0xFFFFFFFF;
	(pc) =	sbr.abs _section_cstart, $3  }
0xc1: {  	[dreg:$0x1] =	wrdreg $0xFFFFFFFF  }
0xc2: {  	_ =	task.clear_ibuf [dreg:s7], $0x2FFFF;
	_ =	strace $0x9FFFFFFF  }
0xc3: {  	(tm) =	ssettm $0x7FFFFFFF  }
tec
execute0_lowered:
.L_overlay_start_1:
0x0: {  	(tag) =	ssettag $0x1  }
0x1: {  	s0 =	rddreg [dreg:$0x0]  }
0x2: {  	s2 =	rddreg [dreg:$0x1]  }
0x3: {  	s1 =	rddreg [dreg:$0x2]  }
0x4: {  	s4 =	srdreg.scid;
	s3 =	simm.s32 $0x0;
	s16 =	stileid.u32  }
0x5: {  	s13 =	simm.s32 $0x400;
	s14 =	simm.s32 $0x5;
	s19 =	simm.s32 $0x28  }
0x6: {  	s20 =	simm.s32 $0x4F00;
	s21 =	simm.s32 $0x6300;
	s22 =	simm.s32 $0x50  }
0x7: {  	s28 =	simm.s32 $0x2;
	s29 =	simm.s32 $0x3;
	s30 =	simm.s32 $0x4  }
0x8: {  	s31 =	simm.s32 $0x0;
	s6 =	sand.u32 $0x1, s4;
	s4 =	smul.u32 $0x2780, s16  }
0x9: {  	[smem:$0x7FF] =	sst s3;
	s10 =	sshll.u32 s16, $0x7;
	s25 =	smul.u32 $0x4F000, s16  }
0xa: {  	s15 =	sadd.s32 $0x128400, s1;
	p0 =	seq.s32 s16, $0xF;
	s5 =	sshll.u32 s6, $0x4  }
0xb: {  	_ =	strace $0x80000050;
	s8 =	smul.u32 $0x28000, s6;
	s6 =	ssub.s32 $0x2, s6  }
0xc: {  	s23 =	sand.u32 $0x380, s10;
	s7 =	sor.u32 s16, s5;
	s5 =	sadd.s32 $0x2BA00, s0  }
0xd: {  	s9 =	sadd.s32 s4, s0;
	s24 =	sshrl.u32 s6, $0x1;
	s7 =	sshrl.u32 s7, $0x3  }
0xe: {  	s11 =	sadd.s32 s8, s0;
	s12 =	ssub.s32 s6, s24;
	s7 =	smul.u32 $0x13C00, s7  }
0xf: {  	s8 =	sshrl.u32 s25, $0x2;
	s25 =	simm.s32 $0x8B00;
	s24 =	simm.s32 $0x4E40  }
0x10: {  	s10 =	sadd.s32 $0x53A00, s11;
	s11 =	smax.u32 s12, $0x1;
	s7 =	sor.u32 s23, s7  }
0x11: {  	s12 =	simm.s32 $0x80;
	s26 =	sshrl.u32 s7, $0x3;
	s7 =	sadd.s32 $0x4F000, s7  }
0x12: {  	s23 =	simm.s32 $0x7700;
	s6 =	sadd.s32 s2, s26;
	s7 =	sshrl.u32 s7, $0x3  }
0x13: {  	s26 =	simm.s32 $0x1;
	s7 =	sadd.s32 s2, s7;
	s2 =	sadd.s32 s8, s1  }
0x14: {  	s8 =	sadd.s32 $0x3A00, s9;
	s9 =	sadd.s32 $0x28A80, s0;
	s0 =	sshll.u32 @!p0 s16, $0x6  }
0x15: {  	s16 =	sshrl.u32 @p0 s15, $0x3;
	s17 =	sor.u32 @!p0 $0x1C05, s0;
	s18 =	sshrl.u32 @!p0 s2, $0x3  }
.LBB2_1:
0x16: {  	[tilespmem:s3], [sflag:$0x5] =	stream.strided.gather [hbm4b:s6+s12], $0x2780, s13, s12, $0x38;
	[tilespmem:$0x1DF00] =	vst v63  }
0x17: {  	_ =	swait.ge [sflag:s14], $0x2780  }
0x18: {  	[sflag:s14] =	ssyncset.done $0x0  }
0x19: {  	s0 =	simm.s32 $0x2780;
	[sflag:s14] =	ssyncadd.s32 $0xFFFFD880  }
0x1a: {  	[tilespmem:s0], [sflag:$0x5] =	stream.strided.gather [hbm4b:s7+s12], $0x2780, s13, s12, $0x38;
	[tilespmem:$0x1DF00] =	vst v63  }
0x1b: {  	_ =	swait.ge [sflag:s14], $0x2780  }
0x1c: {  	[sflag:s14] =	ssyncset.done $0x0  }
0x1d: {  	s0 =	simm.s32 @p0 $0x1FC5;
	[sflag:s14] =	ssyncadd.s32 $0xFFFFD880  }
0x1e: {  	[spmem:s16], [sflag:s0] =	dma.local @p0 [hbm:s9], $0x2080  }
0x1f: {  	s0 =	simm.s32 @p0 $0x5  }
0x20: {  	_ =	swait.ge @p0 [sflag:s0], $0x2080  }
0x21: {  	[sflag:s0] =	ssyncset.done @p0 $0x0  }
0x22: {  	[sflag:s0] =	ssyncadd.s32 @p0 $0xFFFFDF80;
	s0 =	simm.s32 @!p0 $0x5  }
0x23: {  	[spmem:s18], [sflag:s17] =	dma.local @!p0 [hbm:s8], $0x2780  }
0x24: {  	_ =	swait.ge @!p0 [sflag:s0], $0x2780  }
0x25: {  	[sflag:s0] =	ssyncset.done @!p0 $0x0  }
0x26: {  	[sflag:s0] =	ssyncadd.s32 @!p0 $0xFFFFD880  }
0x27: {  	[bflag:$0x0] =	sbarrier.arrive $0xFFFF  }
0x28: {  	[tilespmem:s20], [sflag:$0x1] =	stream.indirect.gather [hbm4b:s5+s19], $0x80, s3, s19, $0xb8;
	[tilespmem:$0x1DF00] =	vst v63  }
0x29: {  	_ = 	snop  }
0x2a: {  	[tilespmem:s21], [sflag:$0x1] =	stream.indirect.gather [hbm4b:s5+s19], $0x80, s19, s19, $0xb8;
	[tilespmem:$0x1DF00] =	vst v63  }
0x2b: {  	_ = 	snop  }
0x2c: {  	[tilespmem:s23], [sflag:$0x2] =	stream.indirect.gather [hbm4b:s5+s19], $0x80, s22, s19, $0xb8;
	[tilespmem:$0x1DF00] =	vst v63  }
0x2d: {  	s2 =	simm.s32 $0x78  }
0x2e: {  	[tilespmem:s25], [sflag:$0x2] =	stream.indirect.gather [hbm4b:s5+s19], $0x80, s2, s19, $0xb8;
	[tilespmem:$0x1DF00] =	vst v63  }
0x2f: {  	_ =	swait.ge [sflag:s26], $0x1400  }
0x30: {  	[sflag:s26] =	ssyncset.done $0x0  }
0x31: {  	[sflag:s26] =	ssyncadd.s32 $0xFFFFEC00  }
0x32: {  	_ =	swait.ge [sflag:s26], $0x1400  }
0x33: {  	[sflag:s26] =	ssyncset.done $0x0  }
0x34: {  	s15 =	simm.s32 $0x2780;
	[sflag:s26] =	ssyncadd.s32 $0xFFFFEC00  }
0x35: {  	[spmem:s1] =	stream.indirect.scatter.add.f32 [tilespmem:s20], [sflag:$0x3], $0x80, s15, s22, $0xb8;
	[tilespmem:$0x1DF00] =	vst v63  }
0x36: {  	_ =	swait.ge [sflag:s28], $0x1400  }
0x37: {  	[sflag:s28] =	ssyncset.done $0x0  }
0x38: {  	[sflag:s28] =	ssyncadd.s32 $0xFFFFEC00  }
0x39: {  	_ =	swait.ge [sflag:s28], $0x1400  }
0x3a: {  	[sflag:s28] =	ssyncset.done $0x0  }
0x3b: {  	s2 =	simm.s32 $0x27D0;
	[sflag:s28] =	ssyncadd.s32 $0xFFFFEC00  }
0x3c: {  	[spmem:s1] =	stream.indirect.scatter.add.f32 [tilespmem:s23], [sflag:$0x4], $0x80, s2, s22, $0xb8;
	[tilespmem:$0x1DF00] =	vst v63  }
0x3d: {  	_ =	swait.ge [sflag:s29], $0x2800  }
0x3e: {  	[sflag:s29] =	ssyncset.done $0x0  }
0x3f: {  	s15 =	simm.s32 $0xA0;
	[sflag:s29] =	ssyncadd.s32 $0xFFFFD800  }
0x40: {  	[tilespmem:s20], [sflag:$0x1] =	stream.indirect.gather [hbm4b:s5+s19], $0x80, s15, s19, $0xb8;
	[tilespmem:$0x1DF00] =	vst v63  }
0x41: {  	s2 =	simm.s32 $0xC8  }
0x42: {  	[tilespmem:s21], [sflag:$0x1] =	stream.indirect.gather [hbm4b:s5+s19], $0x80, s2, s19, $0xb8;
	[tilespmem:$0x1DF00] =	vst v63  }
0x43: {  	_ =	swait.ge [sflag:s30], $0x2800  }
0x44: {  	s0 =	simm.s32 $0x280;
	[sflag:s30] =	ssyncset.done $0x0  }
0x45: {  	s15 =	simm.s32 $0xF0;
	s2 =	simm.s32 $0x118;
	[sflag:s30] =	ssyncadd.s32 $0xFFFFD800  }
0x46: {  	[tilespmem:s23], [sflag:$0x2] =	stream.indirect.gather [hbm4b:s5+s19], $0x80, s15, s19, $0xb8;
	[tilespmem:$0x1DF00] =	vst v63  }
.LBB2_2:
0x47: {  	[tilespmem:s25], [sflag:$0x2] =	stream.indirect.gather [hbm4b:s5+s19], $0x80, s2, s19, $0xb8;
	[tilespmem:$0x1DF00] =	vst v63  }
0x48: {  	s2 =	smov.u32 s0  }
0x49: {  	p1 =	sne.s32 s0, $0x9600;
	s0 =	sadd.s32 $0x280, s0;
	_ =	swait.ge [sflag:s26], $0x1400  }
0x4a: {  	[sflag:s26] =	ssyncset.done $0x0  }
0x4b: {  	[sflag:s26] =	ssyncadd.s32 $0xFFFFEC00  }
0x4c: {  	_ =	swait.ge [sflag:s26], $0x1400  }
0x4d: {  	s2 =	sshra.s32 s2, $0x2;
	[sflag:s26] =	ssyncset.done $0x0  }
0x4e: {  	s15 =	sadd.s32 $0x2780, s2;
	[sflag:s26] =	ssyncadd.s32 $0xFFFFEC00  }
0x4f: {  	[spmem:s1] =	stream.indirect.scatter.add.f32 [tilespmem:s20], [sflag:$0x3], $0x80, s15, s22, $0xb8;
	[tilespmem:$0x1DF00] =	vst v63  }
0x50: {  	_ =	swait.ge [sflag:s28], $0x1400  }
0x51: {  	[sflag:s28] =	ssyncset.done $0x0  }
0x52: {  	[sflag:s28] =	ssyncadd.s32 $0xFFFFEC00  }
0x53: {  	_ =	swait.ge [sflag:s28], $0x1400  }
0x54: {  	[sflag:s28] =	ssyncset.done $0x0  }
0x55: {  	s15 =	sadd.s32 $0x27D0, s2;
	[sflag:s28] =	ssyncadd.s32 $0xFFFFEC00  }
0x56: {  	[spmem:s1] =	stream.indirect.scatter.add.f32 [tilespmem:s23], [sflag:$0x4], $0x80, s15, s22, $0xb8;
	[tilespmem:$0x1DF00] =	vst v63  }
0x57: {  	_ =	swait.ge [sflag:s29], $0x2800  }
0x58: {  	[sflag:s29] =	ssyncset.done $0x0  }
0x59: {  	s15 =	sadd.s32 $0xA0, s2;
	[sflag:s29] =	ssyncadd.s32 $0xFFFFD800  }
0x5a: {  	[tilespmem:s20], [sflag:$0x1] =	stream.indirect.gather [hbm4b:s5+s19], $0x80, s15, s19, $0xb8;
	[tilespmem:$0x1DF00] =	vst v63  }
0x5b: {  	s15 =	sadd.s32 $0xC8, s2  }
0x5c: {  	[tilespmem:s21], [sflag:$0x1] =	stream.indirect.gather [hbm4b:s5+s19], $0x80, s15, s19, $0xb8;
	[tilespmem:$0x1DF00] =	vst v63  }
.Ltmp0:
0x5d: {  	_ =	swait.ge [sflag:s30], $0x2800;
	(pc) =	sbr.rel @p1 .LBB2_2-.Ltmp0, $4  }
0x5e: {  	[sflag:s30] =	ssyncset.done $0x0  }
0x5f: {  	s15 =	sadd.s32 $0xF0, s2;
	[sflag:s30] =	ssyncadd.s32 $0xFFFFD800  }
0x60: {  	[tilespmem:s23], [sflag:$0x2] =	stream.indirect.gather [hbm4b:s5+s19], $0x80, s15, s19, $0xb8;
	[tilespmem:$0x1DF00] =	vst v63  }
0x61: {  	s2 =	sadd.s32 $0x118, s2  }
0x62: {  	[tilespmem:s25], [sflag:$0x2] =	stream.indirect.gather [hbm4b:s5+s19], $0x80, s2, s19, $0xb8;
	[tilespmem:$0x1DF00] =	vst v63  }
0x63: {  	_ =	swait.ge [sflag:s26], $0x1400  }
0x64: {  	[sflag:s26] =	ssyncset.done $0x0  }
0x65: {  	[sflag:s26] =	ssyncadd.s32 $0xFFFFEC00  }
0x66: {  	_ =	swait.ge [sflag:s26], $0x1400  }
0x67: {  	[sflag:s26] =	ssyncset.done $0x0  }
0x68: {  	s0 =	simm.s32 $0x4DA0;
	[sflag:s26] =	ssyncadd.s32 $0xFFFFEC00  }
0x69: {  	[spmem:s1] =	stream.indirect.scatter.add.f32 [tilespmem:s20], [sflag:$0x3], $0x80, s0, s22, $0xb8;
	[tilespmem:$0x1DF00] =	vst v63  }
0x6a: {  	_ =	swait.ge [sflag:s28], $0x1400  }
0x6b: {  	[sflag:s28] =	ssyncset.done $0x0  }
0x6c: {  	[sflag:s28] =	ssyncadd.s32 $0xFFFFEC00  }
0x6d: {  	_ =	swait.ge [sflag:s28], $0x1400  }
0x6e: {  	[sflag:s28] =	ssyncset.done $0x0  }
0x6f: {  	s15 =	simm.s32 $0x4DF0;
	[sflag:s28] =	ssyncadd.s32 $0xFFFFEC00  }
0x70: {  	[spmem:s1] =	stream.indirect.scatter.add.f32 [tilespmem:s23], [sflag:$0x4], $0x80, s15, s22, $0xb8;
	[tilespmem:$0x1DF00] =	vst v63  }
0x71: {  	_ =	swait.ge [sflag:s29], $0x2800  }
0x72: {  	[sflag:s29] =	ssyncset.done $0x0  }
0x73: {  	s2 =	simm.s32 $0x26C0;
	[sflag:s29] =	ssyncadd.s32 $0xFFFFD800  }
0x74: {  	[tilespmem:s20], [sflag:$0x1] =	stream.indirect.gather [hbm4b:s5+s19], $0x80, s2, s19, $0xb8;
	[tilespmem:$0x1DF00] =	vst v63  }
0x75: {  	s15 =	simm.s32 $0x26E8  }
0x76: {  	[tilespmem:s21], [sflag:$0x1] =	stream.indirect.gather [hbm4b:s5+s19], $0x80, s15, s19, $0xb8;
	[tilespmem:$0x1DF00] =	vst v63  }
0x77: {  	_ =	swait.ge [sflag:s26], $0x1400  }
0x78: {  	[sflag:s26] =	ssyncset.done $0x0  }
0x79: {  	[sflag:s26] =	ssyncadd.s32 $0xFFFFEC00  }
0x7a: {  	_ =	swait.ge [sflag:s26], $0x1400  }
0x7b: {  	[sflag:s26] =	ssyncset.done $0x0  }
0x7c: {  	[sflag:s26] =	ssyncadd.s32 $0xFFFFEC00  }
0x7d: {  	[spmem:s1] =	stream.indirect.scatter.add.f32 [tilespmem:s20], [sflag:$0x3], $0x80, s24, s22, $0xb8;
	[tilespmem:$0x1DF00] =	vst v63  }
0x7e: {  	_ =	swait.ge [sflag:s29], $0x2800  }
0x7f: {  	[sflag:s29] =	ssyncset.done $0x0  }
0x80: {  	[sflag:s29] =	ssyncadd.s32 $0xFFFFD800  }
0x81: {  	_ =	swait.ge [sflag:s30], $0x2800  }
0x82: {  	[sflag:s30] =	ssyncset.done $0x0  }
0x83: {  	[sflag:s30] =	ssyncadd.s32 $0xFFFFD800  }
0x84: {  	s0 =	sadd.s32 @p0 $0x25080, s10;
	s2 =	simm.s32 @p0 $0x1FC5;
	[bflag:$0x0] =	sbarrier.arrive $0xFFFF  }
0x85: {  	[hbm:s0], [sflag:s2] =	dma.local @p0 [spmem:s16], $0x2080  }
0x86: {  	s0 =	simm.s32 @p0 $0x5  }
0x87: {  	_ =	swait.ge @p0 [sflag:s0], $0x2080  }
0x88: {  	s31 =	sadd.s32 $0x1, s31;
	[sflag:s0] =	ssyncset.done @p0 $0x0  }
0x89: {  	p1 =	sne.s32 s31, s11;
	[sflag:s0] =	ssyncadd.s32 @p0 $0xFFFFDF80;
	s0 =	sadd.s32 @!p0 s4, s10  }
0x8a: {  	[hbm:s0], [sflag:s17] =	dma.local @!p0 [spmem:s18], $0x2780  }
.Ltmp1:
0x8b: {  	_ = 	snop;
	(pc) =	sbr.rel @p1 .LBB2_1-.Ltmp1, $4  }
0x8c: {  	s0 =	simm.s32 @!p0 $0x5  }
0x8d: {  	_ =	swait.ge @!p0 [sflag:s0], $0x2780  }
0x8e: {  	[sflag:s0] =	ssyncset.done @!p0 $0x0  }
0x8f: {  	[sflag:s0] =	ssyncadd.s32 @!p0 $0xFFFFD880  }
0x90: {  	_ =	sfence.sel $0x180000  }
0x91: {  	[bflag:$0x0] =	sbarrier.arrive $0xFFFF  }
0x92: {  	_ =	strace $0x90000050  }
0x93: {  	s0 =	stileid.u32;
	[bflag:$0x2] =	sbarrier.arrive $0xFFFF  }
0x94: {  	p0 =	sne.s32 s0, $0x0;
	s0 =	rddreg [dreg:$0x3]  }
0x95: {  	s0 =	sadd.s32 @!p0 $0x100000, s0  }
0x96: {  	[sflag:s0] =	ssyncadd.tile.s32 @!p0 $0x1;
	_ =	shalt  }
.Lfunc_end2:
_tile_overlayer_lowered:
.L_overlay_start_2:
0x97: {  	(tag) =	ssettag $0x2  }
0x98: {  	s0 =	rddreg [dreg:$0x0];
	s2 =	stileid.u32  }
0x99: {  	s1 =	rddreg [dreg:$0x1];
	p0 =	sne.s32 s2, $0x0  }
0x9a: {  	s3 =	rddreg [dreg:$0x2];
	[bflag:$0x3] =	sbarrier.arrive $0xFFFF;
	s2 =	simm.s32 @!p0 $0x1C05  }
0x9b: {  	[timem:s3], [sflag:s2] =	dma.local @!p0 [hbm:s0], s1  }
0x9c: {  	s0 =	simm.s32 @!p0 $0x5  }
0x9d: {  	_ =	swait.ge @!p0 [sflag:s0], s1  }
0x9e: {  	s1 =	ssub.s32 @!p0 $0x0, s1;
	[sflag:s0] =	ssyncset.done @!p0 $0x0  }
0x9f: {  	[sflag:s0] =	ssyncadd.s32 @!p0 s1  }
0xa0: {  	[bflag:$0x3] =	sbarrier.arrive $0xFFFF  }
0xa1: {  	_ =	shalt  }

// kernel: kernel.9.cloned.1.call-start
scs
__scs_entry_jumppad:
0x0: {  	(pc) =	sbr.rel $0x88, $3  }
0x1: {  	(tag) =	ssettag $0x0;
	lr =	simm.s32 $0x1  }
0x2: {  	[smem:$0x3F96] =	sst lr;
	_ =	strace $0xD0000000  }
0x3: {  	_ = 	snop  }
0x4: {  	_ = 	snop  }
0x5: {  	_ = 	snop  }
0x6: {  	_ = 	snop  }
0x7: {  	_ = 	snop  }
__scs_overlays_trampoline_lowered:
0x8: {  	[smem:$0x3FA5] =	sst s0  }
0x9: {  	[smem:$0x3FA6] =	sst s1  }
0xa: {  	[smem:$0x3FA7] =	sst s2  }
0xb: {  	[smem:$0x3FA8] =	sst s3  }
0xc: {  	[smem:$0x3FA9] =	sst s4  }
0xd: {  	[smem:$0x3FAA] =	sst s5  }
0xe: {  	[smem:$0x3FAB] =	sst s6  }
0xf: {  	[smem:$0x3FAC] =	sst s7  }
0x10: {  	[smem:$0x3FAD] =	sst s8  }
0x11: {  	[smem:$0x3FAE] =	sst s9;
	s0 =	simm.s32 @!p0 $0x0  }
0x12: {  	s1 =	sld [smem:$0x3F94];
	s0 =	simm.s32 @p0 $0x1  }
0x13: {  	[smem:$0x3FAF] =	sst s0;
	s0 =	simm.s32 @!p1 $0x0  }
0x14: {  	s2 =	sld [smem:$0x3F93];
	s0 =	simm.s32 @p1 $0x1  }
0x15: {  	[smem:$0x3FB0] =	sst s0;
	s0 =	simm.s32 @!p2 $0x0  }
0x16: {  	s3 =	sld [smem:$0x3FDB];
	s0 =	simm.s32 @p2 $0x1  }
0x17: {  	s4 =	simm.s32 $0x1BF5;
	[smem:$0x3FB2] =	sst s0  }
0x18: {  	s0 =	sld [smem:$0x3F95];
	_ =	swait.ge [sflag:s4], $0x0  }
0x19: {  	s7 =	sld [smem:$0x3F96]  }
0x1a: {  	s8 =	sadd.s32 $0xFFFFE003, lr  }
0x1b: {  	s9 =	sadd.s32 $0xFFFFFEF7, lr;
	s5 =	simm.s32 $0xFFFFFFFF;
	p2 =	slt.u32 s8, $0xFFFFF086  }
0x1c: {  	p1 =	slt.u32 s9, $0xF7A;
	s5 =	simm.s32 @!p2 $0x0  }
0x1d: {  	s5 =	simm.s32 @p1 $0x1;
	p0 =	seq.s32 s7, s2  }
0x1e: {  	s7 =	smul.u32 @!p0 $0xF7A, s2;
	p2 =	seq.s32 @!p0 s5, $0x0  }
0x1f: {  	s9 =	smul.u32 $0xF7A, s1;
	s8 =	simm.s32 @!p0 $0x1BF5;
	p2 =	por !p2, p0  }
0x20: {  	[sflag:s8] =	ssyncset.s32 @!p0 $0xFFFFF086;
	s6 =	sadd.s32 @!p0 s3, s7;
	s7 =	simm.s32 @!p0 $0x108  }
0x21: {  	s3 =	sadd.s32 s3, s9;
	s6 =	sadd.s32 @!p0 $0x88, s6;
	s7 =	simm.s32 @p2 $0x1082  }
0x22: {  	[simem:s7], [sflag:s8] =	dma.local @!p0 [hbm:s6], $0xF7A  }
0x23: {  	s9 =	sor.u32 $0xD0000000, s2;
	s6 =	simm.s32 $0x108;
	_ =	swait.ge @!p0 [sflag:s8], $0x0  }
0x24: {  	s3 =	sadd.s32 $0x88, s3;
	s6 =	simm.s32 @!p1 $0x1082;
	[sflag:s4] =	ssyncset.s32 $0xFFFFF086  }
0x25: {  	[simem:s6], [sflag:s4] =	dma.local [hbm:s3], $0xF7A  }
0x26: {  	[smem:$0x3F96] =	sst s1;
	(tag) =	ssettag s2;
	_ =	strace s9  }
0x27: {  	s1 =	sld [smem:$0x3FA6]  }
0x28: {  	s2 =	sld [smem:$0x3FA7]  }
0x29: {  	s4 =	sld [smem:$0x3FA9]  }
0x2a: {  	p0 =	seq.s32 s5, $0x0;
	s5 =	sld [smem:$0x3FAA]  }
0x2b: {  	s6 =	sld [smem:$0x3FAB]  }
0x2c: {  	s7 =	sld [smem:$0x3FAC]  }
0x2d: {  	s3 =	simm.s32 $0x108;
	s8 =	sld [smem:$0x3FAD]  }
0x2e: {  	s3 =	simm.s32 @!p0 $0x1082;
	s9 =	sld [smem:$0x3FAE]  }
0x2f: {  	lr =	sadd.s32 s0, s3;
	s0 =	sld [smem:$0x3FA5]  }
0x30: {  	s3 =	sld [smem:$0x3FA8]  }
0x31: {  	[smem:$0x3FB1] =	sst s10  }
0x32: {  	s10 =	sld [smem:$0x3FAF];
	_ =	sdelay $0x3  }
0x33: {  	p0 =	seq.s32 s10, $0x1;
	s10 =	sld [smem:$0x3FB1];
	_ =	sdelay $0x3  }
0x34: {  	[smem:$0x3FB1] =	sst s10  }
0x35: {  	s10 =	sld [smem:$0x3FB0];
	_ =	sdelay $0x3  }
0x36: {  	p1 =	seq.s32 s10, $0x1;
	s10 =	sld [smem:$0x3FB1];
	_ =	sdelay $0x3  }
0x37: {  	[smem:$0x3FB1] =	sst s10  }
0x38: {  	s10 =	sld [smem:$0x3FB2]  }
0x39: {  	_ = 	snop;
	(pc) =	sbr.ind lr, $3  }
0x3a: {  	_ = 	snop  }
0x3b: {  	_ = 	snop  }
0x3c: {  	p2 =	seq.s32 s10, $0x1;
	s10 =	sld [smem:$0x3FB1]  }
0x3d: {  	_ =	shalt  }
0x3e: {  	_ =	shalt  }
0x3f: {  	_ =	shalt  }
0x40: {  	_ =	shalt  }
0x41: {  	_ =	shalt  }
0x42: {  	_ =	shalt  }
0x43: {  	_ =	shalt  }
0x44: {  	_ =	shalt  }
0x45: {  	_ =	shalt  }
0x46: {  	_ =	shalt  }
0x47: {  	_ =	shalt  }
0x48: {  	_ =	shalt  }
0x49: {  	_ =	shalt  }
0x4a: {  	_ =	shalt  }
0x4b: {  	_ =	shalt  }
0x4c: {  	_ =	shalt  }
0x4d: {  	_ =	shalt  }
0x4e: {  	_ =	shalt  }
0x4f: {  	_ =	shalt  }
0x50: {  	_ =	shalt  }
0x51: {  	_ =	shalt  }
0x52: {  	_ =	shalt  }
0x53: {  	_ =	shalt  }
0x54: {  	_ =	shalt  }
0x55: {  	_ =	shalt  }
0x56: {  	_ =	shalt  }
0x57: {  	_ =	shalt  }
0x58: {  	_ =	shalt  }
0x59: {  	_ =	shalt  }
0x5a: {  	_ =	shalt  }
0x5b: {  	_ =	shalt  }
0x5c: {  	_ =	shalt  }
0x5d: {  	_ =	shalt  }
0x5e: {  	_ =	shalt  }
0x5f: {  	_ =	shalt  }
0x60: {  	_ =	shalt  }
0x61: {  	_ =	shalt  }
0x62: {  	_ =	shalt  }
0x63: {  	_ =	shalt  }
0x64: {  	_ =	shalt  }
0x65: {  	_ =	shalt  }
0x66: {  	_ =	shalt  }
0x67: {  	_ =	shalt  }
0x68: {  	_ =	shalt  }
0x69: {  	_ =	shalt  }
0x6a: {  	_ =	shalt  }
0x6b: {  	_ =	shalt  }
0x6c: {  	_ =	shalt  }
0x6d: {  	_ =	shalt  }
0x6e: {  	_ =	shalt  }
0x6f: {  	_ =	shalt  }
0x70: {  	_ =	shalt  }
0x71: {  	_ =	shalt  }
0x72: {  	_ =	shalt  }
0x73: {  	_ =	shalt  }
0x74: {  	_ =	shalt  }
0x75: {  	_ =	shalt  }
0x76: {  	_ =	shalt  }
0x77: {  	_ =	shalt  }
0x78: {  	_ =	shalt  }
0x79: {  	_ =	shalt  }
0x7a: {  	_ =	shalt  }
0x7b: {  	_ =	shalt  }
0x7c: {  	_ =	shalt  }
0x7d: {  	_ =	shalt  }
0x7e: {  	_ =	shalt  }
0x7f: {  	_ =	shalt  }
0x80: {  	_ =	shalt  }
0x81: {  	_ =	shalt  }
0x82: {  	_ =	shalt  }
0x83: {  	_ =	shalt  }
0x84: {  	_ =	shalt  }
0x85: {  	_ =	shalt  }
0x86: {  	_ =	shalt  }
0x87: {  	_ =	shalt  }
.Lfunc_end0:
.L_simem_size_0:
called_computation_lowered:
.L_overlay_start_0:
0x88: {  	s2 =	sld [smem:$0x3FD9]  }
0x89: {  	s3 =	sld [smem:$0x3FFE];
	_ =	sdelay $0x1  }
0x8a: {  	s1 =	srdreg.scid  }
0x8b: {  	s0 =	sand.u32 $0x1, s1  }
0x8c: {  	s17 =	sshll.u32 s0, $0xA;
	s2 =	sadd.s32 s3, s2  }
0x8d: {  	s2 =	sadd.s32 s2, s17  }
0x8e: {  	[smem:$0x3FBD] =	sst s2  }
0x8f: {  	_ = 	snop  }
0x90: {  	s2 =	sld [smem:$0x3FD0];
	(tm) =	ssettm $0x1  }
0x91: {  	s18 =	sld [smem:$0x3FFB];
	_ =	sdelay $0x3  }
0x92: {  	_ =	strace s18  }
0x93: {  	s3 =	sld [smem:$0x3FFC];
	_ =	sdelay $0x3  }
0x94: {  	_ =	strace s3  }
0x95: {  	s3 =	sld [smem:$0x3FFD];
	_ =	sdelay $0x3  }
0x96: {  	_ =	strace s3  }
0x97: {  	_ =	strace $0x8FFFFFFF  }
0x98: {  	s19 =	sld [smem:$0x3FDB];
	_ =	sdelay $0x1  }
0x99: {  	s4 =	simm.s32 $_scs_section_size  }
0x9a: {  	s5 =	simm.s32 $_size__tile_overlayer_lowered;
	s6 =	simm.s32 $_tile_overlayer_lowered  }
0x9b: {  	s22 =	simm.s32 $0x1BFF;
	s21 =	sshll.u32 s6, $0x1;
	s3 =	sadd.s32 s4, s19  }
0x9c: {  	s7 =	simm.s32 $0x0;
	s20 =	sshll.u32 s5, $0x1;
	s5 =	sadd.s32 s21, s3  }
0x9d: {  	[timem:s7], [sflag:s22] =	dma.local [hbm:s5], s20  }
0x9e: {  	_ =	swait.ge [sflag:s22], s20  }
0x9f: {  	s4 =	ssub.s32 $0x0, s20;
	[sflag:s22] =	ssyncset.done $0x0  }
0xa0: {  	[sflag:s22] =	ssyncadd.s32 s4;
	_ =	sdelay $0x1  }
0xa1: {  	s23 =	simm.s32 $0x1B8B  }
0xa2: {  	_ =	swait.ge [sflag:s23], $0x1  }
0xa3: {  	[sflag:s23] =	ssyncset.done $0x0  }
0xa4: {  	s25 =	simm.s32 $0x1B8E;
	s24 =	sld [smem:$0x3FFE];
	[sflag:s23] =	ssyncadd.s32 $0xFFFFFFFF  }
0xa5: {  	s26 =	simm.s32 $execute0_lowered;
	[smem:$0x3FD2] =	sst s25  }
0xa6: {  	s5 =	sshll.u32 s26, $0x1;
	_ =	strace $0x80000046;
	[dreg:$0x1] =	wrdreg $0xFFFFFFFF  }
0xa7: {  	s28 =	simm.s32 $_size_execute0_lowered;
	s3 =	sadd.s32 s3, s5;
	[dreg:$0x0] =	wrdreg $0x0  }
0xa8: {  	s5 =	sshll.u32 s28, $0x1;
	[dreg:$0x2] =	wrdreg s3  }
0xa9: {  	[dreg:$0x3] =	wrdreg s5  }
0xaa: {  	[dreg:$0x4] =	wrdreg $0xC0  }
0xab: {  	_ =	task [dreg:s7], $0x5FFFF  }
0xac: {  	[dreg:$0x1] =	wrdreg $0xFFFFFFFF  }
0xad: {  	[dreg:$0x0] =	wrdreg $0x60  }
0xae: {  	[dreg:$0x2] =	wrdreg s2  }
0xaf: {  	[dreg:$0x3] =	wrdreg s24  }
0xb0: {  	[dreg:$0x4] =	wrdreg $0x50000  }
0xb1: {  	[dreg:$0x5] =	wrdreg $0x9  }
0xb2: {  	_ =	task.clear_ibuf [dreg:s7], $0x6FFFF;
	_ =	strace $0x90000046  }
0xb3: {  	s29 =	simm.s32 $0x9;
	_ =	strace $0x80000048  }
0xb4: {  	_ =	swait.ge [sflag:s29], $0x1  }
0xb5: {  	[sflag:s29] =	ssyncadd.s32 $0xFFFFFFFF  }
0xb6: {  	_ =	strace $0x90000048  }
0xb7: {  	_ =	sfence  }
0xb8: {  	s30 =	sld [smem:$0x0];
	_ =	sdelay $0x2  }
0xb9: {  	s31 =	sshll.u32 s1, $0xD;
	s1 =	sshrl.u32 s1, $0x2  }
0xba: {  	s3 =	sand.u32 $0x4000, s31;
	s1 =	sadd.s32 s1, s30  }
0xbb: {  	s0 =	sor.u32 s3, s0;
	s1 =	sshll.u32 s1, $0x11  }
0xbc: {  	s0 =	sor.u32 s1, s0  }
0xbd: {  	s0 =	sadd.s32 $0x8F2B, s0  }
0xbe: {  	[sflag:s0] =	ssyncadd.remote.s32 $0x1  }
0xbf: {  	_ =	sfence.sel $0xFFFF  }
0xc0: {  	[dreg:$0x0] =	wrdreg $0xFFFFFFFF;
	(pc) =	sbr.abs _section_cstart, $3  }
0xc1: {  	[dreg:$0x1] =	wrdreg $0xFFFFFFFF  }
0xc2: {  	_ =	task.clear_ibuf [dreg:s7], $0x2FFFF;
	_ =	strace $0x9FFFFFFF  }
0xc3: {  	(tm) =	ssettm $0x7FFFFFFF  }
tec
execute0_lowered:
.L_overlay_start_1:
0x0: {  	(tag) =	ssettag $0x1  }
0x1: {  	s0 =	srdreg.scid;
	s4 =	rddreg [dreg:$0x0]  }
0x2: {  	s5 =	rddreg [dreg:$0x1];
	s7 =	stileid.u32  }
0x3: {  	s1 =	rddreg [dreg:$0x2];
	s2 =	simm.s32 $0x0;
	s12 =	simm.s32 $0x50  }
0x4: {  	s13 =	simm.s32 $0x4F80;
	s14 =	simm.s32 $0x0;
	s3 =	sand.u32 $0x1, s0  }
0x5: {  	[smem:$0x7FF] =	sst s2;
	s8 =	sshll.u32 s7, $0x7;
	s0 =	sshll.u32 s3, $0x4  }
0x6: {  	p0 =	sne.s32 s7, $0x0;
	s8 =	sand.u32 $0x380, s8;
	s6 =	sor.u32 s7, s0  }
0x7: {  	s9 =	smul.u32 $0x500, s3;
	s10 =	ssub.s32 $0x2, s3;
	s6 =	sshrl.u32 s6, $0x3  }
0x8: {  	s3 =	sadd.s32 $0x3A00, s5;
	s11 =	sshrl.u32 @!p0 s1, $0x3;
	s6 =	smul.u32 $0x13C00, s6  }
0x9: {  	s0 =	rddreg [dreg:$0x3];
	_ =	strace $0x80000047;
	s31 =	sshrl.u32 s10, $0x1  }
0xa: {  	s7 =	simm.s32 $0x80;
	s5 =	sadd.s32 s9, s5;
	s6 =	sor.u32 s8, s6  }
0xb: {  	v0 =	vlaneseq.u32;
	s9 =	simm.s32 $0x1;
	s5 =	sadd.s32 $0x2BA00, s5;
	s6 =	sadd.s32 $0x4F000, s6  }
0xc: {  	v5 =	vimm.f32 $1.000000000e+00;
	v1 =	vor.u32 $0x10, v0;
	s8 =	ssub.s32 s10, s31;
	s10 =	simm.s32 $0x2780;
	s6 =	sshrl.u32 s6, $0x3  }
0xd: {  	v2 =	vor.u32 $0x20, v0;
	v3 =	vor.u32 $0x30, v0;
	v4 =	vor.u32 $0x40, v0;
	s4 =	sadd.s32 s4, s6;
	s6 =	smax.u32 s8, $0x1;
	s8 =	simm.s32 $0x400  }
.LBB2_1:
0xe: {  	[tilespmem:s2], [sflag:$0x1] =	stream.strided.gather [hbm4b:s4+s7], $0x2780, s8, s7, $0x38;
	[tilespmem:$0x5280] =	vst v63  }
0xf: {  	_ =	swait.ge [sflag:s9], $0x2780  }
0x10: {  	[sflag:s9] =	ssyncset.done $0x0  }
0x11: {  	[sflag:s9] =	ssyncadd.s32 $0xFFFFD880  }
0x12: {  	[tilespmem:s10], [sflag:$0x1] =	stream.linear.gather [hbm4b:s3+s2], $0x2800, $0x38;
	[tilespmem:$0x5280] =	vst v63  }
0x13: {  	_ =	swait.ge [sflag:s9], $0x2800  }
0x14: {  	[sflag:s9] =	ssyncset.done $0x0  }
0x15: {  	s15 =	simm.s32 @!p0 $0x1C01;
	[sflag:s9] =	ssyncadd.s32 $0xFFFFD800  }
0x16: {  	[spmem:s11], [sflag:s15] =	dma.local @!p0 [hbm:s3], $0x500  }
0x17: {  	s15 =	simm.s32 @!p0 $0x1  }
0x18: {  	_ =	swait.ge @!p0 [sflag:s15], $0x500  }
0x19: {  	[sflag:s15] =	ssyncset.done @!p0 $0x0  }
0x1a: {  	[sflag:s15] =	ssyncadd.s32 @!p0 $0xFFFFFB00  }
0x1b: {  	[tilespmem:$0x4F80] =	vst v0  }
0x1c: {  	[tilespmem:$0x4F90] =	vst v1  }
0x1d: {  	[tilespmem:$0x4FA0] =	vst v2  }
0x1e: {  	[tilespmem:$0x4FB0] =	vst v3  }
0x1f: {  	s16 =	simm.s32 $0x0;
	s15 =	simm.s32 $0x40;
	[tilespmem:$0x4FC0] =	vst v4  }
.LBB2_2:
0x20: {  	p1 =	sne.s32 s15, $0x9C00;
	v6 =	vld [tilespmem:s16+$0x0];
	_ =	sdelay $0x3  }
.Ltmp0:
0x21: {  	(pc) =	sbr.rel @p1 .LBB2_2-.Ltmp0, $2  }
0x22: {  	_ =	sdelay $0x2  }
0x23: {  	s16 =	sshra.s32 s15, $0x2;
	s15 =	sadd.s32 $0x40, s15;
	[tilespmem:v6+s10+$0x0] =	vst.idx.add.f32.msk $0xffff, v5  }
0x24: {  	v6 =	vld [tilespmem:s16+$0x0];
	_ =	sdelay $0x7  }
0x25: {  	[tilespmem:v6+s10+$0x0] =	vst.idx.add.f32.msk $0xffff, v5  }
0x26: {  	[bflag:$0x0] =	sbarrier.arrive $0xFFFF  }
0x27: {  	[spmem:s1] =	stream.indirect.scatter.add.f32 [tilespmem:s10], [sflag:$0x1], $0x80, s13, s12, $0xb8;
	[tilespmem:$0x5280] =	vst v63  }
0x28: {  	_ =	swait.ge [sflag:s9], $0x2800  }
0x29: {  	[sflag:s9] =	ssyncset.done $0x0  }
0x2a: {  	s14 =	sadd.s32 $0x1, s14;
	[sflag:s9] =	ssyncadd.s32 $0xFFFFD800  }
0x2b: {  	s15 =	simm.s32 @!p0 $0x1C01;
	p1 =	sne.s32 s14, s6;
	[bflag:$0x0] =	sbarrier.arrive $0xFFFF  }
0x2c: {  	[hbm:s5], [sflag:s15] =	dma.local @!p0 [spmem:s11], $0x500  }
.Ltmp1:
0x2d: {  	_ = 	snop;
	(pc) =	sbr.rel @p1 .LBB2_1-.Ltmp1, $4  }
0x2e: {  	s15 =	simm.s32 @!p0 $0x1  }
0x2f: {  	_ =	swait.ge @!p0 [sflag:s15], $0x500  }
0x30: {  	[sflag:s15] =	ssyncset.done @!p0 $0x0  }
0x31: {  	[sflag:s15] =	ssyncadd.s32 @!p0 $0xFFFFFB00  }
0x32: {  	_ =	sfence.sel $0x180000  }
0x33: {  	[bflag:$0x0] =	sbarrier.arrive $0xFFFF  }
0x34: {  	_ =	strace $0x90000047  }
0x35: {  	s0 =	sadd.s32 @!p0 $0x100000, s0;
	[bflag:$0x2] =	sbarrier.arrive $0xFFFF  }
0x36: {  	[sflag:s0] =	ssyncadd.tile.s32 @!p0 $0x1;
	_ =	shalt  }
.Lfunc_end2:
_tile_overlayer_lowered:
.L_overlay_start_2:
0x37: {  	(tag) =	ssettag $0x2  }
0x38: {  	s0 =	rddreg [dreg:$0x0];
	s2 =	stileid.u32  }
0x39: {  	s1 =	rddreg [dreg:$0x1];
	p0 =	sne.s32 s2, $0x0  }
0x3a: {  	s3 =	rddreg [dreg:$0x2];
	[bflag:$0x3] =	sbarrier.arrive $0xFFFF;
	s2 =	simm.s32 @!p0 $0x1C01  }
0x3b: {  	[timem:s3], [sflag:s2] =	dma.local @!p0 [hbm:s0], s1  }
0x3c: {  	s0 =	simm.s32 @!p0 $0x1  }
0x3d: {  	_ =	swait.ge @!p0 [sflag:s0], s1  }
0x3e: {  	s1 =	ssub.s32 @!p0 $0x0, s1;
	[sflag:s0] =	ssyncset.done @!p0 $0x0  }
0x3f: {  	[sflag:s0] =	ssyncadd.s32 @!p0 s1  }
0x40: {  	[bflag:$0x3] =	sbarrier.arrive $0xFFFF  }
0x41: {  	_ =	shalt  }

</sc_bundles>
